<compile_context>
chip_gen: v7x
topology: tpu7x:2x2x1
jax: 0.10.2.dev20260603
libtpu: 0.0.44.dev20260713+nightly
codegen_flags: <defaults>
</compile_context>

<pallas_src>
import functools

import jax
import jax.numpy as jnp
from jax import lax
from jax.experimental import pallas as pl
from jax.experimental.pallas import tpu as pltpu
from jax.experimental.pallas import tpu_sc as plsc

DIM = 64
K_CONST = 0.1
GAMMA = 1.0

_NUM_BLOCKS = 32
_NC = 2
_NS = 16
_NW = _NC * _NS


def _sc_gather(emb2, idx):
    n = idx.shape[0]
    d2 = 2 * DIM
    b_per_w = n // _NW
    w = 208
    nwin = b_per_w // w
    mesh = plsc.VectorSubcoreMesh(core_axis_name="c", subcore_axis_name="s")

    @functools.partial(
        pl.kernel,
        out_type=jax.ShapeDtypeStruct((n, d2), jnp.float32),
        mesh=mesh,
        scratch_types=[
            pltpu.VMEM((w,), jnp.int32),
            pltpu.VMEM((w,), jnp.int32),
            pltpu.VMEM((w, d2), jnp.float32),
            pltpu.VMEM((w, d2), jnp.float32),
            pltpu.SemaphoreType.DMA,
            pltpu.SemaphoreType.DMA,
            pltpu.SemaphoreType.DMA,
            pltpu.SemaphoreType.DMA,
        ],
    )
    def gather_kernel(
        emb_hbm, idx_hbm, out_hbm, idx_v0, idx_v1, rows_v0, rows_v1,
        gsem0, gsem1, wsem0, wsem1,
    ):
        idx_v = (idx_v0, idx_v1)
        rows_v = (rows_v0, rows_v1)
        gsem = (gsem0, gsem1)
        wsem = (wsem0, wsem1)
        wid = lax.axis_index("s") * _NC + lax.axis_index("c")
        base = wid * b_per_w

        gathers = [None, None]
        writes = [None, None]
        pltpu.sync_copy(idx_hbm.at[pl.ds(base, w)], idx_v[0])
        gathers[0] = pltpu.async_copy(emb_hbm.at[idx_v[0]], rows_v[0], gsem[0])
        pltpu.sync_copy(idx_hbm.at[pl.ds(base + w, w)], idx_v[1])
        gathers[1] = pltpu.async_copy(emb_hbm.at[idx_v[1]], rows_v[1], gsem[1])
        for k in range(nwin):
            b = k % 2
            gathers[b].wait()
            writes[b] = pltpu.async_copy(
                rows_v[b], out_hbm.at[pl.ds(base + k * w, w)], wsem[b]
            )
            if k + 2 < nwin:
                pltpu.sync_copy(
                    idx_hbm.at[pl.ds(base + (k + 2) * w, w)], idx_v[b]
                )
                writes[b].wait()
                gathers[b] = pltpu.async_copy(
                    emb_hbm.at[idx_v[b]], rows_v[b], gsem[b]
                )
            else:
                writes[b].wait()

    return gather_kernel(emb2, idx)


def _asin(v):
    a = jnp.abs(v)
    big = a > 0.5
    z_big = 0.5 * (1.0 - a)
    z = jnp.where(big, z_big, a * a)
    x = jnp.where(big, jnp.sqrt(z_big), a)
    p = (
        (((4.2163199048e-2 * z + 2.4181311049e-2) * z + 4.5470025998e-2) * z
         + 7.4953002686e-2) * z + 1.6666752422e-1
    )
    r = x + x * z * p
    r = jnp.where(big, jnp.float32(jnp.pi / 2) - 2.0 * r, r)
    return jnp.sign(v) * r


def _acos(v):
    return jnp.float32(jnp.pi / 2) - _asin(v)


_PSI_CONST = 1.5260715


def _ksi(x2, y2, xy, d2):
    x_norm = jnp.sqrt(x2)
    diff_norm = jnp.sqrt(d2)
    numer = xy * (1.0 + x2) - x2 * (1.0 + y2)
    sqrt_arg = 1.0 + x2 * y2 - 2.0 * xy
    denom = jnp.maximum(x_norm * diff_norm * jnp.sqrt(sqrt_arg), 1e-5)
    return _acos(jnp.clip(numer / denom, -0.999, 0.999))


def _make_loss_kernel(bb, nneg):
    dn_dims = (((1,), (1,)), ((), ()))

    def loss_kernel(g_ref, par_ref, out_ref):
        i = pl.program_id(0)
        par = par_ref[0, 0, :]
        g = g_ref[...]
        sel = jnp.where(par[:, None] != 0, g[:, DIM:], g[:, :DIM])

        ones = jnp.ones((1, DIM), jnp.float32)

        sums2 = jax.lax.dot_general(
            ones, sel * sel, dn_dims, preferred_element_type=jnp.float32
        )
        w2 = sums2[:, 0:bb]
        e2 = sums2[:, bb : 2 * bb]
        n2 = sums2[:, 2 * bb :]

        w = sel[0:bb, :]
        e = sel[bb : 2 * bb, :]
        nmat = sel[2 * bb :, :]

        dot_p = jax.lax.dot_general(
            ones, w * e, dn_dims, preferred_element_type=jnp.float32
        )
        d2_p = w2 + e2 - 2.0 * dot_p
        e_pos = jnp.clip(_ksi(w2, e2, dot_p, d2_p) - _PSI_CONST, 0.0, None)

        nprod = (nmat.reshape(nneg, bb, DIM) * e[None]).reshape(nneg * bb, DIM)
        dot_n = jax.lax.dot_general(
            ones, nprod, dn_dims, preferred_element_type=jnp.float32
        )
        e2_rep = jnp.concatenate([e2] * nneg, axis=1)
        d2_n = e2_rep + n2 - 2.0 * dot_n
        pe_n = jnp.clip(_ksi(e2_rep, n2, dot_n, d2_n) - _PSI_CONST, 0.0, None)
        e_neg = jnp.clip(GAMMA - pe_n, 0.0, None)

        s = (jnp.sum(e_pos) + jnp.sum(e_neg)).reshape(1, 1)

        @pl.when(i == 0)
        def _():
            out_ref[...] = jnp.zeros_like(out_ref)

        out_ref[...] += s

    return loss_kernel


def kernel(word, expl, negative, emb):
    B = word.shape[0]
    N = negative.shape[1]
    nb = _NUM_BLOCKS
    bb = B // nb
    chunk_rows = bb * (2 + N)

    idx = jnp.concatenate(
        [
            word.reshape(nb, bb),
            expl.reshape(nb, bb),
            negative.reshape(nb, bb, N).transpose(0, 2, 1).reshape(nb, bb * N),
        ],
        axis=1,
    ).reshape(-1)
    idx = idx.astype(jnp.int32)
    parity = (idx & 1).reshape(nb, 1, chunk_rows)

    vocab = emb.shape[0]
    emb2 = emb.reshape(vocab // 2, 2 * DIM)

    nch = 4
    nb_c = nb // nch
    idx_c = (idx >> 1).reshape(nch, nb_c * chunk_rows)
    par_c = parity.reshape(nch, nb_c, 1, chunk_rows)

    loss_call = pl.pallas_call(
        _make_loss_kernel(bb, N),
        grid=(nb_c,),
        in_specs=[
            pl.BlockSpec((chunk_rows, 2 * DIM), lambda i: (i, 0)),
            pl.BlockSpec((1, 1, chunk_rows), lambda i: (i, 0, 0)),
        ],
        out_specs=pl.BlockSpec((1, 1), lambda i: (0, 0)),
        out_shape=jax.ShapeDtypeStruct((1, 1), jnp.float32),
    )

    gathered = [_sc_gather(emb2, idx_c[c]) for c in range(nch)]
    total = sum(loss_call(gathered[c], par_c[c])[0, 0] for c in range(nch))

    return total / (B * (N + 1))

# --- scband reference (transcript-rebuilt; emitter-appended) ---
"""Pipeline reference for scband-entailment-cones-embeddings-88630945120592 (READ-ONLY COPY).

The authoritative reference and input builder live on the scoring server;
editing this copy changes nothing except your own understanding.
"""

import jax, jax.numpy as jnp
import numpy as np

VOCAB = 100000
DIM = 64
K_CONST = 0.1
GAMMA = 1.0


def setup_inputs(seed: int = 0) -> dict:
    key = jax.random.key(seed)
    k1, k2, k3, k4 = jax.random.split(key, 4)
    word = jax.random.randint(k1, (4096,), 0, VOCAB)
    expl = jax.random.randint(k2, (4096,), 0, VOCAB)
    negative = jax.random.randint(k3, (4096, 50), 0, VOCAB)
    # Poincare-ball embeddings are initialized inside the ball with small norm
    emb = jax.random.uniform(k4, (VOCAB, DIM), minval=-1e-3, maxval=1e-3, dtype=jnp.float32)
    return {"word": word, "expl": expl, "negative": negative, "emb": emb}


def _p_psi(x):
    x_norm = jnp.clip(jnp.linalg.norm(x, axis=-1), 1e-5, None)
    arg = K_CONST * (1.0 - x_norm ** 2) / x_norm
    return jnp.arcsin(jnp.clip(arg, -0.999, 0.999))


def _p_ksi(x, y):
    x_norm = jnp.linalg.norm(x, axis=-1)
    y_norm = jnp.linalg.norm(y, axis=-1)
    x_norm2 = x_norm ** 2
    y_norm2 = y_norm ** 2
    diff_norm = jnp.linalg.norm(x - y, axis=-1)
    xy_dot = jnp.sum(x * y, axis=-1)
    numer = xy_dot * (1.0 + x_norm2) - x_norm2 * (1.0 + y_norm2)
    sqrt_arg = 1.0 + x_norm2 * y_norm2 - 2.0 * xy_dot
    denom = jnp.clip(x_norm * diff_norm * jnp.sqrt(sqrt_arg), 1e-5, None)
    arg = numer / denom
    return jnp.arccos(jnp.clip(arg, -0.999, 0.999))


def _p_e(u, v):
    k = _p_ksi(u, v)
    p = _p_psi(u)
    return jnp.clip(k - p, 0.0, None)


def reference(word, expl, negative, emb):
    word_emb = jnp.take(emb, word, axis=0)            # [B, D]
    expl_emb = jnp.take(emb, expl, axis=0)            # [B, D]
    negative_emb = jnp.take(emb, negative, axis=0)    # [B, N, D]
    expl_negative_emb = jnp.broadcast_to(expl_emb[:, None, :], negative_emb.shape)
    e_pos = _p_e(word_emb, expl_emb)[:, None]                       # [B, 1]
    e_neg = jnp.clip(GAMMA - _p_e(expl_negative_emb, negative_emb), 0.0, None)  # [B, N]
    loss = jnp.concatenate((e_pos, e_neg), axis=-1).mean()
    return loss

if __name__ == "__main__":
    import jax
    _d = setup_inputs()
    print(jax.jit(kernel)(*tuple(_d.values())))

</pallas_src>

<mosaic_0001>
#map = affine_map<(d0, d1) -> (0, 0)>
#map1 = affine_map<(d0, d1) -> (0)>
module attributes {stable_mosaic.version = 14 : i64} {
  func.func @gather_kernel(%arg0: i32, %arg1: i32, %arg2: memref<50000x128xf32, #tpu.memory_space<hbm>>, %arg3: memref<53248xi32, #tpu.memory_space<hbm>>, %arg4: memref<53248x128xf32, #tpu.memory_space<hbm>>, %arg5: memref<208xi32, #tpu.memory_space<vmem>>, %arg6: memref<208xi32, #tpu.memory_space<vmem>>, %arg7: memref<208x128xf32, #tpu.memory_space<vmem>>, %arg8: memref<208x128xf32, #tpu.memory_space<vmem>>, %arg9: memref<!tpu.dma_semaphore, #tpu.memory_space<semaphore_mem>>, %arg10: memref<!tpu.dma_semaphore, #tpu.memory_space<semaphore_mem>>, %arg11: memref<!tpu.dma_semaphore, #tpu.memory_space<semaphore_mem>>, %arg12: memref<!tpu.dma_semaphore, #tpu.memory_space<semaphore_mem>>) attributes {dimension_semantics = [#tpu.dimension_semantics<core_parallel>, #tpu.dimension_semantics<subcore_parallel>], iteration_bounds = array<i64: 2, 16>, scalar_prefetch = 0 : i64, scratch_operands = 8 : i64, tpu.core_type = #tpu.core_type<sc_vector_subcore>, window_params = [{transform_indices = #map}, {transform_indices = #map1}, {transform_indices = #map}]} {
    %mul3A = arith.constant 2 : i32
    %mul3A_0 = arith.muli %arg1, %mul3A : i32
    %add3A = arith.addi %mul3A_0, %arg0 : i32
    %mul3A_1 = arith.constant 1664 : i32
    %mul3A_2 = arith.muli %add3A, %mul3A_1 : i32
    "tpu.region"() ({
      %run_scoped3A = tpu.sem_alloc : memref<!tpu.dma_semaphore, #tpu.memory_space<semaphore_mem>>
      %dma_start3A_143 = tpu.memref_slice %arg3[%mul3A_2] : memref<53248xi32, #tpu.memory_space<hbm>> -> memref<208xi32, #tpu.memory_space<hbm>>
      %dma_start3A_144 = tpu.memref_slice %arg3[%mul3A_2] : memref<53248xi32, #tpu.memory_space<hbm>> -> memref<208xi32, #tpu.memory_space<hbm>>
      tpu.enqueue_dma source(%dma_start3A_144 : memref<208xi32, #tpu.memory_space<hbm>>) target(%arg5 : memref<208xi32, #tpu.memory_space<vmem>>) target_semaphore(%run_scoped3A : memref<!tpu.dma_semaphore, #tpu.memory_space<semaphore_mem>>)
      %dma_wait3A_145 = tpu.memref_slice %arg3[%mul3A_2] : memref<53248xi32, #tpu.memory_space<hbm>> -> memref<208xi32, #tpu.memory_space<hbm>>
      %dma_wait3A_146 = tpu.memref_slice %arg3[%mul3A_2] : memref<53248xi32, #tpu.memory_space<hbm>> -> memref<208xi32, #tpu.memory_space<hbm>>
      tpu.wait_dma2 semaphore(%run_scoped3A : memref<!tpu.dma_semaphore, #tpu.memory_space<semaphore_mem>>) src(%dma_wait3A_146 : memref<208xi32, #tpu.memory_space<hbm>>) dst(%arg5 : memref<208xi32, #tpu.memory_space<vmem>>)
      tpu.yield
    }) : () -> ()
    %dma_start3A = arith.constant 0 : i32
    %dma_start3A_3 = arith.constant 0 : i32
    %dma_start3A_4 = tpu.memref_slice %arg2[%dma_start3A, %dma_start3A_3] : memref<50000x128xf32, #tpu.memory_space<hbm>> -> memref<50000x128xf32, #tpu.memory_space<hbm>>
    tpu.enqueue_indirect_dma source(%dma_start3A_4 : memref<50000x128xf32, #tpu.memory_space<hbm>>) target(%arg7 : memref<208x128xf32, #tpu.memory_space<vmem>>) offsets(%arg5 : memref<208xi32, #tpu.memory_space<vmem>>) semaphore(%arg9 : memref<!tpu.dma_semaphore, #tpu.memory_space<semaphore_mem>>)
    %add3A_5 = arith.constant 208 : i32
    %add3A_6 = arith.addi %mul3A_2, %add3A_5 : i32
    "tpu.region"() ({
      %run_scoped3A = tpu.sem_alloc : memref<!tpu.dma_semaphore, #tpu.memory_space<semaphore_mem>>
      %dma_start3A_143 = tpu.memref_slice %arg3[%add3A_6] : memref<53248xi32, #tpu.memory_space<hbm>> -> memref<208xi32, #tpu.memory_space<hbm>>
      %dma_start3A_144 = tpu.memref_slice %arg3[%add3A_6] : memref<53248xi32, #tpu.memory_space<hbm>> -> memref<208xi32, #tpu.memory_space<hbm>>
      tpu.enqueue_dma source(%dma_start3A_144 : memref<208xi32, #tpu.memory_space<hbm>>) target(%arg6 : memref<208xi32, #tpu.memory_space<vmem>>) target_semaphore(%run_scoped3A : memref<!tpu.dma_semaphore, #tpu.memory_space<semaphore_mem>>)
      %dma_wait3A_145 = tpu.memref_slice %arg3[%add3A_6] : memref<53248xi32, #tpu.memory_space<hbm>> -> memref<208xi32, #tpu.memory_space<hbm>>
      %dma_wait3A_146 = tpu.memref_slice %arg3[%add3A_6] : memref<53248xi32, #tpu.memory_space<hbm>> -> memref<208xi32, #tpu.memory_space<hbm>>
      tpu.wait_dma2 semaphore(%run_scoped3A : memref<!tpu.dma_semaphore, #tpu.memory_space<semaphore_mem>>) src(%dma_wait3A_146 : memref<208xi32, #tpu.memory_space<hbm>>) dst(%arg6 : memref<208xi32, #tpu.memory_space<vmem>>)
      tpu.yield
    }) : () -> ()
    %dma_start3A_7 = arith.constant 0 : i32
    %dma_start3A_8 = arith.constant 0 : i32
    %dma_start3A_9 = tpu.memref_slice %arg2[%dma_start3A_7, %dma_start3A_8] : memref<50000x128xf32, #tpu.memory_space<hbm>> -> memref<50000x128xf32, #tpu.memory_space<hbm>>
    tpu.enqueue_indirect_dma source(%dma_start3A_9 : memref<50000x128xf32, #tpu.memory_space<hbm>>) target(%arg8 : memref<208x128xf32, #tpu.memory_space<vmem>>) offsets(%arg6 : memref<208xi32, #tpu.memory_space<vmem>>) semaphore(%arg10 : memref<!tpu.dma_semaphore, #tpu.memory_space<semaphore_mem>>)
    %dma_wait3A = arith.constant 0 : i32
    %dma_wait3A_10 = arith.constant 0 : i32
    %dma_wait3A_11 = tpu.memref_slice %arg2[%dma_wait3A, %dma_wait3A_10] : memref<50000x128xf32, #tpu.memory_space<hbm>> -> memref<50000x128xf32, #tpu.memory_space<hbm>>
    tpu.wait_indirect_dma semaphore(%arg9 : memref<!tpu.dma_semaphore, #tpu.memory_space<semaphore_mem>>) src(%dma_wait3A_11 : memref<50000x128xf32, #tpu.memory_space<hbm>>) dst(%arg7 : memref<208x128xf32, #tpu.memory_space<vmem>>)
    %add3A_12 = arith.constant 0 : i32
    %add3A_13 = arith.addi %mul3A_2, %add3A_12 : i32
    %dma_start3A_14 = arith.constant 0 : i32
    %dma_start3A_15 = tpu.memref_slice %arg4[%add3A_13, %dma_start3A_14] : memref<53248x128xf32, #tpu.memory_space<hbm>> -> memref<208x128xf32, #tpu.memory_space<hbm>>
    %dma_start3A_16 = arith.constant 0 : i32
    %dma_start3A_17 = tpu.memref_slice %arg4[%add3A_13, %dma_start3A_16] : memref<53248x128xf32, #tpu.memory_space<hbm>> -> memref<208x128xf32, #tpu.memory_space<hbm>>
    tpu.enqueue_dma source(%arg7 : memref<208x128xf32, #tpu.memory_space<vmem>>) target(%dma_start3A_17 : memref<208x128xf32, #tpu.memory_space<hbm>>) target_semaphore(%arg11 : memref<!tpu.dma_semaphore, #tpu.memory_space<semaphore_mem>>)
    %add3A_18 = arith.constant 416 : i32
    %add3A_19 = arith.addi %mul3A_2, %add3A_18 : i32
    "tpu.region"() ({
      %run_scoped3A = tpu.sem_alloc : memref<!tpu.dma_semaphore, #tpu.memory_space<semaphore_mem>>
      %dma_start3A_143 = tpu.memref_slice %arg3[%add3A_19] : memref<53248xi32, #tpu.memory_space<hbm>> -> memref<208xi32, #tpu.memory_space<hbm>>
      %dma_start3A_144 = tpu.memref_slice %arg3[%add3A_19] : memref<53248xi32, #tpu.memory_space<hbm>> -> memref<208xi32, #tpu.memory_space<hbm>>
      tpu.enqueue_dma source(%dma_start3A_144 : memref<208xi32, #tpu.memory_space<hbm>>) target(%arg5 : memref<208xi32, #tpu.memory_space<vmem>>) target_semaphore(%run_scoped3A : memref<!tpu.dma_semaphore, #tpu.memory_space<semaphore_mem>>)
      %dma_wait3A_145 = tpu.memref_slice %arg3[%add3A_19] : memref<53248xi32, #tpu.memory_space<hbm>> -> memref<208xi32, #tpu.memory_space<hbm>>
      %dma_wait3A_146 = tpu.memref_slice %arg3[%add3A_19] : memref<53248xi32, #tpu.memory_space<hbm>> -> memref<208xi32, #tpu.memory_space<hbm>>
      tpu.wait_dma2 semaphore(%run_scoped3A : memref<!tpu.dma_semaphore, #tpu.memory_space<semaphore_mem>>) src(%dma_wait3A_146 : memref<208xi32, #tpu.memory_space<hbm>>) dst(%arg5 : memref<208xi32, #tpu.memory_space<vmem>>)
      tpu.yield
    }) : () -> ()
    %dma_wait3A_20 = arith.constant 0 : i32
    %dma_wait3A_21 = tpu.memref_slice %arg4[%add3A_13, %dma_wait3A_20] : memref<53248x128xf32, #tpu.memory_space<hbm>> -> memref<208x128xf32, #tpu.memory_space<hbm>>
    %dma_wait3A_22 = arith.constant 0 : i32
    %dma_wait3A_23 = tpu.memref_slice %arg4[%add3A_13, %dma_wait3A_22] : memref<53248x128xf32, #tpu.memory_space<hbm>> -> memref<208x128xf32, #tpu.memory_space<hbm>>
    tpu.wait_dma2 semaphore(%arg11 : memref<!tpu.dma_semaphore, #tpu.memory_space<semaphore_mem>>) src(%arg7 : memref<208x128xf32, #tpu.memory_space<vmem>>) dst(%dma_wait3A_23 : memref<208x128xf32, #tpu.memory_space<hbm>>)
    %dma_start3A_24 = arith.constant 0 : i32
    %dma_start3A_25 = arith.constant 0 : i32
    %dma_start3A_26 = tpu.memref_slice %arg2[%dma_start3A_24, %dma_start3A_25] : memref<50000x128xf32, #tpu.memory_space<hbm>> -> memref<50000x128xf32, #tpu.memory_space<hbm>>
    tpu.enqueue_indirect_dma source(%dma_start3A_26 : memref<50000x128xf32, #tpu.memory_space<hbm>>) target(%arg7 : memref<208x128xf32, #tpu.memory_space<vmem>>) offsets(%arg5 : memref<208xi32, #tpu.memory_space<vmem>>) semaphore(%arg9 : memref<!tpu.dma_semaphore, #tpu.memory_space<semaphore_mem>>)
    %dma_wait3A_27 = arith.constant 0 : i32
    %dma_wait3A_28 = arith.constant 0 : i32
    %dma_wait3A_29 = tpu.memref_slice %arg2[%dma_wait3A_27, %dma_wait3A_28] : memref<50000x128xf32, #tpu.memory_space<hbm>> -> memref<50000x128xf32, #tpu.memory_space<hbm>>
    tpu.wait_indirect_dma semaphore(%arg10 : memref<!tpu.dma_semaphore, #tpu.memory_space<semaphore_mem>>) src(%dma_wait3A_29 : memref<50000x128xf32, #tpu.memory_space<hbm>>) dst(%arg8 : memref<208x128xf32, #tpu.memory_space<vmem>>)
    %add3A_30 = arith.constant 208 : i32
    %add3A_31 = arith.addi %mul3A_2, %add3A_30 : i32
    %dma_start3A_32 = arith.constant 0 : i32
    %dma_start3A_33 = tpu.memref_slice %arg4[%add3A_31, %dma_start3A_32] : memref<53248x128xf32, #tpu.memory_space<hbm>> -> memref<208x128xf32, #tpu.memory_space<hbm>>
    %dma_start3A_34 = arith.constant 0 : i32
    %dma_start3A_35 = tpu.memref_slice %arg4[%add3A_31, %dma_start3A_34] : memref<53248x128xf32, #tpu.memory_space<hbm>> -> memref<208x128xf32, #tpu.memory_space<hbm>>
    tpu.enqueue_dma source(%arg8 : memref<208x128xf32, #tpu.memory_space<vmem>>) target(%dma_start3A_35 : memref<208x128xf32, #tpu.memory_space<hbm>>) target_semaphore(%arg12 : memref<!tpu.dma_semaphore, #tpu.memory_space<semaphore_mem>>)
    %add3A_36 = arith.constant 624 : i32
    %add3A_37 = arith.addi %mul3A_2, %add3A_36 : i32
    "tpu.region"() ({
      %run_scoped3A = tpu.sem_alloc : memref<!tpu.dma_semaphore, #tpu.memory_space<semaphore_mem>>
      %dma_start3A_143 = tpu.memref_slice %arg3[%add3A_37] : memref<53248xi32, #tpu.memory_space<hbm>> -> memref<208xi32, #tpu.memory_space<hbm>>
      %dma_start3A_144 = tpu.memref_slice %arg3[%add3A_37] : memref<53248xi32, #tpu.memory_space<hbm>> -> memref<208xi32, #tpu.memory_space<hbm>>
      tpu.enqueue_dma source(%dma_start3A_144 : memref<208xi32, #tpu.memory_space<hbm>>) target(%arg6 : memref<208xi32, #tpu.memory_space<vmem>>) target_semaphore(%run_scoped3A : memref<!tpu.dma_semaphore, #tpu.memory_space<semaphore_mem>>)
      %dma_wait3A_145 = tpu.memref_slice %arg3[%add3A_37] : memref<53248xi32, #tpu.memory_space<hbm>> -> memref<208xi32, #tpu.memory_space<hbm>>
      %dma_wait3A_146 = tpu.memref_slice %arg3[%add3A_37] : memref<53248xi32, #tpu.memory_space<hbm>> -> memref<208xi32, #tpu.memory_space<hbm>>
      tpu.wait_dma2 semaphore(%run_scoped3A : memref<!tpu.dma_semaphore, #tpu.memory_space<semaphore_mem>>) src(%dma_wait3A_146 : memref<208xi32, #tpu.memory_space<hbm>>) dst(%arg6 : memref<208xi32, #tpu.memory_space<vmem>>)
      tpu.yield
    }) : () -> ()
    %dma_wait3A_38 = arith.constant 0 : i32
    %dma_wait3A_39 = tpu.memref_slice %arg4[%add3A_31, %dma_wait3A_38] : memref<53248x128xf32, #tpu.memory_space<hbm>> -> memref<208x128xf32, #tpu.memory_space<hbm>>
    %dma_wait3A_40 = arith.constant 0 : i32
    %dma_wait3A_41 = tpu.memref_slice %arg4[%add3A_31, %dma_wait3A_40] : memref<53248x128xf32, #tpu.memory_space<hbm>> -> memref<208x128xf32, #tpu.memory_space<hbm>>
    tpu.wait_dma2 semaphore(%arg12 : memref<!tpu.dma_semaphore, #tpu.memory_space<semaphore_mem>>) src(%arg8 : memref<208x128xf32, #tpu.memory_space<vmem>>) dst(%dma_wait3A_41 : memref<208x128xf32, #tpu.memory_space<hbm>>)
    %dma_start3A_42 = arith.constant 0 : i32
    %dma_start3A_43 = arith.constant 0 : i32
    %dma_start3A_44 = tpu.memref_slice %arg2[%dma_start3A_42, %dma_start3A_43] : memref<50000x128xf32, #tpu.memory_space<hbm>> -> memref<50000x128xf32, #tpu.memory_space<hbm>>
    tpu.enqueue_indirect_dma source(%dma_start3A_44 : memref<50000x128xf32, #tpu.memory_space<hbm>>) target(%arg8 : memref<208x128xf32, #tpu.memory_space<vmem>>) offsets(%arg6 : memref<208xi32, #tpu.memory_space<vmem>>) semaphore(%arg10 : memref<!tpu.dma_semaphore, #tpu.memory_space<semaphore_mem>>)
    %dma_wait3A_45 = arith.constant 0 : i32
    %dma_wait3A_46 = arith.constant 0 : i32
    %dma_wait3A_47 = tpu.memref_slice %arg2[%dma_wait3A_45, %dma_wait3A_46] : memref<50000x128xf32, #tpu.memory_space<hbm>> -> memref<50000x128xf32, #tpu.memory_space<hbm>>
    tpu.wait_indirect_dma semaphore(%arg9 : memref<!tpu.dma_semaphore, #tpu.memory_space<semaphore_mem>>) src(%dma_wait3A_47 : memref<50000x128xf32, #tpu.memory_space<hbm>>) dst(%arg7 : memref<208x128xf32, #tpu.memory_space<vmem>>)
    %add3A_48 = arith.constant 416 : i32
    %add3A_49 = arith.addi %mul3A_2, %add3A_48 : i32
    %dma_start3A_50 = arith.constant 0 : i32
    %dma_start3A_51 = tpu.memref_slice %arg4[%add3A_49, %dma_start3A_50] : memref<53248x128xf32, #tpu.memory_space<hbm>> -> memref<208x128xf32, #tpu.memory_space<hbm>>
    %dma_start3A_52 = arith.constant 0 : i32
    %dma_start3A_53 = tpu.memref_slice %arg4[%add3A_49, %dma_start3A_52] : memref<53248x128xf32, #tpu.memory_space<hbm>> -> memref<208x128xf32, #tpu.memory_space<hbm>>
    tpu.enqueue_dma source(%arg7 : memref<208x128xf32, #tpu.memory_space<vmem>>) target(%dma_start3A_53 : memref<208x128xf32, #tpu.memory_space<hbm>>) target_semaphore(%arg11 : memref<!tpu.dma_semaphore, #tpu.memory_space<semaphore_mem>>)
    %add3A_54 = arith.constant 832 : i32
    %add3A_55 = arith.addi %mul3A_2, %add3A_54 : i32
    "tpu.region"() ({
      %run_scoped3A = tpu.sem_alloc : memref<!tpu.dma_semaphore, #tpu.memory_space<semaphore_mem>>
      %dma_start3A_143 = tpu.memref_slice %arg3[%add3A_55] : memref<53248xi32, #tpu.memory_space<hbm>> -> memref<208xi32, #tpu.memory_space<hbm>>
      %dma_start3A_144 = tpu.memref_slice %arg3[%add3A_55] : memref<53248xi32, #tpu.memory_space<hbm>> -> memref<208xi32, #tpu.memory_space<hbm>>
      tpu.enqueue_dma source(%dma_start3A_144 : memref<208xi32, #tpu.memory_space<hbm>>) target(%arg5 : memref<208xi32, #tpu.memory_space<vmem>>) target_semaphore(%run_scoped3A : memref<!tpu.dma_semaphore, #tpu.memory_space<semaphore_mem>>)
      %dma_wait3A_145 = tpu.memref_slice %arg3[%add3A_55] : memref<53248xi32, #tpu.memory_space<hbm>> -> memref<208xi32, #tpu.memory_space<hbm>>
      %dma_wait3A_146 = tpu.memref_slice %arg3[%add3A_55] : memref<53248xi32, #tpu.memory_space<hbm>> -> memref<208xi32, #tpu.memory_space<hbm>>
      tpu.wait_dma2 semaphore(%run_scoped3A : memref<!tpu.dma_semaphore, #tpu.memory_space<semaphore_mem>>) src(%dma_wait3A_146 : memref<208xi32, #tpu.memory_space<hbm>>) dst(%arg5 : memref<208xi32, #tpu.memory_space<vmem>>)
      tpu.yield
    }) : () -> ()
    %dma_wait3A_56 = arith.constant 0 : i32
    %dma_wait3A_57 = tpu.memref_slice %arg4[%add3A_49, %dma_wait3A_56] : memref<53248x128xf32, #tpu.memory_space<hbm>> -> memref<208x128xf32, #tpu.memory_space<hbm>>
    %dma_wait3A_58 = arith.constant 0 : i32
    %dma_wait3A_59 = tpu.memref_slice %arg4[%add3A_49, %dma_wait3A_58] : memref<53248x128xf32, #tpu.memory_space<hbm>> -> memref<208x128xf32, #tpu.memory_space<hbm>>
    tpu.wait_dma2 semaphore(%arg11 : memref<!tpu.dma_semaphore, #tpu.memory_space<semaphore_mem>>) src(%arg7 : memref<208x128xf32, #tpu.memory_space<vmem>>) dst(%dma_wait3A_59 : memref<208x128xf32, #tpu.memory_space<hbm>>)
    %dma_start3A_60 = arith.constant 0 : i32
    %dma_start3A_61 = arith.constant 0 : i32
    %dma_start3A_62 = tpu.memref_slice %arg2[%dma_start3A_60, %dma_start3A_61] : memref<50000x128xf32, #tpu.memory_space<hbm>> -> memref<50000x128xf32, #tpu.memory_space<hbm>>
    tpu.enqueue_indirect_dma source(%dma_start3A_62 : memref<50000x128xf32, #tpu.memory_space<hbm>>) target(%arg7 : memref<208x128xf32, #tpu.memory_space<vmem>>) offsets(%arg5 : memref<208xi32, #tpu.memory_space<vmem>>) semaphore(%arg9 : memref<!tpu.dma_semaphore, #tpu.memory_space<semaphore_mem>>)
    %dma_wait3A_63 = arith.constant 0 : i32
    %dma_wait3A_64 = arith.constant 0 : i32
    %dma_wait3A_65 = tpu.memref_slice %arg2[%dma_wait3A_63, %dma_wait3A_64] : memref<50000x128xf32, #tpu.memory_space<hbm>> -> memref<50000x128xf32, #tpu.memory_space<hbm>>
    tpu.wait_indirect_dma semaphore(%arg10 : memref<!tpu.dma_semaphore, #tpu.memory_space<semaphore_mem>>) src(%dma_wait3A_65 : memref<50000x128xf32, #tpu.memory_space<hbm>>) dst(%arg8 : memref<208x128xf32, #tpu.memory_space<vmem>>)
    %add3A_66 = arith.constant 624 : i32
    %add3A_67 = arith.addi %mul3A_2, %add3A_66 : i32
    %dma_start3A_68 = arith.constant 0 : i32
    %dma_start3A_69 = tpu.memref_slice %arg4[%add3A_67, %dma_start3A_68] : memref<53248x128xf32, #tpu.memory_space<hbm>> -> memref<208x128xf32, #tpu.memory_space<hbm>>
    %dma_start3A_70 = arith.constant 0 : i32
    %dma_start3A_71 = tpu.memref_slice %arg4[%add3A_67, %dma_start3A_70] : memref<53248x128xf32, #tpu.memory_space<hbm>> -> memref<208x128xf32, #tpu.memory_space<hbm>>
    tpu.enqueue_dma source(%arg8 : memref<208x128xf32, #tpu.memory_space<vmem>>) target(%dma_start3A_71 : memref<208x128xf32, #tpu.memory_space<hbm>>) target_semaphore(%arg12 : memref<!tpu.dma_semaphore, #tpu.memory_space<semaphore_mem>>)
    %add3A_72 = arith.constant 1040 : i32
    %add3A_73 = arith.addi %mul3A_2, %add3A_72 : i32
    "tpu.region"() ({
      %run_scoped3A = tpu.sem_alloc : memref<!tpu.dma_semaphore, #tpu.memory_space<semaphore_mem>>
      %dma_start3A_143 = tpu.memref_slice %arg3[%add3A_73] : memref<53248xi32, #tpu.memory_space<hbm>> -> memref<208xi32, #tpu.memory_space<hbm>>
      %dma_start3A_144 = tpu.memref_slice %arg3[%add3A_73] : memref<53248xi32, #tpu.memory_space<hbm>> -> memref<208xi32, #tpu.memory_space<hbm>>
      tpu.enqueue_dma source(%dma_start3A_144 : memref<208xi32, #tpu.memory_space<hbm>>) target(%arg6 : memref<208xi32, #tpu.memory_space<vmem>>) target_semaphore(%run_scoped3A : memref<!tpu.dma_semaphore, #tpu.memory_space<semaphore_mem>>)
      %dma_wait3A_145 = tpu.memref_slice %arg3[%add3A_73] : memref<53248xi32, #tpu.memory_space<hbm>> -> memref<208xi32, #tpu.memory_space<hbm>>
      %dma_wait3A_146 = tpu.memref_slice %arg3[%add3A_73] : memref<53248xi32, #tpu.memory_space<hbm>> -> memref<208xi32, #tpu.memory_space<hbm>>
      tpu.wait_dma2 semaphore(%run_scoped3A : memref<!tpu.dma_semaphore, #tpu.memory_space<semaphore_mem>>) src(%dma_wait3A_146 : memref<208xi32, #tpu.memory_space<hbm>>) dst(%arg6 : memref<208xi32, #tpu.memory_space<vmem>>)
      tpu.yield
    }) : () -> ()
    %dma_wait3A_74 = arith.constant 0 : i32
    %dma_wait3A_75 = tpu.memref_slice %arg4[%add3A_67, %dma_wait3A_74] : memref<53248x128xf32, #tpu.memory_space<hbm>> -> memref<208x128xf32, #tpu.memory_space<hbm>>
    %dma_wait3A_76 = arith.constant 0 : i32
    %dma_wait3A_77 = tpu.memref_slice %arg4[%add3A_67, %dma_wait3A_76] : memref<53248x128xf32, #tpu.memory_space<hbm>> -> memref<208x128xf32, #tpu.memory_space<hbm>>
    tpu.wait_dma2 semaphore(%arg12 : memref<!tpu.dma_semaphore, #tpu.memory_space<semaphore_mem>>) src(%arg8 : memref<208x128xf32, #tpu.memory_space<vmem>>) dst(%dma_wait3A_77 : memref<208x128xf32, #tpu.memory_space<hbm>>)
    %dma_start3A_78 = arith.constant 0 : i32
    %dma_start3A_79 = arith.constant 0 : i32
    %dma_start3A_80 = tpu.memref_slice %arg2[%dma_start3A_78, %dma_start3A_79] : memref<50000x128xf32, #tpu.memory_space<hbm>> -> memref<50000x128xf32, #tpu.memory_space<hbm>>
    tpu.enqueue_indirect_dma source(%dma_start3A_80 : memref<50000x128xf32, #tpu.memory_space<hbm>>) target(%arg8 : memref<208x128xf32, #tpu.memory_space<vmem>>) offsets(%arg6 : memref<208xi32, #tpu.memory_space<vmem>>) semaphore(%arg10 : memref<!tpu.dma_semaphore, #tpu.memory_space<semaphore_mem>>)
    %dma_wait3A_81 = arith.constant 0 : i32
    %dma_wait3A_82 = arith.constant 0 : i32
    %dma_wait3A_83 = tpu.memref_slice %arg2[%dma_wait3A_81, %dma_wait3A_82] : memref<50000x128xf32, #tpu.memory_space<hbm>> -> memref<50000x128xf32, #tpu.memory_space<hbm>>
    tpu.wait_indirect_dma semaphore(%arg9 : memref<!tpu.dma_semaphore, #tpu.memory_space<semaphore_mem>>) src(%dma_wait3A_83 : memref<50000x128xf32, #tpu.memory_space<hbm>>) dst(%arg7 : memref<208x128xf32, #tpu.memory_space<vmem>>)
    %add3A_84 = arith.constant 832 : i32
    %add3A_85 = arith.addi %mul3A_2, %add3A_84 : i32
    %dma_start3A_86 = arith.constant 0 : i32
    %dma_start3A_87 = tpu.memref_slice %arg4[%add3A_85, %dma_start3A_86] : memref<53248x128xf32, #tpu.memory_space<hbm>> -> memref<208x128xf32, #tpu.memory_space<hbm>>
    %dma_start3A_88 = arith.constant 0 : i32
    %dma_start3A_89 = tpu.memref_slice %arg4[%add3A_85, %dma_start3A_88] : memref<53248x128xf32, #tpu.memory_space<hbm>> -> memref<208x128xf32, #tpu.memory_space<hbm>>
    tpu.enqueue_dma source(%arg7 : memref<208x128xf32, #tpu.memory_space<vmem>>) target(%dma_start3A_89 : memref<208x128xf32, #tpu.memory_space<hbm>>) target_semaphore(%arg11 : memref<!tpu.dma_semaphore, #tpu.memory_space<semaphore_mem>>)
    %add3A_90 = arith.constant 1248 : i32
    %add3A_91 = arith.addi %mul3A_2, %add3A_90 : i32
    "tpu.region"() ({
      %run_scoped3A = tpu.sem_alloc : memref<!tpu.dma_semaphore, #tpu.memory_space<semaphore_mem>>
      %dma_start3A_143 = tpu.memref_slice %arg3[%add3A_91] : memref<53248xi32, #tpu.memory_space<hbm>> -> memref<208xi32, #tpu.memory_space<hbm>>
      %dma_start3A_144 = tpu.memref_slice %arg3[%add3A_91] : memref<53248xi32, #tpu.memory_space<hbm>> -> memref<208xi32, #tpu.memory_space<hbm>>
      tpu.enqueue_dma source(%dma_start3A_144 : memref<208xi32, #tpu.memory_space<hbm>>) target(%arg5 : memref<208xi32, #tpu.memory_space<vmem>>) target_semaphore(%run_scoped3A : memref<!tpu.dma_semaphore, #tpu.memory_space<semaphore_mem>>)
      %dma_wait3A_145 = tpu.memref_slice %arg3[%add3A_91] : memref<53248xi32, #tpu.memory_space<hbm>> -> memref<208xi32, #tpu.memory_space<hbm>>
      %dma_wait3A_146 = tpu.memref_slice %arg3[%add3A_91] : memref<53248xi32, #tpu.memory_space<hbm>> -> memref<208xi32, #tpu.memory_space<hbm>>
      tpu.wait_dma2 semaphore(%run_scoped3A : memref<!tpu.dma_semaphore, #tpu.memory_space<semaphore_mem>>) src(%dma_wait3A_146 : memref<208xi32, #tpu.memory_space<hbm>>) dst(%arg5 : memref<208xi32, #tpu.memory_space<vmem>>)
      tpu.yield
    }) : () -> ()
    %dma_wait3A_92 = arith.constant 0 : i32
    %dma_wait3A_93 = tpu.memref_slice %arg4[%add3A_85, %dma_wait3A_92] : memref<53248x128xf32, #tpu.memory_space<hbm>> -> memref<208x128xf32, #tpu.memory_space<hbm>>
    %dma_wait3A_94 = arith.constant 0 : i32
    %dma_wait3A_95 = tpu.memref_slice %arg4[%add3A_85, %dma_wait3A_94] : memref<53248x128xf32, #tpu.memory_space<hbm>> -> memref<208x128xf32, #tpu.memory_space<hbm>>
    tpu.wait_dma2 semaphore(%arg11 : memref<!tpu.dma_semaphore, #tpu.memory_space<semaphore_mem>>) src(%arg7 : memref<208x128xf32, #tpu.memory_space<vmem>>) dst(%dma_wait3A_95 : memref<208x128xf32, #tpu.memory_space<hbm>>)
    %dma_start3A_96 = arith.constant 0 : i32
    %dma_start3A_97 = arith.constant 0 : i32
    %dma_start3A_98 = tpu.memref_slice %arg2[%dma_start3A_96, %dma_start3A_97] : memref<50000x128xf32, #tpu.memory_space<hbm>> -> memref<50000x128xf32, #tpu.memory_space<hbm>>
    tpu.enqueue_indirect_dma source(%dma_start3A_98 : memref<50000x128xf32, #tpu.memory_space<hbm>>) target(%arg7 : memref<208x128xf32, #tpu.memory_space<vmem>>) offsets(%arg5 : memref<208xi32, #tpu.memory_space<vmem>>) semaphore(%arg9 : memref<!tpu.dma_semaphore, #tpu.memory_space<semaphore_mem>>)
    %dma_wait3A_99 = arith.constant 0 : i32
    %dma_wait3A_100 = arith.constant 0 : i32
    %dma_wait3A_101 = tpu.memref_slice %arg2[%dma_wait3A_99, %dma_wait3A_100] : memref<50000x128xf32, #tpu.memory_space<hbm>> -> memref<50000x128xf32, #tpu.memory_space<hbm>>
    tpu.wait_indirect_dma semaphore(%arg10 : memref<!tpu.dma_semaphore, #tpu.memory_space<semaphore_mem>>) src(%dma_wait3A_101 : memref<50000x128xf32, #tpu.memory_space<hbm>>) dst(%arg8 : memref<208x128xf32, #tpu.memory_space<vmem>>)
    %add3A_102 = arith.constant 1040 : i32
    %add3A_103 = arith.addi %mul3A_2, %add3A_102 : i32
    %dma_start3A_104 = arith.constant 0 : i32
    %dma_start3A_105 = tpu.memref_slice %arg4[%add3A_103, %dma_start3A_104] : memref<53248x128xf32, #tpu.memory_space<hbm>> -> memref<208x128xf32, #tpu.memory_space<hbm>>
    %dma_start3A_106 = arith.constant 0 : i32
    %dma_start3A_107 = tpu.memref_slice %arg4[%add3A_103, %dma_start3A_106] : memref<53248x128xf32, #tpu.memory_space<hbm>> -> memref<208x128xf32, #tpu.memory_space<hbm>>
    tpu.enqueue_dma source(%arg8 : memref<208x128xf32, #tpu.memory_space<vmem>>) target(%dma_start3A_107 : memref<208x128xf32, #tpu.memory_space<hbm>>) target_semaphore(%arg12 : memref<!tpu.dma_semaphore, #tpu.memory_space<semaphore_mem>>)
    %add3A_108 = arith.constant 1456 : i32
    %add3A_109 = arith.addi %mul3A_2, %add3A_108 : i32
    "tpu.region"() ({
      %run_scoped3A = tpu.sem_alloc : memref<!tpu.dma_semaphore, #tpu.memory_space<semaphore_mem>>
      %dma_start3A_143 = tpu.memref_slice %arg3[%add3A_109] : memref<53248xi32, #tpu.memory_space<hbm>> -> memref<208xi32, #tpu.memory_space<hbm>>
      %dma_start3A_144 = tpu.memref_slice %arg3[%add3A_109] : memref<53248xi32, #tpu.memory_space<hbm>> -> memref<208xi32, #tpu.memory_space<hbm>>
      tpu.enqueue_dma source(%dma_start3A_144 : memref<208xi32, #tpu.memory_space<hbm>>) target(%arg6 : memref<208xi32, #tpu.memory_space<vmem>>) target_semaphore(%run_scoped3A : memref<!tpu.dma_semaphore, #tpu.memory_space<semaphore_mem>>)
      %dma_wait3A_145 = tpu.memref_slice %arg3[%add3A_109] : memref<53248xi32, #tpu.memory_space<hbm>> -> memref<208xi32, #tpu.memory_space<hbm>>
      %dma_wait3A_146 = tpu.memref_slice %arg3[%add3A_109] : memref<53248xi32, #tpu.memory_space<hbm>> -> memref<208xi32, #tpu.memory_space<hbm>>
      tpu.wait_dma2 semaphore(%run_scoped3A : memref<!tpu.dma_semaphore, #tpu.memory_space<semaphore_mem>>) src(%dma_wait3A_146 : memref<208xi32, #tpu.memory_space<hbm>>) dst(%arg6 : memref<208xi32, #tpu.memory_space<vmem>>)
      tpu.yield
    }) : () -> ()
    %dma_wait3A_110 = arith.constant 0 : i32
    %dma_wait3A_111 = tpu.memref_slice %arg4[%add3A_103, %dma_wait3A_110] : memref<53248x128xf32, #tpu.memory_space<hbm>> -> memref<208x128xf32, #tpu.memory_space<hbm>>
    %dma_wait3A_112 = arith.constant 0 : i32
    %dma_wait3A_113 = tpu.memref_slice %arg4[%add3A_103, %dma_wait3A_112] : memref<53248x128xf32, #tpu.memory_space<hbm>> -> memref<208x128xf32, #tpu.memory_space<hbm>>
    tpu.wait_dma2 semaphore(%arg12 : memref<!tpu.dma_semaphore, #tpu.memory_space<semaphore_mem>>) src(%arg8 : memref<208x128xf32, #tpu.memory_space<vmem>>) dst(%dma_wait3A_113 : memref<208x128xf32, #tpu.memory_space<hbm>>)
    %dma_start3A_114 = arith.constant 0 : i32
    %dma_start3A_115 = arith.constant 0 : i32
    %dma_start3A_116 = tpu.memref_slice %arg2[%dma_start3A_114, %dma_start3A_115] : memref<50000x128xf32, #tpu.memory_space<hbm>> -> memref<50000x128xf32, #tpu.memory_space<hbm>>
    tpu.enqueue_indirect_dma source(%dma_start3A_116 : memref<50000x128xf32, #tpu.memory_space<hbm>>) target(%arg8 : memref<208x128xf32, #tpu.memory_space<vmem>>) offsets(%arg6 : memref<208xi32, #tpu.memory_space<vmem>>) semaphore(%arg10 : memref<!tpu.dma_semaphore, #tpu.memory_space<semaphore_mem>>)
    %dma_wait3A_117 = arith.constant 0 : i32
    %dma_wait3A_118 = arith.constant 0 : i32
    %dma_wait3A_119 = tpu.memref_slice %arg2[%dma_wait3A_117, %dma_wait3A_118] : memref<50000x128xf32, #tpu.memory_space<hbm>> -> memref<50000x128xf32, #tpu.memory_space<hbm>>
    tpu.wait_indirect_dma semaphore(%arg9 : memref<!tpu.dma_semaphore, #tpu.memory_space<semaphore_mem>>) src(%dma_wait3A_119 : memref<50000x128xf32, #tpu.memory_space<hbm>>) dst(%arg7 : memref<208x128xf32, #tpu.memory_space<vmem>>)
    %add3A_120 = arith.constant 1248 : i32
    %add3A_121 = arith.addi %mul3A_2, %add3A_120 : i32
    %dma_start3A_122 = arith.constant 0 : i32
    %dma_start3A_123 = tpu.memref_slice %arg4[%add3A_121, %dma_start3A_122] : memref<53248x128xf32, #tpu.memory_space<hbm>> -> memref<208x128xf32, #tpu.memory_space<hbm>>
    %dma_start3A_124 = arith.constant 0 : i32
    %dma_start3A_125 = tpu.memref_slice %arg4[%add3A_121, %dma_start3A_124] : memref<53248x128xf32, #tpu.memory_space<hbm>> -> memref<208x128xf32, #tpu.memory_space<hbm>>
    tpu.enqueue_dma source(%arg7 : memref<208x128xf32, #tpu.memory_space<vmem>>) target(%dma_start3A_125 : memref<208x128xf32, #tpu.memory_space<hbm>>) target_semaphore(%arg11 : memref<!tpu.dma_semaphore, #tpu.memory_space<semaphore_mem>>)
    %dma_wait3A_126 = arith.constant 0 : i32
    %dma_wait3A_127 = tpu.memref_slice %arg4[%add3A_121, %dma_wait3A_126] : memref<53248x128xf32, #tpu.memory_space<hbm>> -> memref<208x128xf32, #tpu.memory_space<hbm>>
    %dma_wait3A_128 = arith.constant 0 : i32
    %dma_wait3A_129 = tpu.memref_slice %arg4[%add3A_121, %dma_wait3A_128] : memref<53248x128xf32, #tpu.memory_space<hbm>> -> memref<208x128xf32, #tpu.memory_space<hbm>>
    tpu.wait_dma2 semaphore(%arg11 : memref<!tpu.dma_semaphore, #tpu.memory_space<semaphore_mem>>) src(%arg7 : memref<208x128xf32, #tpu.memory_space<vmem>>) dst(%dma_wait3A_129 : memref<208x128xf32, #tpu.memory_space<hbm>>)
    %dma_wait3A_130 = arith.constant 0 : i32
    %dma_wait3A_131 = arith.constant 0 : i32
    %dma_wait3A_132 = tpu.memref_slice %arg2[%dma_wait3A_130, %dma_wait3A_131] : memref<50000x128xf32, #tpu.memory_space<hbm>> -> memref<50000x128xf32, #tpu.memory_space<hbm>>
    tpu.wait_indirect_dma semaphore(%arg10 : memref<!tpu.dma_semaphore, #tpu.memory_space<semaphore_mem>>) src(%dma_wait3A_132 : memref<50000x128xf32, #tpu.memory_space<hbm>>) dst(%arg8 : memref<208x128xf32, #tpu.memory_space<vmem>>)
    %add3A_133 = arith.constant 1456 : i32
    %add3A_134 = arith.addi %mul3A_2, %add3A_133 : i32
    %dma_start3A_135 = arith.constant 0 : i32
    %dma_start3A_136 = tpu.memref_slice %arg4[%add3A_134, %dma_start3A_135] : memref<53248x128xf32, #tpu.memory_space<hbm>> -> memref<208x128xf32, #tpu.memory_space<hbm>>
    %dma_start3A_137 = arith.constant 0 : i32
    %dma_start3A_138 = tpu.memref_slice %arg4[%add3A_134, %dma_start3A_137] : memref<53248x128xf32, #tpu.memory_space<hbm>> -> memref<208x128xf32, #tpu.memory_space<hbm>>
    tpu.enqueue_dma source(%arg8 : memref<208x128xf32, #tpu.memory_space<vmem>>) target(%dma_start3A_138 : memref<208x128xf32, #tpu.memory_space<hbm>>) target_semaphore(%arg12 : memref<!tpu.dma_semaphore, #tpu.memory_space<semaphore_mem>>)
    %dma_wait3A_139 = arith.constant 0 : i32
    %dma_wait3A_140 = tpu.memref_slice %arg4[%add3A_134, %dma_wait3A_139] : memref<53248x128xf32, #tpu.memory_space<hbm>> -> memref<208x128xf32, #tpu.memory_space<hbm>>
    %dma_wait3A_141 = arith.constant 0 : i32
    %dma_wait3A_142 = tpu.memref_slice %arg4[%add3A_134, %dma_wait3A_141] : memref<53248x128xf32, #tpu.memory_space<hbm>> -> memref<208x128xf32, #tpu.memory_space<hbm>>
    tpu.wait_dma2 semaphore(%arg12 : memref<!tpu.dma_semaphore, #tpu.memory_space<semaphore_mem>>) src(%arg8 : memref<208x128xf32, #tpu.memory_space<vmem>>) dst(%dma_wait3A_142 : memref<208x128xf32, #tpu.memory_space<hbm>>)
    return
  }
}

#map = affine_map<(d0, d1) -> (0, 0)>
#map1 = affine_map<(d0, d1) -> (0)>
module attributes {stable_mosaic.version = 14 : i64} {
  func.func @gather_kernel(%arg0: i32, %arg1: i32, %arg2: memref<50000x128xf32, #tpu.memory_space<hbm>>, %arg3: memref<53248xi32, #tpu.memory_space<hbm>>, %arg4: memref<53248x128xf32, #tpu.memory_space<hbm>>, %arg5: memref<208xi32, #tpu.memory_space<vmem>>, %arg6: memref<208xi32, #tpu.memory_space<vmem>>, %arg7: memref<208x128xf32, #tpu.memory_space<vmem>>, %arg8: memref<208x128xf32, #tpu.memory_space<vmem>>, %arg9: memref<!tpu.dma_semaphore, #tpu.memory_space<semaphore_mem>>, %arg10: memref<!tpu.dma_semaphore, #tpu.memory_space<semaphore_mem>>, %arg11: memref<!tpu.dma_semaphore, #tpu.memory_space<semaphore_mem>>, %arg12: memref<!tpu.dma_semaphore, #tpu.memory_space<semaphore_mem>>) attributes {dimension_semantics = [#tpu.dimension_semantics<core_parallel>, #tpu.dimension_semantics<subcore_parallel>], iteration_bounds = array<i64: 2, 16>, scalar_prefetch = 0 : i64, scratch_operands = 8 : i64, tpu.core_type = #tpu.core_type<sc_vector_subcore>, window_params = [{transform_indices = #map}, {transform_indices = #map1}, {transform_indices = #map}]} {
    %mul3A = arith.constant 2 : i32
    %mul3A_0 = arith.muli %arg1, %mul3A : i32
    %add3A = arith.addi %mul3A_0, %arg0 : i32
    %mul3A_1 = arith.constant 1664 : i32
    %mul3A_2 = arith.muli %add3A, %mul3A_1 : i32
    "tpu.region"() ({
      %run_scoped3A = tpu.sem_alloc : memref<!tpu.dma_semaphore, #tpu.memory_space<semaphore_mem>>
      %dma_start3A_143 = tpu.memref_slice %arg3[%mul3A_2] : memref<53248xi32, #tpu.memory_space<hbm>> -> memref<208xi32, #tpu.memory_space<hbm>>
      %dma_start3A_144 = tpu.memref_slice %arg3[%mul3A_2] : memref<53248xi32, #tpu.memory_space<hbm>> -> memref<208xi32, #tpu.memory_space<hbm>>
      tpu.enqueue_dma source(%dma_start3A_144 : memref<208xi32, #tpu.memory_space<hbm>>) target(%arg5 : memref<208xi32, #tpu.memory_space<vmem>>) target_semaphore(%run_scoped3A : memref<!tpu.dma_semaphore, #tpu.memory_space<semaphore_mem>>)
      %dma_wait3A_145 = tpu.memref_slice %arg3[%mul3A_2] : memref<53248xi32, #tpu.memory_space<hbm>> -> memref<208xi32, #tpu.memory_space<hbm>>
      %dma_wait3A_146 = tpu.memref_slice %arg3[%mul3A_2] : memref<53248xi32, #tpu.memory_space<hbm>> -> memref<208xi32, #tpu.memory_space<hbm>>
      tpu.wait_dma2 semaphore(%run_scoped3A : memref<!tpu.dma_semaphore, #tpu.memory_space<semaphore_mem>>) src(%dma_wait3A_146 : memref<208xi32, #tpu.memory_space<hbm>>) dst(%arg5 : memref<208xi32, #tpu.memory_space<vmem>>)
      tpu.yield
    }) : () -> ()
    %dma_start3A = arith.constant 0 : i32
    %dma_start3A_3 = arith.constant 0 : i32
    %dma_start3A_4 = tpu.memref_slice %arg2[%dma_start3A, %dma_start3A_3] : memref<50000x128xf32, #tpu.memory_space<hbm>> -> memref<50000x128xf32, #tpu.memory_space<hbm>>
    tpu.enqueue_indirect_dma source(%dma_start3A_4 : memref<50000x128xf32, #tpu.memory_space<hbm>>) target(%arg7 : memref<208x128xf32, #tpu.memory_space<vmem>>) offsets(%arg5 : memref<208xi32, #tpu.memory_space<vmem>>) semaphore(%arg9 : memref<!tpu.dma_semaphore, #tpu.memory_space<semaphore_mem>>)
    %add3A_5 = arith.constant 208 : i32
    %add3A_6 = arith.addi %mul3A_2, %add3A_5 : i32
    "tpu.region"() ({
      %run_scoped3A = tpu.sem_alloc : memref<!tpu.dma_semaphore, #tpu.memory_space<semaphore_mem>>
      %dma_start3A_143 = tpu.memref_slice %arg3[%add3A_6] : memref<53248xi32, #tpu.memory_space<hbm>> -> memref<208xi32, #tpu.memory_space<hbm>>
      %dma_start3A_144 = tpu.memref_slice %arg3[%add3A_6] : memref<53248xi32, #tpu.memory_space<hbm>> -> memref<208xi32, #tpu.memory_space<hbm>>
      tpu.enqueue_dma source(%dma_start3A_144 : memref<208xi32, #tpu.memory_space<hbm>>) target(%arg6 : memref<208xi32, #tpu.memory_space<vmem>>) target_semaphore(%run_scoped3A : memref<!tpu.dma_semaphore, #tpu.memory_space<semaphore_mem>>)
      %dma_wait3A_145 = tpu.memref_slice %arg3[%add3A_6] : memref<53248xi32, #tpu.memory_space<hbm>> -> memref<208xi32, #tpu.memory_space<hbm>>
      %dma_wait3A_146 = tpu.memref_slice %arg3[%add3A_6] : memref<53248xi32, #tpu.memory_space<hbm>> -> memref<208xi32, #tpu.memory_space<hbm>>
      tpu.wait_dma2 semaphore(%run_scoped3A : memref<!tpu.dma_semaphore, #tpu.memory_space<semaphore_mem>>) src(%dma_wait3A_146 : memref<208xi32, #tpu.memory_space<hbm>>) dst(%arg6 : memref<208xi32, #tpu.memory_space<vmem>>)
      tpu.yield
    }) : () -> ()
    %dma_start3A_7 = arith.constant 0 : i32
    %dma_start3A_8 = arith.constant 0 : i32
    %dma_start3A_9 = tpu.memref_slice %arg2[%dma_start3A_7, %dma_start3A_8] : memref<50000x128xf32, #tpu.memory_space<hbm>> -> memref<50000x128xf32, #tpu.memory_space<hbm>>
    tpu.enqueue_indirect_dma source(%dma_start3A_9 : memref<50000x128xf32, #tpu.memory_space<hbm>>) target(%arg8 : memref<208x128xf32, #tpu.memory_space<vmem>>) offsets(%arg6 : memref<208xi32, #tpu.memory_space<vmem>>) semaphore(%arg10 : memref<!tpu.dma_semaphore, #tpu.memory_space<semaphore_mem>>)
    %dma_wait3A = arith.constant 0 : i32
    %dma_wait3A_10 = arith.constant 0 : i32
    %dma_wait3A_11 = tpu.memref_slice %arg2[%dma_wait3A, %dma_wait3A_10] : memref<50000x128xf32, #tpu.memory_space<hbm>> -> memref<50000x128xf32, #tpu.memory_space<hbm>>
    tpu.wait_indirect_dma semaphore(%arg9 : memref<!tpu.dma_semaphore, #tpu.memory_space<semaphore_mem>>) src(%dma_wait3A_11 : memref<50000x128xf32, #tpu.memory_space<hbm>>) dst(%arg7 : memref<208x128xf32, #tpu.memory_space<vmem>>)
    %add3A_12 = arith.constant 0 : i32
    %add3A_13 = arith.addi %mul3A_2, %add3A_12 : i32
    %dma_start3A_14 = arith.constant 0 : i32
    %dma_start3A_15 = tpu.memref_slice %arg4[%add3A_13, %dma_start3A_14] : memref<53248x128xf32, #tpu.memory_space<hbm>> -> memref<208x128xf32, #tpu.memory_space<hbm>>
    %dma_start3A_16 = arith.constant 0 : i32
    %dma_start3A_17 = tpu.memref_slice %arg4[%add3A_13, %dma_start3A_16] : memref<53248x128xf32, #tpu.memory_space<hbm>> -> memref<208x128xf32, #tpu.memory_space<hbm>>
    tpu.enqueue_dma source(%arg7 : memref<208x128xf32, #tpu.memory_space<vmem>>) target(%dma_start3A_17 : memref<208x128xf32, #tpu.memory_space<hbm>>) target_semaphore(%arg11 : memref<!tpu.dma_semaphore, #tpu.memory_space<semaphore_mem>>)
    %add3A_18 = arith.constant 416 : i32
    %add3A_19 = arith.addi %mul3A_2, %add3A_18 : i32
    "tpu.region"() ({
      %run_scoped3A = tpu.sem_alloc : memref<!tpu.dma_semaphore, #tpu.memory_space<semaphore_mem>>
      %dma_start3A_143 = tpu.memref_slice %arg3[%add3A_19] : memref<53248xi32, #tpu.memory_space<hbm>> -> memref<208xi32, #tpu.memory_space<hbm>>
      %dma_start3A_144 = tpu.memref_slice %arg3[%add3A_19] : memref<53248xi32, #tpu.memory_space<hbm>> -> memref<208xi32, #tpu.memory_space<hbm>>
      tpu.enqueue_dma source(%dma_start3A_144 : memref<208xi32, #tpu.memory_space<hbm>>) target(%arg5 : memref<208xi32, #tpu.memory_space<vmem>>) target_semaphore(%run_scoped3A : memref<!tpu.dma_semaphore, #tpu.memory_space<semaphore_mem>>)
      %dma_wait3A_145 = tpu.memref_slice %arg3[%add3A_19] : memref<53248xi32, #tpu.memory_space<hbm>> -> memref<208xi32, #tpu.memory_space<hbm>>
      %dma_wait3A_146 = tpu.memref_slice %arg3[%add3A_19] : memref<53248xi32, #tpu.memory_space<hbm>> -> memref<208xi32, #tpu.memory_space<hbm>>
      tpu.wait_dma2 semaphore(%run_scoped3A : memref<!tpu.dma_semaphore, #tpu.memory_space<semaphore_mem>>) src(%dma_wait3A_146 : memref<208xi32, #tpu.memory_space<hbm>>) dst(%arg5 : memref<208xi32, #tpu.memory_space<vmem>>)
      tpu.yield
    }) : () -> ()
    %dma_wait3A_20 = arith.constant 0 : i32
    %dma_wait3A_21 = tpu.memref_slice %arg4[%add3A_13, %dma_wait3A_20] : memref<53248x128xf32, #tpu.memory_space<hbm>> -> memref<208x128xf32, #tpu.memory_space<hbm>>
    %dma_wait3A_22 = arith.constant 0 : i32
    %dma_wait3A_23 = tpu.memref_slice %arg4[%add3A_13, %dma_wait3A_22] : memref<53248x128xf32, #tpu.memory_space<hbm>> -> memref<208x128xf32, #tpu.memory_space<hbm>>
    tpu.wait_dma2 semaphore(%arg11 : memref<!tpu.dma_semaphore, #tpu.memory_space<semaphore_mem>>) src(%arg7 : memref<208x128xf32, #tpu.memory_space<vmem>>) dst(%dma_wait3A_23 : memref<208x128xf32, #tpu.memory_space<hbm>>)
    %dma_start3A_24 = arith.constant 0 : i32
    %dma_start3A_25 = arith.constant 0 : i32
    %dma_start3A_26 = tpu.memref_slice %arg2[%dma_start3A_24, %dma_start3A_25] : memref<50000x128xf32, #tpu.memory_space<hbm>> -> memref<50000x128xf32, #tpu.memory_space<hbm>>
    tpu.enqueue_indirect_dma source(%dma_start3A_26 : memref<50000x128xf32, #tpu.memory_space<hbm>>) target(%arg7 : memref<208x128xf32, #tpu.memory_space<vmem>>) offsets(%arg5 : memref<208xi32, #tpu.memory_space<vmem>>) semaphore(%arg9 : memref<!tpu.dma_semaphore, #tpu.memory_space<semaphore_mem>>)
    %dma_wait3A_27 = arith.constant 0 : i32
    %dma_wait3A_28 = arith.constant 0 : i32
    %dma_wait3A_29 = tpu.memref_slice %arg2[%dma_wait3A_27, %dma_wait3A_28] : memref<50000x128xf32, #tpu.memory_space<hbm>> -> memref<50000x128xf32, #tpu.memory_space<hbm>>
    tpu.wait_indirect_dma semaphore(%arg10 : memref<!tpu.dma_semaphore, #tpu.memory_space<semaphore_mem>>) src(%dma_wait3A_29 : memref<50000x128xf32, #tpu.memory_space<hbm>>) dst(%arg8 : memref<208x128xf32, #tpu.memory_space<vmem>>)
    %add3A_30 = arith.constant 208 : i32
    %add3A_31 = arith.addi %mul3A_2, %add3A_30 : i32
    %dma_start3A_32 = arith.constant 0 : i32
    %dma_start3A_33 = tpu.memref_slice %arg4[%add3A_31, %dma_start3A_32] : memref<53248x128xf32, #tpu.memory_space<hbm>> -> memref<208x128xf32, #tpu.memory_space<hbm>>
    %dma_start3A_34 = arith.constant 0 : i32
    %dma_start3A_35 = tpu.memref_slice %arg4[%add3A_31, %dma_start3A_34] : memref<53248x128xf32, #tpu.memory_space<hbm>> -> memref<208x128xf32, #tpu.memory_space<hbm>>
    tpu.enqueue_dma source(%arg8 : memref<208x128xf32, #tpu.memory_space<vmem>>) target(%dma_start3A_35 : memref<208x128xf32, #tpu.memory_space<hbm>>) target_semaphore(%arg12 : memref<!tpu.dma_semaphore, #tpu.memory_space<semaphore_mem>>)
    %add3A_36 = arith.constant 624 : i32
    %add3A_37 = arith.addi %mul3A_2, %add3A_36 : i32
    "tpu.region"() ({
      %run_scoped3A = tpu.sem_alloc : memref<!tpu.dma_semaphore, #tpu.memory_space<semaphore_mem>>
      %dma_start3A_143 = tpu.memref_slice %arg3[%add3A_37] : memref<53248xi32, #tpu.memory_space<hbm>> -> memref<208xi32, #tpu.memory_space<hbm>>
      %dma_start3A_144 = tpu.memref_slice %arg3[%add3A_37] : memref<53248xi32, #tpu.memory_space<hbm>> -> memref<208xi32, #tpu.memory_space<hbm>>
      tpu.enqueue_dma source(%dma_start3A_144 : memref<208xi32, #tpu.memory_space<hbm>>) target(%arg6 : memref<208xi32, #tpu.memory_space<vmem>>) target_semaphore(%run_scoped3A : memref<!tpu.dma_semaphore, #tpu.memory_space<semaphore_mem>>)
      %dma_wait3A_145 = tpu.memref_slice %arg3[%add3A_37] : memref<53248xi32, #tpu.memory_space<hbm>> -> memref<208xi32, #tpu.memory_space<hbm>>
      %dma_wait3A_146 = tpu.memref_slice %arg3[%add3A_37] : memref<53248xi32, #tpu.memory_space<hbm>> -> memref<208xi32, #tpu.memory_space<hbm>>
      tpu.wait_dma2 semaphore(%run_scoped3A : memref<!tpu.dma_semaphore, #tpu.memory_space<semaphore_mem>>) src(%dma_wait3A_146 : memref<208xi32, #tpu.memory_space<hbm>>) dst(%arg6 : memref<208xi32, #tpu.memory_space<vmem>>)
      tpu.yield
    }) : () -> ()
    %dma_wait3A_38 = arith.constant 0 : i32
    %dma_wait3A_39 = tpu.memref_slice %arg4[%add3A_31, %dma_wait3A_38] : memref<53248x128xf32, #tpu.memory_space<hbm>> -> memref<208x128xf32, #tpu.memory_space<hbm>>
    %dma_wait3A_40 = arith.constant 0 : i32
    %dma_wait3A_41 = tpu.memref_slice %arg4[%add3A_31, %dma_wait3A_40] : memref<53248x128xf32, #tpu.memory_space<hbm>> -> memref<208x128xf32, #tpu.memory_space<hbm>>
    tpu.wait_dma2 semaphore(%arg12 : memref<!tpu.dma_semaphore, #tpu.memory_space<semaphore_mem>>) src(%arg8 : memref<208x128xf32, #tpu.memory_space<vmem>>) dst(%dma_wait3A_41 : memref<208x128xf32, #tpu.memory_space<hbm>>)
    %dma_start3A_42 = arith.constant 0 : i32
    %dma_start3A_43 = arith.constant 0 : i32
    %dma_start3A_44 = tpu.memref_slice %arg2[%dma_start3A_42, %dma_start3A_43] : memref<50000x128xf32, #tpu.memory_space<hbm>> -> memref<50000x128xf32, #tpu.memory_space<hbm>>
    tpu.enqueue_indirect_dma source(%dma_start3A_44 : memref<50000x128xf32, #tpu.memory_space<hbm>>) target(%arg8 : memref<208x128xf32, #tpu.memory_space<vmem>>) offsets(%arg6 : memref<208xi32, #tpu.memory_space<vmem>>) semaphore(%arg10 : memref<!tpu.dma_semaphore, #tpu.memory_space<semaphore_mem>>)
    %dma_wait3A_45 = arith.constant 0 : i32
    %dma_wait3A_46 = arith.constant 0 : i32
    %dma_wait3A_47 = tpu.memref_slice %arg2[%dma_wait3A_45, %dma_wait3A_46] : memref<50000x128xf32, #tpu.memory_space<hbm>> -> memref<50000x128xf32, #tpu.memory_space<hbm>>
    tpu.wait_indirect_dma semaphore(%arg9 : memref<!tpu.dma_semaphore, #tpu.memory_space<semaphore_mem>>) src(%dma_wait3A_47 : memref<50000x128xf32, #tpu.memory_space<hbm>>) dst(%arg7 : memref<208x128xf32, #tpu.memory_space<vmem>>)
    %add3A_48 = arith.constant 416 : i32
    %add3A_49 = arith.addi %mul3A_2, %add3A_48 : i32
    %dma_start3A_50 = arith.constant 0 : i32
    %dma_start3A_51 = tpu.memref_slice %arg4[%add3A_49, %dma_start3A_50] : memref<53248x128xf32, #tpu.memory_space<hbm>> -> memref<208x128xf32, #tpu.memory_space<hbm>>
    %dma_start3A_52 = arith.constant 0 : i32
    %dma_start3A_53 = tpu.memref_slice %arg4[%add3A_49, %dma_start3A_52] : memref<53248x128xf32, #tpu.memory_space<hbm>> -> memref<208x128xf32, #tpu.memory_space<hbm>>
    tpu.enqueue_dma source(%arg7 : memref<208x128xf32, #tpu.memory_space<vmem>>) target(%dma_start3A_53 : memref<208x128xf32, #tpu.memory_space<hbm>>) target_semaphore(%arg11 : memref<!tpu.dma_semaphore, #tpu.memory_space<semaphore_mem>>)
    %add3A_54 = arith.constant 832 : i32
    %add3A_55 = arith.addi %mul3A_2, %add3A_54 : i32
    "tpu.region"() ({
      %run_scoped3A = tpu.sem_alloc : memref<!tpu.dma_semaphore, #tpu.memory_space<semaphore_mem>>
      %dma_start3A_143 = tpu.memref_slice %arg3[%add3A_55] : memref<53248xi32, #tpu.memory_space<hbm>> -> memref<208xi32, #tpu.memory_space<hbm>>
      %dma_start3A_144 = tpu.memref_slice %arg3[%add3A_55] : memref<53248xi32, #tpu.memory_space<hbm>> -> memref<208xi32, #tpu.memory_space<hbm>>
      tpu.enqueue_dma source(%dma_start3A_144 : memref<208xi32, #tpu.memory_space<hbm>>) target(%arg5 : memref<208xi32, #tpu.memory_space<vmem>>) target_semaphore(%run_scoped3A : memref<!tpu.dma_semaphore, #tpu.memory_space<semaphore_mem>>)
      %dma_wait3A_145 = tpu.memref_slice %arg3[%add3A_55] : memref<53248xi32, #tpu.memory_space<hbm>> -> memref<208xi32, #tpu.memory_space<hbm>>
      %dma_wait3A_146 = tpu.memref_slice %arg3[%add3A_55] : memref<53248xi32, #tpu.memory_space<hbm>> -> memref<208xi32, #tpu.memory_space<hbm>>
      tpu.wait_dma2 semaphore(%run_scoped3A : memref<!tpu.dma_semaphore, #tpu.memory_space<semaphore_mem>>) src(%dma_wait3A_146 : memref<208xi32, #tpu.memory_space<hbm>>) dst(%arg5 : memref<208xi32, #tpu.memory_space<vmem>>)
      tpu.yield
    }) : () -> ()
    %dma_wait3A_56 = arith.constant 0 : i32
    %dma_wait3A_57 = tpu.memref_slice %arg4[%add3A_49, %dma_wait3A_56] : memref<53248x128xf32, #tpu.memory_space<hbm>> -> memref<208x128xf32, #tpu.memory_space<hbm>>
    %dma_wait3A_58 = arith.constant 0 : i32
    %dma_wait3A_59 = tpu.memref_slice %arg4[%add3A_49, %dma_wait3A_58] : memref<53248x128xf32, #tpu.memory_space<hbm>> -> memref<208x128xf32, #tpu.memory_space<hbm>>
    tpu.wait_dma2 semaphore(%arg11 : memref<!tpu.dma_semaphore, #tpu.memory_space<semaphore_mem>>) src(%arg7 : memref<208x128xf32, #tpu.memory_space<vmem>>) dst(%dma_wait3A_59 : memref<208x128xf32, #tpu.memory_space<hbm>>)
    %dma_start3A_60 = arith.constant 0 : i32
    %dma_start3A_61 = arith.constant 0 : i32
    %dma_start3A_62 = tpu.memref_slice %arg2[%dma_start3A_60, %dma_start3A_61] : memref<50000x128xf32, #tpu.memory_space<hbm>> -> memref<50000x128xf32, #tpu.memory_space<hbm>>
    tpu.enqueue_indirect_dma source(%dma_start3A_62 : memref<50000x128xf32, #tpu.memory_space<hbm>>) target(%arg7 : memref<208x128xf32, #tpu.memory_space<vmem>>) offsets(%arg5 : memref<208xi32, #tpu.memory_space<vmem>>) semaphore(%arg9 : memref<!tpu.dma_semaphore, #tpu.memory_space<semaphore_mem>>)
    %dma_wait3A_63 = arith.constant 0 : i32
    %dma_wait3A_64 = arith.constant 0 : i32
    %dma_wait3A_65 = tpu.memref_slice %arg2[%dma_wait3A_63, %dma_wait3A_64] : memref<50000x128xf32, #tpu.memory_space<hbm>> -> memref<50000x128xf32, #tpu.memory_space<hbm>>
    tpu.wait_indirect_dma semaphore(%arg10 : memref<!tpu.dma_semaphore, #tpu.memory_space<semaphore_mem>>) src(%dma_wait3A_65 : memref<50000x128xf32, #tpu.memory_space<hbm>>) dst(%arg8 : memref<208x128xf32, #tpu.memory_space<vmem>>)
    %add3A_66 = arith.constant 624 : i32
    %add3A_67 = arith.addi %mul3A_2, %add3A_66 : i32
    %dma_start3A_68 = arith.constant 0 : i32
    %dma_start3A_69 = tpu.memref_slice %arg4[%add3A_67, %dma_start3A_68] : memref<53248x128xf32, #tpu.memory_space<hbm>> -> memref<208x128xf32, #tpu.memory_space<hbm>>
    %dma_start3A_70 = arith.constant 0 : i32
    %dma_start3A_71 = tpu.memref_slice %arg4[%add3A_67, %dma_start3A_70] : memref<53248x128xf32, #tpu.memory_space<hbm>> -> memref<208x128xf32, #tpu.memory_space<hbm>>
    tpu.enqueue_dma source(%arg8 : memref<208x128xf32, #tpu.memory_space<vmem>>) target(%dma_start3A_71 : memref<208x128xf32, #tpu.memory_space<hbm>>) target_semaphore(%arg12 : memref<!tpu.dma_semaphore, #tpu.memory_space<semaphore_mem>>)
    %add3A_72 = arith.constant 1040 : i32
    %add3A_73 = arith.addi %mul3A_2, %add3A_72 : i32
    "tpu.region"() ({
      %run_scoped3A = tpu.sem_alloc : memref<!tpu.dma_semaphore, #tpu.memory_space<semaphore_mem>>
      %dma_start3A_143 = tpu.memref_slice %arg3[%add3A_73] : memref<53248xi32, #tpu.memory_space<hbm>> -> memref<208xi32, #tpu.memory_space<hbm>>
      %dma_start3A_144 = tpu.memref_slice %arg3[%add3A_73] : memref<53248xi32, #tpu.memory_space<hbm>> -> memref<208xi32, #tpu.memory_space<hbm>>
      tpu.enqueue_dma source(%dma_start3A_144 : memref<208xi32, #tpu.memory_space<hbm>>) target(%arg6 : memref<208xi32, #tpu.memory_space<vmem>>) target_semaphore(%run_scoped3A : memref<!tpu.dma_semaphore, #tpu.memory_space<semaphore_mem>>)
      %dma_wait3A_145 = tpu.memref_slice %arg3[%add3A_73] : memref<53248xi32, #tpu.memory_space<hbm>> -> memref<208xi32, #tpu.memory_space<hbm>>
      %dma_wait3A_146 = tpu.memref_slice %arg3[%add3A_73] : memref<53248xi32, #tpu.memory_space<hbm>> -> memref<208xi32, #tpu.memory_space<hbm>>
      tpu.wait_dma2 semaphore(%run_scoped3A : memref<!tpu.dma_semaphore, #tpu.memory_space<semaphore_mem>>) src(%dma_wait3A_146 : memref<208xi32, #tpu.memory_space<hbm>>) dst(%arg6 : memref<208xi32, #tpu.memory_space<vmem>>)
      tpu.yield
    }) : () -> ()
    %dma_wait3A_74 = arith.constant 0 : i32
    %dma_wait3A_75 = tpu.memref_slice %arg4[%add3A_67, %dma_wait3A_74] : memref<53248x128xf32, #tpu.memory_space<hbm>> -> memref<208x128xf32, #tpu.memory_space<hbm>>
    %dma_wait3A_76 = arith.constant 0 : i32
    %dma_wait3A_77 = tpu.memref_slice %arg4[%add3A_67, %dma_wait3A_76] : memref<53248x128xf32, #tpu.memory_space<hbm>> -> memref<208x128xf32, #tpu.memory_space<hbm>>
    tpu.wait_dma2 semaphore(%arg12 : memref<!tpu.dma_semaphore, #tpu.memory_space<semaphore_mem>>) src(%arg8 : memref<208x128xf32, #tpu.memory_space<vmem>>) dst(%dma_wait3A_77 : memref<208x128xf32, #tpu.memory_space<hbm>>)
    %dma_start3A_78 = arith.constant 0 : i32
    %dma_start3A_79 = arith.constant 0 : i32
    %dma_start3A_80 = tpu.memref_slice %arg2[%dma_start3A_78, %dma_start3A_79] : memref<50000x128xf32, #tpu.memory_space<hbm>> -> memref<50000x128xf32, #tpu.memory_space<hbm>>
    tpu.enqueue_indirect_dma source(%dma_start3A_80 : memref<50000x128xf32, #tpu.memory_space<hbm>>) target(%arg8 : memref<208x128xf32, #tpu.memory_space<vmem>>) offsets(%arg6 : memref<208xi32, #tpu.memory_space<vmem>>) semaphore(%arg10 : memref<!tpu.dma_semaphore, #tpu.memory_space<semaphore_mem>>)
    %dma_wait3A_81 = arith.constant 0 : i32
    %dma_wait3A_82 = arith.constant 0 : i32
    %dma_wait3A_83 = tpu.memref_slice %arg2[%dma_wait3A_81, %dma_wait3A_82] : memref<50000x128xf32, #tpu.memory_space<hbm>> -> memref<50000x128xf32, #tpu.memory_space<hbm>>
    tpu.wait_indirect_dma semaphore(%arg9 : memref<!tpu.dma_semaphore, #tpu.memory_space<semaphore_mem>>) src(%dma_wait3A_83 : memref<50000x128xf32, #tpu.memory_space<hbm>>) dst(%arg7 : memref<208x128xf32, #tpu.memory_space<vmem>>)
    %add3A_84 = arith.constant 832 : i32
    %add3A_85 = arith.addi %mul3A_2, %add3A_84 : i32
    %dma_start3A_86 = arith.constant 0 : i32
    %dma_start3A_87 = tpu.memref_slice %arg4[%add3A_85, %dma_start3A_86] : memref<53248x128xf32, #tpu.memory_space<hbm>> -> memref<208x128xf32, #tpu.memory_space<hbm>>
    %dma_start3A_88 = arith.constant 0 : i32
    %dma_start3A_89 = tpu.memref_slice %arg4[%add3A_85, %dma_start3A_88] : memref<53248x128xf32, #tpu.memory_space<hbm>> -> memref<208x128xf32, #tpu.memory_space<hbm>>
    tpu.enqueue_dma source(%arg7 : memref<208x128xf32, #tpu.memory_space<vmem>>) target(%dma_start3A_89 : memref<208x128xf32, #tpu.memory_space<hbm>>) target_semaphore(%arg11 : memref<!tpu.dma_semaphore, #tpu.memory_space<semaphore_mem>>)
    %add3A_90 = arith.constant 1248 : i32
    %add3A_91 = arith.addi %mul3A_2, %add3A_90 : i32
    "tpu.region"() ({
      %run_scoped3A = tpu.sem_alloc : memref<!tpu.dma_semaphore, #tpu.memory_space<semaphore_mem>>
      %dma_start3A_143 = tpu.memref_slice %arg3[%add3A_91] : memref<53248xi32, #tpu.memory_space<hbm>> -> memref<208xi32, #tpu.memory_space<hbm>>
      %dma_start3A_144 = tpu.memref_slice %arg3[%add3A_91] : memref<53248xi32, #tpu.memory_space<hbm>> -> memref<208xi32, #tpu.memory_space<hbm>>
      tpu.enqueue_dma source(%dma_start3A_144 : memref<208xi32, #tpu.memory_space<hbm>>) target(%arg5 : memref<208xi32, #tpu.memory_space<vmem>>) target_semaphore(%run_scoped3A : memref<!tpu.dma_semaphore, #tpu.memory_space<semaphore_mem>>)
      %dma_wait3A_145 = tpu.memref_slice %arg3[%add3A_91] : memref<53248xi32, #tpu.memory_space<hbm>> -> memref<208xi32, #tpu.memory_space<hbm>>
      %dma_wait3A_146 = tpu.memref_slice %arg3[%add3A_91] : memref<53248xi32, #tpu.memory_space<hbm>> -> memref<208xi32, #tpu.memory_space<hbm>>
      tpu.wait_dma2 semaphore(%run_scoped3A : memref<!tpu.dma_semaphore, #tpu.memory_space<semaphore_mem>>) src(%dma_wait3A_146 : memref<208xi32, #tpu.memory_space<hbm>>) dst(%arg5 : memref<208xi32, #tpu.memory_space<vmem>>)
      tpu.yield
    }) : () -> ()
    %dma_wait3A_92 = arith.constant 0 : i32
    %dma_wait3A_93 = tpu.memref_slice %arg4[%add3A_85, %dma_wait3A_92] : memref<53248x128xf32, #tpu.memory_space<hbm>> -> memref<208x128xf32, #tpu.memory_space<hbm>>
    %dma_wait3A_94 = arith.constant 0 : i32
    %dma_wait3A_95 = tpu.memref_slice %arg4[%add3A_85, %dma_wait3A_94] : memref<53248x128xf32, #tpu.memory_space<hbm>> -> memref<208x128xf32, #tpu.memory_space<hbm>>
    tpu.wait_dma2 semaphore(%arg11 : memref<!tpu.dma_semaphore, #tpu.memory_space<semaphore_mem>>) src(%arg7 : memref<208x128xf32, #tpu.memory_space<vmem>>) dst(%dma_wait3A_95 : memref<208x128xf32, #tpu.memory_space<hbm>>)
    %dma_start3A_96 = arith.constant 0 : i32
    %dma_start3A_97 = arith.constant 0 : i32
    %dma_start3A_98 = tpu.memref_slice %arg2[%dma_start3A_96, %dma_start3A_97] : memref<50000x128xf32, #tpu.memory_space<hbm>> -> memref<50000x128xf32, #tpu.memory_space<hbm>>
    tpu.enqueue_indirect_dma source(%dma_start3A_98 : memref<50000x128xf32, #tpu.memory_space<hbm>>) target(%arg7 : memref<208x128xf32, #tpu.memory_space<vmem>>) offsets(%arg5 : memref<208xi32, #tpu.memory_space<vmem>>) semaphore(%arg9 : memref<!tpu.dma_semaphore, #tpu.memory_space<semaphore_mem>>)
    %dma_wait3A_99 = arith.constant 0 : i32
    %dma_wait3A_100 = arith.constant 0 : i32
    %dma_wait3A_101 = tpu.memref_slice %arg2[%dma_wait3A_99, %dma_wait3A_100] : memref<50000x128xf32, #tpu.memory_space<hbm>> -> memref<50000x128xf32, #tpu.memory_space<hbm>>
    tpu.wait_indirect_dma semaphore(%arg10 : memref<!tpu.dma_semaphore, #tpu.memory_space<semaphore_mem>>) src(%dma_wait3A_101 : memref<50000x128xf32, #tpu.memory_space<hbm>>) dst(%arg8 : memref<208x128xf32, #tpu.memory_space<vmem>>)
    %add3A_102 = arith.constant 1040 : i32
    %add3A_103 = arith.addi %mul3A_2, %add3A_102 : i32
    %dma_start3A_104 = arith.constant 0 : i32
    %dma_start3A_105 = tpu.memref_slice %arg4[%add3A_103, %dma_start3A_104] : memref<53248x128xf32, #tpu.memory_space<hbm>> -> memref<208x128xf32, #tpu.memory_space<hbm>>
    %dma_start3A_106 = arith.constant 0 : i32
    %dma_start3A_107 = tpu.memref_slice %arg4[%add3A_103, %dma_start3A_106] : memref<53248x128xf32, #tpu.memory_space<hbm>> -> memref<208x128xf32, #tpu.memory_space<hbm>>
    tpu.enqueue_dma source(%arg8 : memref<208x128xf32, #tpu.memory_space<vmem>>) target(%dma_start3A_107 : memref<208x128xf32, #tpu.memory_space<hbm>>) target_semaphore(%arg12 : memref<!tpu.dma_semaphore, #tpu.memory_space<semaphore_mem>>)
    %add3A_108 = arith.constant 1456 : i32
    %add3A_109 = arith.addi %mul3A_2, %add3A_108 : i32
    "tpu.region"() ({
      %run_scoped3A = tpu.sem_alloc : memref<!tpu.dma_semaphore, #tpu.memory_space<semaphore_mem>>
      %dma_start3A_143 = tpu.memref_slice %arg3[%add3A_109] : memref<53248xi32, #tpu.memory_space<hbm>> -> memref<208xi32, #tpu.memory_space<hbm>>
      %dma_start3A_144 = tpu.memref_slice %arg3[%add3A_109] : memref<53248xi32, #tpu.memory_space<hbm>> -> memref<208xi32, #tpu.memory_space<hbm>>
      tpu.enqueue_dma source(%dma_start3A_144 : memref<208xi32, #tpu.memory_space<hbm>>) target(%arg6 : memref<208xi32, #tpu.memory_space<vmem>>) target_semaphore(%run_scoped3A : memref<!tpu.dma_semaphore, #tpu.memory_space<semaphore_mem>>)
      %dma_wait3A_145 = tpu.memref_slice %arg3[%add3A_109] : memref<53248xi32, #tpu.memory_space<hbm>> -> memref<208xi32, #tpu.memory_space<hbm>>
      %dma_wait3A_146 = tpu.memref_slice %arg3[%add3A_109] : memref<53248xi32, #tpu.memory_space<hbm>> -> memref<208xi32, #tpu.memory_space<hbm>>
      tpu.wait_dma2 semaphore(%run_scoped3A : memref<!tpu.dma_semaphore, #tpu.memory_space<semaphore_mem>>) src(%dma_wait3A_146 : memref<208xi32, #tpu.memory_space<hbm>>) dst(%arg6 : memref<208xi32, #tpu.memory_space<vmem>>)
      tpu.yield
    }) : () -> ()
    %dma_wait3A_110 = arith.constant 0 : i32
    %dma_wait3A_111 = tpu.memref_slice %arg4[%add3A_103, %dma_wait3A_110] : memref<53248x128xf32, #tpu.memory_space<hbm>> -> memref<208x128xf32, #tpu.memory_space<hbm>>
    %dma_wait3A_112 = arith.constant 0 : i32
    %dma_wait3A_113 = tpu.memref_slice %arg4[%add3A_103, %dma_wait3A_112] : memref<53248x128xf32, #tpu.memory_space<hbm>> -> memref<208x128xf32, #tpu.memory_space<hbm>>
    tpu.wait_dma2 semaphore(%arg12 : memref<!tpu.dma_semaphore, #tpu.memory_space<semaphore_mem>>) src(%arg8 : memref<208x128xf32, #tpu.memory_space<vmem>>) dst(%dma_wait3A_113 : memref<208x128xf32, #tpu.memory_space<hbm>>)
    %dma_start3A_114 = arith.constant 0 : i32
    %dma_start3A_115 = arith.constant 0 : i32
    %dma_start3A_116 = tpu.memref_slice %arg2[%dma_start3A_114, %dma_start3A_115] : memref<50000x128xf32, #tpu.memory_space<hbm>> -> memref<50000x128xf32, #tpu.memory_space<hbm>>
    tpu.enqueue_indirect_dma source(%dma_start3A_116 : memref<50000x128xf32, #tpu.memory_space<hbm>>) target(%arg8 : memref<208x128xf32, #tpu.memory_space<vmem>>) offsets(%arg6 : memref<208xi32, #tpu.memory_space<vmem>>) semaphore(%arg10 : memref<!tpu.dma_semaphore, #tpu.memory_space<semaphore_mem>>)
    %dma_wait3A_117 = arith.constant 0 : i32
    %dma_wait3A_118 = arith.constant 0 : i32
    %dma_wait3A_119 = tpu.memref_slice %arg2[%dma_wait3A_117, %dma_wait3A_118] : memref<50000x128xf32, #tpu.memory_space<hbm>> -> memref<50000x128xf32, #tpu.memory_space<hbm>>
    tpu.wait_indirect_dma semaphore(%arg9 : memref<!tpu.dma_semaphore, #tpu.memory_space<semaphore_mem>>) src(%dma_wait3A_119 : memref<50000x128xf32, #tpu.memory_space<hbm>>) dst(%arg7 : memref<208x128xf32, #tpu.memory_space<vmem>>)
    %add3A_120 = arith.constant 1248 : i32
    %add3A_121 = arith.addi %mul3A_2, %add3A_120 : i32
    %dma_start3A_122 = arith.constant 0 : i32
    %dma_start3A_123 = tpu.memref_slice %arg4[%add3A_121, %dma_start3A_122] : memref<53248x128xf32, #tpu.memory_space<hbm>> -> memref<208x128xf32, #tpu.memory_space<hbm>>
    %dma_start3A_124 = arith.constant 0 : i32
    %dma_start3A_125 = tpu.memref_slice %arg4[%add3A_121, %dma_start3A_124] : memref<53248x128xf32, #tpu.memory_space<hbm>> -> memref<208x128xf32, #tpu.memory_space<hbm>>
    tpu.enqueue_dma source(%arg7 : memref<208x128xf32, #tpu.memory_space<vmem>>) target(%dma_start3A_125 : memref<208x128xf32, #tpu.memory_space<hbm>>) target_semaphore(%arg11 : memref<!tpu.dma_semaphore, #tpu.memory_space<semaphore_mem>>)
    %dma_wait3A_126 = arith.constant 0 : i32
    %dma_wait3A_127 = tpu.memref_slice %arg4[%add3A_121, %dma_wait3A_126] : memref<53248x128xf32, #tpu.memory_space<hbm>> -> memref<208x128xf32, #tpu.memory_space<hbm>>
    %dma_wait3A_128 = arith.constant 0 : i32
    %dma_wait3A_129 = tpu.memref_slice %arg4[%add3A_121, %dma_wait3A_128] : memref<53248x128xf32, #tpu.memory_space<hbm>> -> memref<208x128xf32, #tpu.memory_space<hbm>>
    tpu.wait_dma2 semaphore(%arg11 : memref<!tpu.dma_semaphore, #tpu.memory_space<semaphore_mem>>) src(%arg7 : memref<208x128xf32, #tpu.memory_space<vmem>>) dst(%dma_wait3A_129 : memref<208x128xf32, #tpu.memory_space<hbm>>)
    %dma_wait3A_130 = arith.constant 0 : i32
    %dma_wait3A_131 = arith.constant 0 : i32
    %dma_wait3A_132 = tpu.memref_slice %arg2[%dma_wait3A_130, %dma_wait3A_131] : memref<50000x128xf32, #tpu.memory_space<hbm>> -> memref<50000x128xf32, #tpu.memory_space<hbm>>
    tpu.wait_indirect_dma semaphore(%arg10 : memref<!tpu.dma_semaphore, #tpu.memory_space<semaphore_mem>>) src(%dma_wait3A_132 : memref<50000x128xf32, #tpu.memory_space<hbm>>) dst(%arg8 : memref<208x128xf32, #tpu.memory_space<vmem>>)
    %add3A_133 = arith.constant 1456 : i32
    %add3A_134 = arith.addi %mul3A_2, %add3A_133 : i32
    %dma_start3A_135 = arith.constant 0 : i32
    %dma_start3A_136 = tpu.memref_slice %arg4[%add3A_134, %dma_start3A_135] : memref<53248x128xf32, #tpu.memory_space<hbm>> -> memref<208x128xf32, #tpu.memory_space<hbm>>
    %dma_start3A_137 = arith.constant 0 : i32
    %dma_start3A_138 = tpu.memref_slice %arg4[%add3A_134, %dma_start3A_137] : memref<53248x128xf32, #tpu.memory_space<hbm>> -> memref<208x128xf32, #tpu.memory_space<hbm>>
    tpu.enqueue_dma source(%arg8 : memref<208x128xf32, #tpu.memory_space<vmem>>) target(%dma_start3A_138 : memref<208x128xf32, #tpu.memory_space<hbm>>) target_semaphore(%arg12 : memref<!tpu.dma_semaphore, #tpu.memory_space<semaphore_mem>>)
    %dma_wait3A_139 = arith.constant 0 : i32
    %dma_wait3A_140 = tpu.memref_slice %arg4[%add3A_134, %dma_wait3A_139] : memref<53248x128xf32, #tpu.memory_space<hbm>> -> memref<208x128xf32, #tpu.memory_space<hbm>>
    %dma_wait3A_141 = arith.constant 0 : i32
    %dma_wait3A_142 = tpu.memref_slice %arg4[%add3A_134, %dma_wait3A_141] : memref<53248x128xf32, #tpu.memory_space<hbm>> -> memref<208x128xf32, #tpu.memory_space<hbm>>
    tpu.wait_dma2 semaphore(%arg12 : memref<!tpu.dma_semaphore, #tpu.memory_space<semaphore_mem>>) src(%arg8 : memref<208x128xf32, #tpu.memory_space<vmem>>) dst(%dma_wait3A_142 : memref<208x128xf32, #tpu.memory_space<hbm>>)
    return
  }
}

#map = affine_map<(d0, d1) -> (0, 0)>
#map1 = affine_map<(d0, d1) -> (0)>
module attributes {stable_mosaic.version = 14 : i64} {
  func.func @gather_kernel(%arg0: i32, %arg1: i32, %arg2: memref<50000x128xf32, #tpu.memory_space<hbm>>, %arg3: memref<53248xi32, #tpu.memory_space<hbm>>, %arg4: memref<53248x128xf32, #tpu.memory_space<hbm>>, %arg5: memref<208xi32, #tpu.memory_space<vmem>>, %arg6: memref<208xi32, #tpu.memory_space<vmem>>, %arg7: memref<208x128xf32, #tpu.memory_space<vmem>>, %arg8: memref<208x128xf32, #tpu.memory_space<vmem>>, %arg9: memref<!tpu.dma_semaphore, #tpu.memory_space<semaphore_mem>>, %arg10: memref<!tpu.dma_semaphore, #tpu.memory_space<semaphore_mem>>, %arg11: memref<!tpu.dma_semaphore, #tpu.memory_space<semaphore_mem>>, %arg12: memref<!tpu.dma_semaphore, #tpu.memory_space<semaphore_mem>>) attributes {dimension_semantics = [#tpu.dimension_semantics<core_parallel>, #tpu.dimension_semantics<subcore_parallel>], iteration_bounds = array<i64: 2, 16>, scalar_prefetch = 0 : i64, scratch_operands = 8 : i64, tpu.core_type = #tpu.core_type<sc_vector_subcore>, window_params = [{transform_indices = #map}, {transform_indices = #map1}, {transform_indices = #map}]} {
    %mul3A = arith.constant 2 : i32
    %mul3A_0 = arith.muli %arg1, %mul3A : i32
    %add3A = arith.addi %mul3A_0, %arg0 : i32
    %mul3A_1 = arith.constant 1664 : i32
    %mul3A_2 = arith.muli %add3A, %mul3A_1 : i32
    "tpu.region"() ({
      %run_scoped3A = tpu.sem_alloc : memref<!tpu.dma_semaphore, #tpu.memory_space<semaphore_mem>>
      %dma_start3A_143 = tpu.memref_slice %arg3[%mul3A_2] : memref<53248xi32, #tpu.memory_space<hbm>> -> memref<208xi32, #tpu.memory_space<hbm>>
      %dma_start3A_144 = tpu.memref_slice %arg3[%mul3A_2] : memref<53248xi32, #tpu.memory_space<hbm>> -> memref<208xi32, #tpu.memory_space<hbm>>
      tpu.enqueue_dma source(%dma_start3A_144 : memref<208xi32, #tpu.memory_space<hbm>>) target(%arg5 : memref<208xi32, #tpu.memory_space<vmem>>) target_semaphore(%run_scoped3A : memref<!tpu.dma_semaphore, #tpu.memory_space<semaphore_mem>>)
      %dma_wait3A_145 = tpu.memref_slice %arg3[%mul3A_2] : memref<53248xi32, #tpu.memory_space<hbm>> -> memref<208xi32, #tpu.memory_space<hbm>>
      %dma_wait3A_146 = tpu.memref_slice %arg3[%mul3A_2] : memref<53248xi32, #tpu.memory_space<hbm>> -> memref<208xi32, #tpu.memory_space<hbm>>
      tpu.wait_dma2 semaphore(%run_scoped3A : memref<!tpu.dma_semaphore, #tpu.memory_space<semaphore_mem>>) src(%dma_wait3A_146 : memref<208xi32, #tpu.memory_space<hbm>>) dst(%arg5 : memref<208xi32, #tpu.memory_space<vmem>>)
      tpu.yield
    }) : () -> ()
    %dma_start3A = arith.constant 0 : i32
    %dma_start3A_3 = arith.constant 0 : i32
    %dma_start3A_4 = tpu.memref_slice %arg2[%dma_start3A, %dma_start3A_3] : memref<50000x128xf32, #tpu.memory_space<hbm>> -> memref<50000x128xf32, #tpu.memory_space<hbm>>
    tpu.enqueue_indirect_dma source(%dma_start3A_4 : memref<50000x128xf32, #tpu.memory_space<hbm>>) target(%arg7 : memref<208x128xf32, #tpu.memory_space<vmem>>) offsets(%arg5 : memref<208xi32, #tpu.memory_space<vmem>>) semaphore(%arg9 : memref<!tpu.dma_semaphore, #tpu.memory_space<semaphore_mem>>)
    %add3A_5 = arith.constant 208 : i32
    %add3A_6 = arith.addi %mul3A_2, %add3A_5 : i32
    "tpu.region"() ({
      %run_scoped3A = tpu.sem_alloc : memref<!tpu.dma_semaphore, #tpu.memory_space<semaphore_mem>>
      %dma_start3A_143 = tpu.memref_slice %arg3[%add3A_6] : memref<53248xi32, #tpu.memory_space<hbm>> -> memref<208xi32, #tpu.memory_space<hbm>>
      %dma_start3A_144 = tpu.memref_slice %arg3[%add3A_6] : memref<53248xi32, #tpu.memory_space<hbm>> -> memref<208xi32, #tpu.memory_space<hbm>>
      tpu.enqueue_dma source(%dma_start3A_144 : memref<208xi32, #tpu.memory_space<hbm>>) target(%arg6 : memref<208xi32, #tpu.memory_space<vmem>>) target_semaphore(%run_scoped3A : memref<!tpu.dma_semaphore, #tpu.memory_space<semaphore_mem>>)
      %dma_wait3A_145 = tpu.memref_slice %arg3[%add3A_6] : memref<53248xi32, #tpu.memory_space<hbm>> -> memref<208xi32, #tpu.memory_space<hbm>>
      %dma_wait3A_146 = tpu.memref_slice %arg3[%add3A_6] : memref<53248xi32, #tpu.memory_space<hbm>> -> memref<208xi32, #tpu.memory_space<hbm>>
      tpu.wait_dma2 semaphore(%run_scoped3A : memref<!tpu.dma_semaphore, #tpu.memory_space<semaphore_mem>>) src(%dma_wait3A_146 : memref<208xi32, #tpu.memory_space<hbm>>) dst(%arg6 : memref<208xi32, #tpu.memory_space<vmem>>)
      tpu.yield
    }) : () -> ()
    %dma_start3A_7 = arith.constant 0 : i32
    %dma_start3A_8 = arith.constant 0 : i32
    %dma_start3A_9 = tpu.memref_slice %arg2[%dma_start3A_7, %dma_start3A_8] : memref<50000x128xf32, #tpu.memory_space<hbm>> -> memref<50000x128xf32, #tpu.memory_space<hbm>>
    tpu.enqueue_indirect_dma source(%dma_start3A_9 : memref<50000x128xf32, #tpu.memory_space<hbm>>) target(%arg8 : memref<208x128xf32, #tpu.memory_space<vmem>>) offsets(%arg6 : memref<208xi32, #tpu.memory_space<vmem>>) semaphore(%arg10 : memref<!tpu.dma_semaphore, #tpu.memory_space<semaphore_mem>>)
    %dma_wait3A = arith.constant 0 : i32
    %dma_wait3A_10 = arith.constant 0 : i32
    %dma_wait3A_11 = tpu.memref_slice %arg2[%dma_wait3A, %dma_wait3A_10] : memref<50000x128xf32, #tpu.memory_space<hbm>> -> memref<50000x128xf32, #tpu.memory_space<hbm>>
    tpu.wait_indirect_dma semaphore(%arg9 : memref<!tpu.dma_semaphore, #tpu.memory_space<semaphore_mem>>) src(%dma_wait3A_11 : memref<50000x128xf32, #tpu.memory_space<hbm>>) dst(%arg7 : memref<208x128xf32, #tpu.memory_space<vmem>>)
    %add3A_12 = arith.constant 0 : i32
    %add3A_13 = arith.addi %mul3A_2, %add3A_12 : i32
    %dma_start3A_14 = arith.constant 0 : i32
    %dma_start3A_15 = tpu.memref_slice %arg4[%add3A_13, %dma_start3A_14] : memref<53248x128xf32, #tpu.memory_space<hbm>> -> memref<208x128xf32, #tpu.memory_space<hbm>>
    %dma_start3A_16 = arith.constant 0 : i32
    %dma_start3A_17 = tpu.memref_slice %arg4[%add3A_13, %dma_start3A_16] : memref<53248x128xf32, #tpu.memory_space<hbm>> -> memref<208x128xf32, #tpu.memory_space<hbm>>
    tpu.enqueue_dma source(%arg7 : memref<208x128xf32, #tpu.memory_space<vmem>>) target(%dma_start3A_17 : memref<208x128xf32, #tpu.memory_space<hbm>>) target_semaphore(%arg11 : memref<!tpu.dma_semaphore, #tpu.memory_space<semaphore_mem>>)
    %add3A_18 = arith.constant 416 : i32
    %add3A_19 = arith.addi %mul3A_2, %add3A_18 : i32
    "tpu.region"() ({
      %run_scoped3A = tpu.sem_alloc : memref<!tpu.dma_semaphore, #tpu.memory_space<semaphore_mem>>
      %dma_start3A_143 = tpu.memref_slice %arg3[%add3A_19] : memref<53248xi32, #tpu.memory_space<hbm>> -> memref<208xi32, #tpu.memory_space<hbm>>
      %dma_start3A_144 = tpu.memref_slice %arg3[%add3A_19] : memref<53248xi32, #tpu.memory_space<hbm>> -> memref<208xi32, #tpu.memory_space<hbm>>
      tpu.enqueue_dma source(%dma_start3A_144 : memref<208xi32, #tpu.memory_space<hbm>>) target(%arg5 : memref<208xi32, #tpu.memory_space<vmem>>) target_semaphore(%run_scoped3A : memref<!tpu.dma_semaphore, #tpu.memory_space<semaphore_mem>>)
      %dma_wait3A_145 = tpu.memref_slice %arg3[%add3A_19] : memref<53248xi32, #tpu.memory_space<hbm>> -> memref<208xi32, #tpu.memory_space<hbm>>
      %dma_wait3A_146 = tpu.memref_slice %arg3[%add3A_19] : memref<53248xi32, #tpu.memory_space<hbm>> -> memref<208xi32, #tpu.memory_space<hbm>>
      tpu.wait_dma2 semaphore(%run_scoped3A : memref<!tpu.dma_semaphore, #tpu.memory_space<semaphore_mem>>) src(%dma_wait3A_146 : memref<208xi32, #tpu.memory_space<hbm>>) dst(%arg5 : memref<208xi32, #tpu.memory_space<vmem>>)
      tpu.yield
    }) : () -> ()
    %dma_wait3A_20 = arith.constant 0 : i32
    %dma_wait3A_21 = tpu.memref_slice %arg4[%add3A_13, %dma_wait3A_20] : memref<53248x128xf32, #tpu.memory_space<hbm>> -> memref<208x128xf32, #tpu.memory_space<hbm>>
    %dma_wait3A_22 = arith.constant 0 : i32
    %dma_wait3A_23 = tpu.memref_slice %arg4[%add3A_13, %dma_wait3A_22] : memref<53248x128xf32, #tpu.memory_space<hbm>> -> memref<208x128xf32, #tpu.memory_space<hbm>>
    tpu.wait_dma2 semaphore(%arg11 : memref<!tpu.dma_semaphore, #tpu.memory_space<semaphore_mem>>) src(%arg7 : memref<208x128xf32, #tpu.memory_space<vmem>>) dst(%dma_wait3A_23 : memref<208x128xf32, #tpu.memory_space<hbm>>)
    %dma_start3A_24 = arith.constant 0 : i32
    %dma_start3A_25 = arith.constant 0 : i32
    %dma_start3A_26 = tpu.memref_slice %arg2[%dma_start3A_24, %dma_start3A_25] : memref<50000x128xf32, #tpu.memory_space<hbm>> -> memref<50000x128xf32, #tpu.memory_space<hbm>>
    tpu.enqueue_indirect_dma source(%dma_start3A_26 : memref<50000x128xf32, #tpu.memory_space<hbm>>) target(%arg7 : memref<208x128xf32, #tpu.memory_space<vmem>>) offsets(%arg5 : memref<208xi32, #tpu.memory_space<vmem>>) semaphore(%arg9 : memref<!tpu.dma_semaphore, #tpu.memory_space<semaphore_mem>>)
    %dma_wait3A_27 = arith.constant 0 : i32
    %dma_wait3A_28 = arith.constant 0 : i32
    %dma_wait3A_29 = tpu.memref_slice %arg2[%dma_wait3A_27, %dma_wait3A_28] : memref<50000x128xf32, #tpu.memory_space<hbm>> -> memref<50000x128xf32, #tpu.memory_space<hbm>>
    tpu.wait_indirect_dma semaphore(%arg10 : memref<!tpu.dma_semaphore, #tpu.memory_space<semaphore_mem>>) src(%dma_wait3A_29 : memref<50000x128xf32, #tpu.memory_space<hbm>>) dst(%arg8 : memref<208x128xf32, #tpu.memory_space<vmem>>)
    %add3A_30 = arith.constant 208 : i32
    %add3A_31 = arith.addi %mul3A_2, %add3A_30 : i32
    %dma_start3A_32 = arith.constant 0 : i32
    %dma_start3A_33 = tpu.memref_slice %arg4[%add3A_31, %dma_start3A_32] : memref<53248x128xf32, #tpu.memory_space<hbm>> -> memref<208x128xf32, #tpu.memory_space<hbm>>
    %dma_start3A_34 = arith.constant 0 : i32
    %dma_start3A_35 = tpu.memref_slice %arg4[%add3A_31, %dma_start3A_34] : memref<53248x128xf32, #tpu.memory_space<hbm>> -> memref<208x128xf32, #tpu.memory_space<hbm>>
    tpu.enqueue_dma source(%arg8 : memref<208x128xf32, #tpu.memory_space<vmem>>) target(%dma_start3A_35 : memref<208x128xf32, #tpu.memory_space<hbm>>) target_semaphore(%arg12 : memref<!tpu.dma_semaphore, #tpu.memory_space<semaphore_mem>>)
    %add3A_36 = arith.constant 624 : i32
    %add3A_37 = arith.addi %mul3A_2, %add3A_36 : i32
    "tpu.region"() ({
      %run_scoped3A = tpu.sem_alloc : memref<!tpu.dma_semaphore, #tpu.memory_space<semaphore_mem>>
      %dma_start3A_143 = tpu.memref_slice %arg3[%add3A_37] : memref<53248xi32, #tpu.memory_space<hbm>> -> memref<208xi32, #tpu.memory_space<hbm>>
      %dma_start3A_144 = tpu.memref_slice %arg3[%add3A_37] : memref<53248xi32, #tpu.memory_space<hbm>> -> memref<208xi32, #tpu.memory_space<hbm>>
      tpu.enqueue_dma source(%dma_start3A_144 : memref<208xi32, #tpu.memory_space<hbm>>) target(%arg6 : memref<208xi32, #tpu.memory_space<vmem>>) target_semaphore(%run_scoped3A : memref<!tpu.dma_semaphore, #tpu.memory_space<semaphore_mem>>)
      %dma_wait3A_145 = tpu.memref_slice %arg3[%add3A_37] : memref<53248xi32, #tpu.memory_space<hbm>> -> memref<208xi32, #tpu.memory_space<hbm>>
      %dma_wait3A_146 = tpu.memref_slice %arg3[%add3A_37] : memref<53248xi32, #tpu.memory_space<hbm>> -> memref<208xi32, #tpu.memory_space<hbm>>
      tpu.wait_dma2 semaphore(%run_scoped3A : memref<!tpu.dma_semaphore, #tpu.memory_space<semaphore_mem>>) src(%dma_wait3A_146 : memref<208xi32, #tpu.memory_space<hbm>>) dst(%arg6 : memref<208xi32, #tpu.memory_space<vmem>>)
      tpu.yield
    }) : () -> ()
    %dma_wait3A_38 = arith.constant 0 : i32
    %dma_wait3A_39 = tpu.memref_slice %arg4[%add3A_31, %dma_wait3A_38] : memref<53248x128xf32, #tpu.memory_space<hbm>> -> memref<208x128xf32, #tpu.memory_space<hbm>>
    %dma_wait3A_40 = arith.constant 0 : i32
    %dma_wait3A_41 = tpu.memref_slice %arg4[%add3A_31, %dma_wait3A_40] : memref<53248x128xf32, #tpu.memory_space<hbm>> -> memref<208x128xf32, #tpu.memory_space<hbm>>
    tpu.wait_dma2 semaphore(%arg12 : memref<!tpu.dma_semaphore, #tpu.memory_space<semaphore_mem>>) src(%arg8 : memref<208x128xf32, #tpu.memory_space<vmem>>) dst(%dma_wait3A_41 : memref<208x128xf32, #tpu.memory_space<hbm>>)
    %dma_start3A_42 = arith.constant 0 : i32
    %dma_start3A_43 = arith.constant 0 : i32
    %dma_start3A_44 = tpu.memref_slice %arg2[%dma_start3A_42, %dma_start3A_43] : memref<50000x128xf32, #tpu.memory_space<hbm>> -> memref<50000x128xf32, #tpu.memory_space<hbm>>
    tpu.enqueue_indirect_dma source(%dma_start3A_44 : memref<50000x128xf32, #tpu.memory_space<hbm>>) target(%arg8 : memref<208x128xf32, #tpu.memory_space<vmem>>) offsets(%arg6 : memref<208xi32, #tpu.memory_space<vmem>>) semaphore(%arg10 : memref<!tpu.dma_semaphore, #tpu.memory_space<semaphore_mem>>)
    %dma_wait3A_45 = arith.constant 0 : i32
    %dma_wait3A_46 = arith.constant 0 : i32
    %dma_wait3A_47 = tpu.memref_slice %arg2[%dma_wait3A_45, %dma_wait3A_46] : memref<50000x128xf32, #tpu.memory_space<hbm>> -> memref<50000x128xf32, #tpu.memory_space<hbm>>
    tpu.wait_indirect_dma semaphore(%arg9 : memref<!tpu.dma_semaphore, #tpu.memory_space<semaphore_mem>>) src(%dma_wait3A_47 : memref<50000x128xf32, #tpu.memory_space<hbm>>) dst(%arg7 : memref<208x128xf32, #tpu.memory_space<vmem>>)
    %add3A_48 = arith.constant 416 : i32
    %add3A_49 = arith.addi %mul3A_2, %add3A_48 : i32
    %dma_start3A_50 = arith.constant 0 : i32
    %dma_start3A_51 = tpu.memref_slice %arg4[%add3A_49, %dma_start3A_50] : memref<53248x128xf32, #tpu.memory_space<hbm>> -> memref<208x128xf32, #tpu.memory_space<hbm>>
    %dma_start3A_52 = arith.constant 0 : i32
    %dma_start3A_53 = tpu.memref_slice %arg4[%add3A_49, %dma_start3A_52] : memref<53248x128xf32, #tpu.memory_space<hbm>> -> memref<208x128xf32, #tpu.memory_space<hbm>>
    tpu.enqueue_dma source(%arg7 : memref<208x128xf32, #tpu.memory_space<vmem>>) target(%dma_start3A_53 : memref<208x128xf32, #tpu.memory_space<hbm>>) target_semaphore(%arg11 : memref<!tpu.dma_semaphore, #tpu.memory_space<semaphore_mem>>)
    %add3A_54 = arith.constant 832 : i32
    %add3A_55 = arith.addi %mul3A_2, %add3A_54 : i32
    "tpu.region"() ({
      %run_scoped3A = tpu.sem_alloc : memref<!tpu.dma_semaphore, #tpu.memory_space<semaphore_mem>>
      %dma_start3A_143 = tpu.memref_slice %arg3[%add3A_55] : memref<53248xi32, #tpu.memory_space<hbm>> -> memref<208xi32, #tpu.memory_space<hbm>>
      %dma_start3A_144 = tpu.memref_slice %arg3[%add3A_55] : memref<53248xi32, #tpu.memory_space<hbm>> -> memref<208xi32, #tpu.memory_space<hbm>>
      tpu.enqueue_dma source(%dma_start3A_144 : memref<208xi32, #tpu.memory_space<hbm>>) target(%arg5 : memref<208xi32, #tpu.memory_space<vmem>>) target_semaphore(%run_scoped3A : memref<!tpu.dma_semaphore, #tpu.memory_space<semaphore_mem>>)
      %dma_wait3A_145 = tpu.memref_slice %arg3[%add3A_55] : memref<53248xi32, #tpu.memory_space<hbm>> -> memref<208xi32, #tpu.memory_space<hbm>>
      %dma_wait3A_146 = tpu.memref_slice %arg3[%add3A_55] : memref<53248xi32, #tpu.memory_space<hbm>> -> memref<208xi32, #tpu.memory_space<hbm>>
      tpu.wait_dma2 semaphore(%run_scoped3A : memref<!tpu.dma_semaphore, #tpu.memory_space<semaphore_mem>>) src(%dma_wait3A_146 : memref<208xi32, #tpu.memory_space<hbm>>) dst(%arg5 : memref<208xi32, #tpu.memory_space<vmem>>)
      tpu.yield
    }) : () -> ()
    %dma_wait3A_56 = arith.constant 0 : i32
    %dma_wait3A_57 = tpu.memref_slice %arg4[%add3A_49, %dma_wait3A_56] : memref<53248x128xf32, #tpu.memory_space<hbm>> -> memref<208x128xf32, #tpu.memory_space<hbm>>
    %dma_wait3A_58 = arith.constant 0 : i32
    %dma_wait3A_59 = tpu.memref_slice %arg4[%add3A_49, %dma_wait3A_58] : memref<53248x128xf32, #tpu.memory_space<hbm>> -> memref<208x128xf32, #tpu.memory_space<hbm>>
    tpu.wait_dma2 semaphore(%arg11 : memref<!tpu.dma_semaphore, #tpu.memory_space<semaphore_mem>>) src(%arg7 : memref<208x128xf32, #tpu.memory_space<vmem>>) dst(%dma_wait3A_59 : memref<208x128xf32, #tpu.memory_space<hbm>>)
    %dma_start3A_60 = arith.constant 0 : i32
    %dma_start3A_61 = arith.constant 0 : i32
    %dma_start3A_62 = tpu.memref_slice %arg2[%dma_start3A_60, %dma_start3A_61] : memref<50000x128xf32, #tpu.memory_space<hbm>> -> memref<50000x128xf32, #tpu.memory_space<hbm>>
    tpu.enqueue_indirect_dma source(%dma_start3A_62 : memref<50000x128xf32, #tpu.memory_space<hbm>>) target(%arg7 : memref<208x128xf32, #tpu.memory_space<vmem>>) offsets(%arg5 : memref<208xi32, #tpu.memory_space<vmem>>) semaphore(%arg9 : memref<!tpu.dma_semaphore, #tpu.memory_space<semaphore_mem>>)
    %dma_wait3A_63 = arith.constant 0 : i32
    %dma_wait3A_64 = arith.constant 0 : i32
    %dma_wait3A_65 = tpu.memref_slice %arg2[%dma_wait3A_63, %dma_wait3A_64] : memref<50000x128xf32, #tpu.memory_space<hbm>> -> memref<50000x128xf32, #tpu.memory_space<hbm>>
    tpu.wait_indirect_dma semaphore(%arg10 : memref<!tpu.dma_semaphore, #tpu.memory_space<semaphore_mem>>) src(%dma_wait3A_65 : memref<50000x128xf32, #tpu.memory_space<hbm>>) dst(%arg8 : memref<208x128xf32, #tpu.memory_space<vmem>>)
    %add3A_66 = arith.constant 624 : i32
    %add3A_67 = arith.addi %mul3A_2, %add3A_66 : i32
    %dma_start3A_68 = arith.constant 0 : i32
    %dma_start3A_69 = tpu.memref_slice %arg4[%add3A_67, %dma_start3A_68] : memref<53248x128xf32, #tpu.memory_space<hbm>> -> memref<208x128xf32, #tpu.memory_space<hbm>>
    %dma_start3A_70 = arith.constant 0 : i32
    %dma_start3A_71 = tpu.memref_slice %arg4[%add3A_67, %dma_start3A_70] : memref<53248x128xf32, #tpu.memory_space<hbm>> -> memref<208x128xf32, #tpu.memory_space<hbm>>
    tpu.enqueue_dma source(%arg8 : memref<208x128xf32, #tpu.memory_space<vmem>>) target(%dma_start3A_71 : memref<208x128xf32, #tpu.memory_space<hbm>>) target_semaphore(%arg12 : memref<!tpu.dma_semaphore, #tpu.memory_space<semaphore_mem>>)
    %add3A_72 = arith.constant 1040 : i32
    %add3A_73 = arith.addi %mul3A_2, %add3A_72 : i32
    "tpu.region"() ({
      %run_scoped3A = tpu.sem_alloc : memref<!tpu.dma_semaphore, #tpu.memory_space<semaphore_mem>>
      %dma_start3A_143 = tpu.memref_slice %arg3[%add3A_73] : memref<53248xi32, #tpu.memory_space<hbm>> -> memref<208xi32, #tpu.memory_space<hbm>>
      %dma_start3A_144 = tpu.memref_slice %arg3[%add3A_73] : memref<53248xi32, #tpu.memory_space<hbm>> -> memref<208xi32, #tpu.memory_space<hbm>>
      tpu.enqueue_dma source(%dma_start3A_144 : memref<208xi32, #tpu.memory_space<hbm>>) target(%arg6 : memref<208xi32, #tpu.memory_space<vmem>>) target_semaphore(%run_scoped3A : memref<!tpu.dma_semaphore, #tpu.memory_space<semaphore_mem>>)
      %dma_wait3A_145 = tpu.memref_slice %arg3[%add3A_73] : memref<53248xi32, #tpu.memory_space<hbm>> -> memref<208xi32, #tpu.memory_space<hbm>>
      %dma_wait3A_146 = tpu.memref_slice %arg3[%add3A_73] : memref<53248xi32, #tpu.memory_space<hbm>> -> memref<208xi32, #tpu.memory_space<hbm>>
      tpu.wait_dma2 semaphore(%run_scoped3A : memref<!tpu.dma_semaphore, #tpu.memory_space<semaphore_mem>>) src(%dma_wait3A_146 : memref<208xi32, #tpu.memory_space<hbm>>) dst(%arg6 : memref<208xi32, #tpu.memory_space<vmem>>)
      tpu.yield
    }) : () -> ()
    %dma_wait3A_74 = arith.constant 0 : i32
    %dma_wait3A_75 = tpu.memref_slice %arg4[%add3A_67, %dma_wait3A_74] : memref<53248x128xf32, #tpu.memory_space<hbm>> -> memref<208x128xf32, #tpu.memory_space<hbm>>
    %dma_wait3A_76 = arith.constant 0 : i32
    %dma_wait3A_77 = tpu.memref_slice %arg4[%add3A_67, %dma_wait3A_76] : memref<53248x128xf32, #tpu.memory_space<hbm>> -> memref<208x128xf32, #tpu.memory_space<hbm>>
    tpu.wait_dma2 semaphore(%arg12 : memref<!tpu.dma_semaphore, #tpu.memory_space<semaphore_mem>>) src(%arg8 : memref<208x128xf32, #tpu.memory_space<vmem>>) dst(%dma_wait3A_77 : memref<208x128xf32, #tpu.memory_space<hbm>>)
    %dma_start3A_78 = arith.constant 0 : i32
    %dma_start3A_79 = arith.constant 0 : i32
    %dma_start3A_80 = tpu.memref_slice %arg2[%dma_start3A_78, %dma_start3A_79] : memref<50000x128xf32, #tpu.memory_space<hbm>> -> memref<50000x128xf32, #tpu.memory_space<hbm>>
    tpu.enqueue_indirect_dma source(%dma_start3A_80 : memref<50000x128xf32, #tpu.memory_space<hbm>>) target(%arg8 : memref<208x128xf32, #tpu.memory_space<vmem>>) offsets(%arg6 : memref<208xi32, #tpu.memory_space<vmem>>) semaphore(%arg10 : memref<!tpu.dma_semaphore, #tpu.memory_space<semaphore_mem>>)
    %dma_wait3A_81 = arith.constant 0 : i32
    %dma_wait3A_82 = arith.constant 0 : i32
    %dma_wait3A_83 = tpu.memref_slice %arg2[%dma_wait3A_81, %dma_wait3A_82] : memref<50000x128xf32, #tpu.memory_space<hbm>> -> memref<50000x128xf32, #tpu.memory_space<hbm>>
    tpu.wait_indirect_dma semaphore(%arg9 : memref<!tpu.dma_semaphore, #tpu.memory_space<semaphore_mem>>) src(%dma_wait3A_83 : memref<50000x128xf32, #tpu.memory_space<hbm>>) dst(%arg7 : memref<208x128xf32, #tpu.memory_space<vmem>>)
    %add3A_84 = arith.constant 832 : i32
    %add3A_85 = arith.addi %mul3A_2, %add3A_84 : i32
    %dma_start3A_86 = arith.constant 0 : i32
    %dma_start3A_87 = tpu.memref_slice %arg4[%add3A_85, %dma_start3A_86] : memref<53248x128xf32, #tpu.memory_space<hbm>> -> memref<208x128xf32, #tpu.memory_space<hbm>>
    %dma_start3A_88 = arith.constant 0 : i32
    %dma_start3A_89 = tpu.memref_slice %arg4[%add3A_85, %dma_start3A_88] : memref<53248x128xf32, #tpu.memory_space<hbm>> -> memref<208x128xf32, #tpu.memory_space<hbm>>
    tpu.enqueue_dma source(%arg7 : memref<208x128xf32, #tpu.memory_space<vmem>>) target(%dma_start3A_89 : memref<208x128xf32, #tpu.memory_space<hbm>>) target_semaphore(%arg11 : memref<!tpu.dma_semaphore, #tpu.memory_space<semaphore_mem>>)
    %add3A_90 = arith.constant 1248 : i32
    %add3A_91 = arith.addi %mul3A_2, %add3A_90 : i32
    "tpu.region"() ({
      %run_scoped3A = tpu.sem_alloc : memref<!tpu.dma_semaphore, #tpu.memory_space<semaphore_mem>>
      %dma_start3A_143 = tpu.memref_slice %arg3[%add3A_91] : memref<53248xi32, #tpu.memory_space<hbm>> -> memref<208xi32, #tpu.memory_space<hbm>>
      %dma_start3A_144 = tpu.memref_slice %arg3[%add3A_91] : memref<53248xi32, #tpu.memory_space<hbm>> -> memref<208xi32, #tpu.memory_space<hbm>>
      tpu.enqueue_dma source(%dma_start3A_144 : memref<208xi32, #tpu.memory_space<hbm>>) target(%arg5 : memref<208xi32, #tpu.memory_space<vmem>>) target_semaphore(%run_scoped3A : memref<!tpu.dma_semaphore, #tpu.memory_space<semaphore_mem>>)
      %dma_wait3A_145 = tpu.memref_slice %arg3[%add3A_91] : memref<53248xi32, #tpu.memory_space<hbm>> -> memref<208xi32, #tpu.memory_space<hbm>>
      %dma_wait3A_146 = tpu.memref_slice %arg3[%add3A_91] : memref<53248xi32, #tpu.memory_space<hbm>> -> memref<208xi32, #tpu.memory_space<hbm>>
      tpu.wait_dma2 semaphore(%run_scoped3A : memref<!tpu.dma_semaphore, #tpu.memory_space<semaphore_mem>>) src(%dma_wait3A_146 : memref<208xi32, #tpu.memory_space<hbm>>) dst(%arg5 : memref<208xi32, #tpu.memory_space<vmem>>)
      tpu.yield
    }) : () -> ()
    %dma_wait3A_92 = arith.constant 0 : i32
    %dma_wait3A_93 = tpu.memref_slice %arg4[%add3A_85, %dma_wait3A_92] : memref<53248x128xf32, #tpu.memory_space<hbm>> -> memref<208x128xf32, #tpu.memory_space<hbm>>
    %dma_wait3A_94 = arith.constant 0 : i32
    %dma_wait3A_95 = tpu.memref_slice %arg4[%add3A_85, %dma_wait3A_94] : memref<53248x128xf32, #tpu.memory_space<hbm>> -> memref<208x128xf32, #tpu.memory_space<hbm>>
    tpu.wait_dma2 semaphore(%arg11 : memref<!tpu.dma_semaphore, #tpu.memory_space<semaphore_mem>>) src(%arg7 : memref<208x128xf32, #tpu.memory_space<vmem>>) dst(%dma_wait3A_95 : memref<208x128xf32, #tpu.memory_space<hbm>>)
    %dma_start3A_96 = arith.constant 0 : i32
    %dma_start3A_97 = arith.constant 0 : i32
    %dma_start3A_98 = tpu.memref_slice %arg2[%dma_start3A_96, %dma_start3A_97] : memref<50000x128xf32, #tpu.memory_space<hbm>> -> memref<50000x128xf32, #tpu.memory_space<hbm>>
    tpu.enqueue_indirect_dma source(%dma_start3A_98 : memref<50000x128xf32, #tpu.memory_space<hbm>>) target(%arg7 : memref<208x128xf32, #tpu.memory_space<vmem>>) offsets(%arg5 : memref<208xi32, #tpu.memory_space<vmem>>) semaphore(%arg9 : memref<!tpu.dma_semaphore, #tpu.memory_space<semaphore_mem>>)
    %dma_wait3A_99 = arith.constant 0 : i32
    %dma_wait3A_100 = arith.constant 0 : i32
    %dma_wait3A_101 = tpu.memref_slice %arg2[%dma_wait3A_99, %dma_wait3A_100] : memref<50000x128xf32, #tpu.memory_space<hbm>> -> memref<50000x128xf32, #tpu.memory_space<hbm>>
    tpu.wait_indirect_dma semaphore(%arg10 : memref<!tpu.dma_semaphore, #tpu.memory_space<semaphore_mem>>) src(%dma_wait3A_101 : memref<50000x128xf32, #tpu.memory_space<hbm>>) dst(%arg8 : memref<208x128xf32, #tpu.memory_space<vmem>>)
    %add3A_102 = arith.constant 1040 : i32
    %add3A_103 = arith.addi %mul3A_2, %add3A_102 : i32
    %dma_start3A_104 = arith.constant 0 : i32
    %dma_start3A_105 = tpu.memref_slice %arg4[%add3A_103, %dma_start3A_104] : memref<53248x128xf32, #tpu.memory_space<hbm>> -> memref<208x128xf32, #tpu.memory_space<hbm>>
    %dma_start3A_106 = arith.constant 0 : i32
    %dma_start3A_107 = tpu.memref_slice %arg4[%add3A_103, %dma_start3A_106] : memref<53248x128xf32, #tpu.memory_space<hbm>> -> memref<208x128xf32, #tpu.memory_space<hbm>>
    tpu.enqueue_dma source(%arg8 : memref<208x128xf32, #tpu.memory_space<vmem>>) target(%dma_start3A_107 : memref<208x128xf32, #tpu.memory_space<hbm>>) target_semaphore(%arg12 : memref<!tpu.dma_semaphore, #tpu.memory_space<semaphore_mem>>)
    %add3A_108 = arith.constant 1456 : i32
    %add3A_109 = arith.addi %mul3A_2, %add3A_108 : i32
    "tpu.region"() ({
      %run_scoped3A = tpu.sem_alloc : memref<!tpu.dma_semaphore, #tpu.memory_space<semaphore_mem>>
      %dma_start3A_143 = tpu.memref_slice %arg3[%add3A_109] : memref<53248xi32, #tpu.memory_space<hbm>> -> memref<208xi32, #tpu.memory_space<hbm>>
      %dma_start3A_144 = tpu.memref_slice %arg3[%add3A_109] : memref<53248xi32, #tpu.memory_space<hbm>> -> memref<208xi32, #tpu.memory_space<hbm>>
      tpu.enqueue_dma source(%dma_start3A_144 : memref<208xi32, #tpu.memory_space<hbm>>) target(%arg6 : memref<208xi32, #tpu.memory_space<vmem>>) target_semaphore(%run_scoped3A : memref<!tpu.dma_semaphore, #tpu.memory_space<semaphore_mem>>)
      %dma_wait3A_145 = tpu.memref_slice %arg3[%add3A_109] : memref<53248xi32, #tpu.memory_space<hbm>> -> memref<208xi32, #tpu.memory_space<hbm>>
      %dma_wait3A_146 = tpu.memref_slice %arg3[%add3A_109] : memref<53248xi32, #tpu.memory_space<hbm>> -> memref<208xi32, #tpu.memory_space<hbm>>
      tpu.wait_dma2 semaphore(%run_scoped3A : memref<!tpu.dma_semaphore, #tpu.memory_space<semaphore_mem>>) src(%dma_wait3A_146 : memref<208xi32, #tpu.memory_space<hbm>>) dst(%arg6 : memref<208xi32, #tpu.memory_space<vmem>>)
      tpu.yield
    }) : () -> ()
    %dma_wait3A_110 = arith.constant 0 : i32
    %dma_wait3A_111 = tpu.memref_slice %arg4[%add3A_103, %dma_wait3A_110] : memref<53248x128xf32, #tpu.memory_space<hbm>> -> memref<208x128xf32, #tpu.memory_space<hbm>>
    %dma_wait3A_112 = arith.constant 0 : i32
    %dma_wait3A_113 = tpu.memref_slice %arg4[%add3A_103, %dma_wait3A_112] : memref<53248x128xf32, #tpu.memory_space<hbm>> -> memref<208x128xf32, #tpu.memory_space<hbm>>
    tpu.wait_dma2 semaphore(%arg12 : memref<!tpu.dma_semaphore, #tpu.memory_space<semaphore_mem>>) src(%arg8 : memref<208x128xf32, #tpu.memory_space<vmem>>) dst(%dma_wait3A_113 : memref<208x128xf32, #tpu.memory_space<hbm>>)
    %dma_start3A_114 = arith.constant 0 : i32
    %dma_start3A_115 = arith.constant 0 : i32
    %dma_start3A_116 = tpu.memref_slice %arg2[%dma_start3A_114, %dma_start3A_115] : memref<50000x128xf32, #tpu.memory_space<hbm>> -> memref<50000x128xf32, #tpu.memory_space<hbm>>
    tpu.enqueue_indirect_dma source(%dma_start3A_116 : memref<50000x128xf32, #tpu.memory_space<hbm>>) target(%arg8 : memref<208x128xf32, #tpu.memory_space<vmem>>) offsets(%arg6 : memref<208xi32, #tpu.memory_space<vmem>>) semaphore(%arg10 : memref<!tpu.dma_semaphore, #tpu.memory_space<semaphore_mem>>)
    %dma_wait3A_117 = arith.constant 0 : i32
    %dma_wait3A_118 = arith.constant 0 : i32
    %dma_wait3A_119 = tpu.memref_slice %arg2[%dma_wait3A_117, %dma_wait3A_118] : memref<50000x128xf32, #tpu.memory_space<hbm>> -> memref<50000x128xf32, #tpu.memory_space<hbm>>
    tpu.wait_indirect_dma semaphore(%arg9 : memref<!tpu.dma_semaphore, #tpu.memory_space<semaphore_mem>>) src(%dma_wait3A_119 : memref<50000x128xf32, #tpu.memory_space<hbm>>) dst(%arg7 : memref<208x128xf32, #tpu.memory_space<vmem>>)
    %add3A_120 = arith.constant 1248 : i32
    %add3A_121 = arith.addi %mul3A_2, %add3A_120 : i32
    %dma_start3A_122 = arith.constant 0 : i32
    %dma_start3A_123 = tpu.memref_slice %arg4[%add3A_121, %dma_start3A_122] : memref<53248x128xf32, #tpu.memory_space<hbm>> -> memref<208x128xf32, #tpu.memory_space<hbm>>
    %dma_start3A_124 = arith.constant 0 : i32
    %dma_start3A_125 = tpu.memref_slice %arg4[%add3A_121, %dma_start3A_124] : memref<53248x128xf32, #tpu.memory_space<hbm>> -> memref<208x128xf32, #tpu.memory_space<hbm>>
    tpu.enqueue_dma source(%arg7 : memref<208x128xf32, #tpu.memory_space<vmem>>) target(%dma_start3A_125 : memref<208x128xf32, #tpu.memory_space<hbm>>) target_semaphore(%arg11 : memref<!tpu.dma_semaphore, #tpu.memory_space<semaphore_mem>>)
    %dma_wait3A_126 = arith.constant 0 : i32
    %dma_wait3A_127 = tpu.memref_slice %arg4[%add3A_121, %dma_wait3A_126] : memref<53248x128xf32, #tpu.memory_space<hbm>> -> memref<208x128xf32, #tpu.memory_space<hbm>>
    %dma_wait3A_128 = arith.constant 0 : i32
    %dma_wait3A_129 = tpu.memref_slice %arg4[%add3A_121, %dma_wait3A_128] : memref<53248x128xf32, #tpu.memory_space<hbm>> -> memref<208x128xf32, #tpu.memory_space<hbm>>
    tpu.wait_dma2 semaphore(%arg11 : memref<!tpu.dma_semaphore, #tpu.memory_space<semaphore_mem>>) src(%arg7 : memref<208x128xf32, #tpu.memory_space<vmem>>) dst(%dma_wait3A_129 : memref<208x128xf32, #tpu.memory_space<hbm>>)
    %dma_wait3A_130 = arith.constant 0 : i32
    %dma_wait3A_131 = arith.constant 0 : i32
    %dma_wait3A_132 = tpu.memref_slice %arg2[%dma_wait3A_130, %dma_wait3A_131] : memref<50000x128xf32, #tpu.memory_space<hbm>> -> memref<50000x128xf32, #tpu.memory_space<hbm>>
    tpu.wait_indirect_dma semaphore(%arg10 : memref<!tpu.dma_semaphore, #tpu.memory_space<semaphore_mem>>) src(%dma_wait3A_132 : memref<50000x128xf32, #tpu.memory_space<hbm>>) dst(%arg8 : memref<208x128xf32, #tpu.memory_space<vmem>>)
    %add3A_133 = arith.constant 1456 : i32
    %add3A_134 = arith.addi %mul3A_2, %add3A_133 : i32
    %dma_start3A_135 = arith.constant 0 : i32
    %dma_start3A_136 = tpu.memref_slice %arg4[%add3A_134, %dma_start3A_135] : memref<53248x128xf32, #tpu.memory_space<hbm>> -> memref<208x128xf32, #tpu.memory_space<hbm>>
    %dma_start3A_137 = arith.constant 0 : i32
    %dma_start3A_138 = tpu.memref_slice %arg4[%add3A_134, %dma_start3A_137] : memref<53248x128xf32, #tpu.memory_space<hbm>> -> memref<208x128xf32, #tpu.memory_space<hbm>>
    tpu.enqueue_dma source(%arg8 : memref<208x128xf32, #tpu.memory_space<vmem>>) target(%dma_start3A_138 : memref<208x128xf32, #tpu.memory_space<hbm>>) target_semaphore(%arg12 : memref<!tpu.dma_semaphore, #tpu.memory_space<semaphore_mem>>)
    %dma_wait3A_139 = arith.constant 0 : i32
    %dma_wait3A_140 = tpu.memref_slice %arg4[%add3A_134, %dma_wait3A_139] : memref<53248x128xf32, #tpu.memory_space<hbm>> -> memref<208x128xf32, #tpu.memory_space<hbm>>
    %dma_wait3A_141 = arith.constant 0 : i32
    %dma_wait3A_142 = tpu.memref_slice %arg4[%add3A_134, %dma_wait3A_141] : memref<53248x128xf32, #tpu.memory_space<hbm>> -> memref<208x128xf32, #tpu.memory_space<hbm>>
    tpu.wait_dma2 semaphore(%arg12 : memref<!tpu.dma_semaphore, #tpu.memory_space<semaphore_mem>>) src(%arg8 : memref<208x128xf32, #tpu.memory_space<vmem>>) dst(%dma_wait3A_142 : memref<208x128xf32, #tpu.memory_space<hbm>>)
    return
  }
}

#map = affine_map<(d0, d1) -> (0, 0)>
#map1 = affine_map<(d0, d1) -> (0)>
module attributes {stable_mosaic.version = 14 : i64} {
  func.func @gather_kernel(%arg0: i32, %arg1: i32, %arg2: memref<50000x128xf32, #tpu.memory_space<hbm>>, %arg3: memref<53248xi32, #tpu.memory_space<hbm>>, %arg4: memref<53248x128xf32, #tpu.memory_space<hbm>>, %arg5: memref<208xi32, #tpu.memory_space<vmem>>, %arg6: memref<208xi32, #tpu.memory_space<vmem>>, %arg7: memref<208x128xf32, #tpu.memory_space<vmem>>, %arg8: memref<208x128xf32, #tpu.memory_space<vmem>>, %arg9: memref<!tpu.dma_semaphore, #tpu.memory_space<semaphore_mem>>, %arg10: memref<!tpu.dma_semaphore, #tpu.memory_space<semaphore_mem>>, %arg11: memref<!tpu.dma_semaphore, #tpu.memory_space<semaphore_mem>>, %arg12: memref<!tpu.dma_semaphore, #tpu.memory_space<semaphore_mem>>) attributes {dimension_semantics = [#tpu.dimension_semantics<core_parallel>, #tpu.dimension_semantics<subcore_parallel>], iteration_bounds = array<i64: 2, 16>, scalar_prefetch = 0 : i64, scratch_operands = 8 : i64, tpu.core_type = #tpu.core_type<sc_vector_subcore>, window_params = [{transform_indices = #map}, {transform_indices = #map1}, {transform_indices = #map}]} {
    %mul3A = arith.constant 2 : i32
    %mul3A_0 = arith.muli %arg1, %mul3A : i32
    %add3A = arith.addi %mul3A_0, %arg0 : i32
    %mul3A_1 = arith.constant 1664 : i32
    %mul3A_2 = arith.muli %add3A, %mul3A_1 : i32
    "tpu.region"() ({
      %run_scoped3A = tpu.sem_alloc : memref<!tpu.dma_semaphore, #tpu.memory_space<semaphore_mem>>
      %dma_start3A_143 = tpu.memref_slice %arg3[%mul3A_2] : memref<53248xi32, #tpu.memory_space<hbm>> -> memref<208xi32, #tpu.memory_space<hbm>>
      %dma_start3A_144 = tpu.memref_slice %arg3[%mul3A_2] : memref<53248xi32, #tpu.memory_space<hbm>> -> memref<208xi32, #tpu.memory_space<hbm>>
      tpu.enqueue_dma source(%dma_start3A_144 : memref<208xi32, #tpu.memory_space<hbm>>) target(%arg5 : memref<208xi32, #tpu.memory_space<vmem>>) target_semaphore(%run_scoped3A : memref<!tpu.dma_semaphore, #tpu.memory_space<semaphore_mem>>)
      %dma_wait3A_145 = tpu.memref_slice %arg3[%mul3A_2] : memref<53248xi32, #tpu.memory_space<hbm>> -> memref<208xi32, #tpu.memory_space<hbm>>
      %dma_wait3A_146 = tpu.memref_slice %arg3[%mul3A_2] : memref<53248xi32, #tpu.memory_space<hbm>> -> memref<208xi32, #tpu.memory_space<hbm>>
      tpu.wait_dma2 semaphore(%run_scoped3A : memref<!tpu.dma_semaphore, #tpu.memory_space<semaphore_mem>>) src(%dma_wait3A_146 : memref<208xi32, #tpu.memory_space<hbm>>) dst(%arg5 : memref<208xi32, #tpu.memory_space<vmem>>)
      tpu.yield
    }) : () -> ()
    %dma_start3A = arith.constant 0 : i32
    %dma_start3A_3 = arith.constant 0 : i32
    %dma_start3A_4 = tpu.memref_slice %arg2[%dma_start3A, %dma_start3A_3] : memref<50000x128xf32, #tpu.memory_space<hbm>> -> memref<50000x128xf32, #tpu.memory_space<hbm>>
    tpu.enqueue_indirect_dma source(%dma_start3A_4 : memref<50000x128xf32, #tpu.memory_space<hbm>>) target(%arg7 : memref<208x128xf32, #tpu.memory_space<vmem>>) offsets(%arg5 : memref<208xi32, #tpu.memory_space<vmem>>) semaphore(%arg9 : memref<!tpu.dma_semaphore, #tpu.memory_space<semaphore_mem>>)
    %add3A_5 = arith.constant 208 : i32
    %add3A_6 = arith.addi %mul3A_2, %add3A_5 : i32
    "tpu.region"() ({
      %run_scoped3A = tpu.sem_alloc : memref<!tpu.dma_semaphore, #tpu.memory_space<semaphore_mem>>
      %dma_start3A_143 = tpu.memref_slice %arg3[%add3A_6] : memref<53248xi32, #tpu.memory_space<hbm>> -> memref<208xi32, #tpu.memory_space<hbm>>
      %dma_start3A_144 = tpu.memref_slice %arg3[%add3A_6] : memref<53248xi32, #tpu.memory_space<hbm>> -> memref<208xi32, #tpu.memory_space<hbm>>
      tpu.enqueue_dma source(%dma_start3A_144 : memref<208xi32, #tpu.memory_space<hbm>>) target(%arg6 : memref<208xi32, #tpu.memory_space<vmem>>) target_semaphore(%run_scoped3A : memref<!tpu.dma_semaphore, #tpu.memory_space<semaphore_mem>>)
      %dma_wait3A_145 = tpu.memref_slice %arg3[%add3A_6] : memref<53248xi32, #tpu.memory_space<hbm>> -> memref<208xi32, #tpu.memory_space<hbm>>
      %dma_wait3A_146 = tpu.memref_slice %arg3[%add3A_6] : memref<53248xi32, #tpu.memory_space<hbm>> -> memref<208xi32, #tpu.memory_space<hbm>>
      tpu.wait_dma2 semaphore(%run_scoped3A : memref<!tpu.dma_semaphore, #tpu.memory_space<semaphore_mem>>) src(%dma_wait3A_146 : memref<208xi32, #tpu.memory_space<hbm>>) dst(%arg6 : memref<208xi32, #tpu.memory_space<vmem>>)
      tpu.yield
    }) : () -> ()
    %dma_start3A_7 = arith.constant 0 : i32
    %dma_start3A_8 = arith.constant 0 : i32
    %dma_start3A_9 = tpu.memref_slice %arg2[%dma_start3A_7, %dma_start3A_8] : memref<50000x128xf32, #tpu.memory_space<hbm>> -> memref<50000x128xf32, #tpu.memory_space<hbm>>
    tpu.enqueue_indirect_dma source(%dma_start3A_9 : memref<50000x128xf32, #tpu.memory_space<hbm>>) target(%arg8 : memref<208x128xf32, #tpu.memory_space<vmem>>) offsets(%arg6 : memref<208xi32, #tpu.memory_space<vmem>>) semaphore(%arg10 : memref<!tpu.dma_semaphore, #tpu.memory_space<semaphore_mem>>)
    %dma_wait3A = arith.constant 0 : i32
    %dma_wait3A_10 = arith.constant 0 : i32
    %dma_wait3A_11 = tpu.memref_slice %arg2[%dma_wait3A, %dma_wait3A_10] : memref<50000x128xf32, #tpu.memory_space<hbm>> -> memref<50000x128xf32, #tpu.memory_space<hbm>>
    tpu.wait_indirect_dma semaphore(%arg9 : memref<!tpu.dma_semaphore, #tpu.memory_space<semaphore_mem>>) src(%dma_wait3A_11 : memref<50000x128xf32, #tpu.memory_space<hbm>>) dst(%arg7 : memref<208x128xf32, #tpu.memory_space<vmem>>)
    %add3A_12 = arith.constant 0 : i32
    %add3A_13 = arith.addi %mul3A_2, %add3A_12 : i32
    %dma_start3A_14 = arith.constant 0 : i32
    %dma_start3A_15 = tpu.memref_slice %arg4[%add3A_13, %dma_start3A_14] : memref<53248x128xf32, #tpu.memory_space<hbm>> -> memref<208x128xf32, #tpu.memory_space<hbm>>
    %dma_start3A_16 = arith.constant 0 : i32
    %dma_start3A_17 = tpu.memref_slice %arg4[%add3A_13, %dma_start3A_16] : memref<53248x128xf32, #tpu.memory_space<hbm>> -> memref<208x128xf32, #tpu.memory_space<hbm>>
    tpu.enqueue_dma source(%arg7 : memref<208x128xf32, #tpu.memory_space<vmem>>) target(%dma_start3A_17 : memref<208x128xf32, #tpu.memory_space<hbm>>) target_semaphore(%arg11 : memref<!tpu.dma_semaphore, #tpu.memory_space<semaphore_mem>>)
    %add3A_18 = arith.constant 416 : i32
    %add3A_19 = arith.addi %mul3A_2, %add3A_18 : i32
    "tpu.region"() ({
      %run_scoped3A = tpu.sem_alloc : memref<!tpu.dma_semaphore, #tpu.memory_space<semaphore_mem>>
      %dma_start3A_143 = tpu.memref_slice %arg3[%add3A_19] : memref<53248xi32, #tpu.memory_space<hbm>> -> memref<208xi32, #tpu.memory_space<hbm>>
      %dma_start3A_144 = tpu.memref_slice %arg3[%add3A_19] : memref<53248xi32, #tpu.memory_space<hbm>> -> memref<208xi32, #tpu.memory_space<hbm>>
      tpu.enqueue_dma source(%dma_start3A_144 : memref<208xi32, #tpu.memory_space<hbm>>) target(%arg5 : memref<208xi32, #tpu.memory_space<vmem>>) target_semaphore(%run_scoped3A : memref<!tpu.dma_semaphore, #tpu.memory_space<semaphore_mem>>)
      %dma_wait3A_145 = tpu.memref_slice %arg3[%add3A_19] : memref<53248xi32, #tpu.memory_space<hbm>> -> memref<208xi32, #tpu.memory_space<hbm>>
      %dma_wait3A_146 = tpu.memref_slice %arg3[%add3A_19] : memref<53248xi32, #tpu.memory_space<hbm>> -> memref<208xi32, #tpu.memory_space<hbm>>
      tpu.wait_dma2 semaphore(%run_scoped3A : memref<!tpu.dma_semaphore, #tpu.memory_space<semaphore_mem>>) src(%dma_wait3A_146 : memref<208xi32, #tpu.memory_space<hbm>>) dst(%arg5 : memref<208xi32, #tpu.memory_space<vmem>>)
      tpu.yield
    }) : () -> ()
    %dma_wait3A_20 = arith.constant 0 : i32
    %dma_wait3A_21 = tpu.memref_slice %arg4[%add3A_13, %dma_wait3A_20] : memref<53248x128xf32, #tpu.memory_space<hbm>> -> memref<208x128xf32, #tpu.memory_space<hbm>>
    %dma_wait3A_22 = arith.constant 0 : i32
    %dma_wait3A_23 = tpu.memref_slice %arg4[%add3A_13, %dma_wait3A_22] : memref<53248x128xf32, #tpu.memory_space<hbm>> -> memref<208x128xf32, #tpu.memory_space<hbm>>
    tpu.wait_dma2 semaphore(%arg11 : memref<!tpu.dma_semaphore, #tpu.memory_space<semaphore_mem>>) src(%arg7 : memref<208x128xf32, #tpu.memory_space<vmem>>) dst(%dma_wait3A_23 : memref<208x128xf32, #tpu.memory_space<hbm>>)
    %dma_start3A_24 = arith.constant 0 : i32
    %dma_start3A_25 = arith.constant 0 : i32
    %dma_start3A_26 = tpu.memref_slice %arg2[%dma_start3A_24, %dma_start3A_25] : memref<50000x128xf32, #tpu.memory_space<hbm>> -> memref<50000x128xf32, #tpu.memory_space<hbm>>
    tpu.enqueue_indirect_dma source(%dma_start3A_26 : memref<50000x128xf32, #tpu.memory_space<hbm>>) target(%arg7 : memref<208x128xf32, #tpu.memory_space<vmem>>) offsets(%arg5 : memref<208xi32, #tpu.memory_space<vmem>>) semaphore(%arg9 : memref<!tpu.dma_semaphore, #tpu.memory_space<semaphore_mem>>)
    %dma_wait3A_27 = arith.constant 0 : i32
    %dma_wait3A_28 = arith.constant 0 : i32
    %dma_wait3A_29 = tpu.memref_slice %arg2[%dma_wait3A_27, %dma_wait3A_28] : memref<50000x128xf32, #tpu.memory_space<hbm>> -> memref<50000x128xf32, #tpu.memory_space<hbm>>
    tpu.wait_indirect_dma semaphore(%arg10 : memref<!tpu.dma_semaphore, #tpu.memory_space<semaphore_mem>>) src(%dma_wait3A_29 : memref<50000x128xf32, #tpu.memory_space<hbm>>) dst(%arg8 : memref<208x128xf32, #tpu.memory_space<vmem>>)
    %add3A_30 = arith.constant 208 : i32
    %add3A_31 = arith.addi %mul3A_2, %add3A_30 : i32
    %dma_start3A_32 = arith.constant 0 : i32
    %dma_start3A_33 = tpu.memref_slice %arg4[%add3A_31, %dma_start3A_32] : memref<53248x128xf32, #tpu.memory_space<hbm>> -> memref<208x128xf32, #tpu.memory_space<hbm>>
    %dma_start3A_34 = arith.constant 0 : i32
    %dma_start3A_35 = tpu.memref_slice %arg4[%add3A_31, %dma_start3A_34] : memref<53248x128xf32, #tpu.memory_space<hbm>> -> memref<208x128xf32, #tpu.memory_space<hbm>>
    tpu.enqueue_dma source(%arg8 : memref<208x128xf32, #tpu.memory_space<vmem>>) target(%dma_start3A_35 : memref<208x128xf32, #tpu.memory_space<hbm>>) target_semaphore(%arg12 : memref<!tpu.dma_semaphore, #tpu.memory_space<semaphore_mem>>)
    %add3A_36 = arith.constant 624 : i32
    %add3A_37 = arith.addi %mul3A_2, %add3A_36 : i32
    "tpu.region"() ({
      %run_scoped3A = tpu.sem_alloc : memref<!tpu.dma_semaphore, #tpu.memory_space<semaphore_mem>>
      %dma_start3A_143 = tpu.memref_slice %arg3[%add3A_37] : memref<53248xi32, #tpu.memory_space<hbm>> -> memref<208xi32, #tpu.memory_space<hbm>>
      %dma_start3A_144 = tpu.memref_slice %arg3[%add3A_37] : memref<53248xi32, #tpu.memory_space<hbm>> -> memref<208xi32, #tpu.memory_space<hbm>>
      tpu.enqueue_dma source(%dma_start3A_144 : memref<208xi32, #tpu.memory_space<hbm>>) target(%arg6 : memref<208xi32, #tpu.memory_space<vmem>>) target_semaphore(%run_scoped3A : memref<!tpu.dma_semaphore, #tpu.memory_space<semaphore_mem>>)
      %dma_wait3A_145 = tpu.memref_slice %arg3[%add3A_37] : memref<53248xi32, #tpu.memory_space<hbm>> -> memref<208xi32, #tpu.memory_space<hbm>>
      %dma_wait3A_146 = tpu.memref_slice %arg3[%add3A_37] : memref<53248xi32, #tpu.memory_space<hbm>> -> memref<208xi32, #tpu.memory_space<hbm>>
      tpu.wait_dma2 semaphore(%run_scoped3A : memref<!tpu.dma_semaphore, #tpu.memory_space<semaphore_mem>>) src(%dma_wait3A_146 : memref<208xi32, #tpu.memory_space<hbm>>) dst(%arg6 : memref<208xi32, #tpu.memory_space<vmem>>)
      tpu.yield
    }) : () -> ()
    %dma_wait3A_38 = arith.constant 0 : i32
    %dma_wait3A_39 = tpu.memref_slice %arg4[%add3A_31, %dma_wait3A_38] : memref<53248x128xf32, #tpu.memory_space<hbm>> -> memref<208x128xf32, #tpu.memory_space<hbm>>
    %dma_wait3A_40 = arith.constant 0 : i32
    %dma_wait3A_41 = tpu.memref_slice %arg4[%add3A_31, %dma_wait3A_40] : memref<53248x128xf32, #tpu.memory_space<hbm>> -> memref<208x128xf32, #tpu.memory_space<hbm>>
    tpu.wait_dma2 semaphore(%arg12 : memref<!tpu.dma_semaphore, #tpu.memory_space<semaphore_mem>>) src(%arg8 : memref<208x128xf32, #tpu.memory_space<vmem>>) dst(%dma_wait3A_41 : memref<208x128xf32, #tpu.memory_space<hbm>>)
    %dma_start3A_42 = arith.constant 0 : i32
    %dma_start3A_43 = arith.constant 0 : i32
    %dma_start3A_44 = tpu.memref_slice %arg2[%dma_start3A_42, %dma_start3A_43] : memref<50000x128xf32, #tpu.memory_space<hbm>> -> memref<50000x128xf32, #tpu.memory_space<hbm>>
    tpu.enqueue_indirect_dma source(%dma_start3A_44 : memref<50000x128xf32, #tpu.memory_space<hbm>>) target(%arg8 : memref<208x128xf32, #tpu.memory_space<vmem>>) offsets(%arg6 : memref<208xi32, #tpu.memory_space<vmem>>) semaphore(%arg10 : memref<!tpu.dma_semaphore, #tpu.memory_space<semaphore_mem>>)
    %dma_wait3A_45 = arith.constant 0 : i32
    %dma_wait3A_46 = arith.constant 0 : i32
    %dma_wait3A_47 = tpu.memref_slice %arg2[%dma_wait3A_45, %dma_wait3A_46] : memref<50000x128xf32, #tpu.memory_space<hbm>> -> memref<50000x128xf32, #tpu.memory_space<hbm>>
    tpu.wait_indirect_dma semaphore(%arg9 : memref<!tpu.dma_semaphore, #tpu.memory_space<semaphore_mem>>) src(%dma_wait3A_47 : memref<50000x128xf32, #tpu.memory_space<hbm>>) dst(%arg7 : memref<208x128xf32, #tpu.memory_space<vmem>>)
    %add3A_48 = arith.constant 416 : i32
    %add3A_49 = arith.addi %mul3A_2, %add3A_48 : i32
    %dma_start3A_50 = arith.constant 0 : i32
    %dma_start3A_51 = tpu.memref_slice %arg4[%add3A_49, %dma_start3A_50] : memref<53248x128xf32, #tpu.memory_space<hbm>> -> memref<208x128xf32, #tpu.memory_space<hbm>>
    %dma_start3A_52 = arith.constant 0 : i32
    %dma_start3A_53 = tpu.memref_slice %arg4[%add3A_49, %dma_start3A_52] : memref<53248x128xf32, #tpu.memory_space<hbm>> -> memref<208x128xf32, #tpu.memory_space<hbm>>
    tpu.enqueue_dma source(%arg7 : memref<208x128xf32, #tpu.memory_space<vmem>>) target(%dma_start3A_53 : memref<208x128xf32, #tpu.memory_space<hbm>>) target_semaphore(%arg11 : memref<!tpu.dma_semaphore, #tpu.memory_space<semaphore_mem>>)
    %add3A_54 = arith.constant 832 : i32
    %add3A_55 = arith.addi %mul3A_2, %add3A_54 : i32
    "tpu.region"() ({
      %run_scoped3A = tpu.sem_alloc : memref<!tpu.dma_semaphore, #tpu.memory_space<semaphore_mem>>
      %dma_start3A_143 = tpu.memref_slice %arg3[%add3A_55] : memref<53248xi32, #tpu.memory_space<hbm>> -> memref<208xi32, #tpu.memory_space<hbm>>
      %dma_start3A_144 = tpu.memref_slice %arg3[%add3A_55] : memref<53248xi32, #tpu.memory_space<hbm>> -> memref<208xi32, #tpu.memory_space<hbm>>
      tpu.enqueue_dma source(%dma_start3A_144 : memref<208xi32, #tpu.memory_space<hbm>>) target(%arg5 : memref<208xi32, #tpu.memory_space<vmem>>) target_semaphore(%run_scoped3A : memref<!tpu.dma_semaphore, #tpu.memory_space<semaphore_mem>>)
      %dma_wait3A_145 = tpu.memref_slice %arg3[%add3A_55] : memref<53248xi32, #tpu.memory_space<hbm>> -> memref<208xi32, #tpu.memory_space<hbm>>
      %dma_wait3A_146 = tpu.memref_slice %arg3[%add3A_55] : memref<53248xi32, #tpu.memory_space<hbm>> -> memref<208xi32, #tpu.memory_space<hbm>>
      tpu.wait_dma2 semaphore(%run_scoped3A : memref<!tpu.dma_semaphore, #tpu.memory_space<semaphore_mem>>) src(%dma_wait3A_146 : memref<208xi32, #tpu.memory_space<hbm>>) dst(%arg5 : memref<208xi32, #tpu.memory_space<vmem>>)
      tpu.yield
    }) : () -> ()
    %dma_wait3A_56 = arith.constant 0 : i32
    %dma_wait3A_57 = tpu.memref_slice %arg4[%add3A_49, %dma_wait3A_56] : memref<53248x128xf32, #tpu.memory_space<hbm>> -> memref<208x128xf32, #tpu.memory_space<hbm>>
    %dma_wait3A_58 = arith.constant 0 : i32
    %dma_wait3A_59 = tpu.memref_slice %arg4[%add3A_49, %dma_wait3A_58] : memref<53248x128xf32, #tpu.memory_space<hbm>> -> memref<208x128xf32, #tpu.memory_space<hbm>>
    tpu.wait_dma2 semaphore(%arg11 : memref<!tpu.dma_semaphore, #tpu.memory_space<semaphore_mem>>) src(%arg7 : memref<208x128xf32, #tpu.memory_space<vmem>>) dst(%dma_wait3A_59 : memref<208x128xf32, #tpu.memory_space<hbm>>)
    %dma_start3A_60 = arith.constant 0 : i32
    %dma_start3A_61 = arith.constant 0 : i32
    %dma_start3A_62 = tpu.memref_slice %arg2[%dma_start3A_60, %dma_start3A_61] : memref<50000x128xf32, #tpu.memory_space<hbm>> -> memref<50000x128xf32, #tpu.memory_space<hbm>>
    tpu.enqueue_indirect_dma source(%dma_start3A_62 : memref<50000x128xf32, #tpu.memory_space<hbm>>) target(%arg7 : memref<208x128xf32, #tpu.memory_space<vmem>>) offsets(%arg5 : memref<208xi32, #tpu.memory_space<vmem>>) semaphore(%arg9 : memref<!tpu.dma_semaphore, #tpu.memory_space<semaphore_mem>>)
    %dma_wait3A_63 = arith.constant 0 : i32
    %dma_wait3A_64 = arith.constant 0 : i32
    %dma_wait3A_65 = tpu.memref_slice %arg2[%dma_wait3A_63, %dma_wait3A_64] : memref<50000x128xf32, #tpu.memory_space<hbm>> -> memref<50000x128xf32, #tpu.memory_space<hbm>>
    tpu.wait_indirect_dma semaphore(%arg10 : memref<!tpu.dma_semaphore, #tpu.memory_space<semaphore_mem>>) src(%dma_wait3A_65 : memref<50000x128xf32, #tpu.memory_space<hbm>>) dst(%arg8 : memref<208x128xf32, #tpu.memory_space<vmem>>)
    %add3A_66 = arith.constant 624 : i32
    %add3A_67 = arith.addi %mul3A_2, %add3A_66 : i32
    %dma_start3A_68 = arith.constant 0 : i32
    %dma_start3A_69 = tpu.memref_slice %arg4[%add3A_67, %dma_start3A_68] : memref<53248x128xf32, #tpu.memory_space<hbm>> -> memref<208x128xf32, #tpu.memory_space<hbm>>
    %dma_start3A_70 = arith.constant 0 : i32
    %dma_start3A_71 = tpu.memref_slice %arg4[%add3A_67, %dma_start3A_70] : memref<53248x128xf32, #tpu.memory_space<hbm>> -> memref<208x128xf32, #tpu.memory_space<hbm>>
    tpu.enqueue_dma source(%arg8 : memref<208x128xf32, #tpu.memory_space<vmem>>) target(%dma_start3A_71 : memref<208x128xf32, #tpu.memory_space<hbm>>) target_semaphore(%arg12 : memref<!tpu.dma_semaphore, #tpu.memory_space<semaphore_mem>>)
    %add3A_72 = arith.constant 1040 : i32
    %add3A_73 = arith.addi %mul3A_2, %add3A_72 : i32
    "tpu.region"() ({
      %run_scoped3A = tpu.sem_alloc : memref<!tpu.dma_semaphore, #tpu.memory_space<semaphore_mem>>
      %dma_start3A_143 = tpu.memref_slice %arg3[%add3A_73] : memref<53248xi32, #tpu.memory_space<hbm>> -> memref<208xi32, #tpu.memory_space<hbm>>
      %dma_start3A_144 = tpu.memref_slice %arg3[%add3A_73] : memref<53248xi32, #tpu.memory_space<hbm>> -> memref<208xi32, #tpu.memory_space<hbm>>
      tpu.enqueue_dma source(%dma_start3A_144 : memref<208xi32, #tpu.memory_space<hbm>>) target(%arg6 : memref<208xi32, #tpu.memory_space<vmem>>) target_semaphore(%run_scoped3A : memref<!tpu.dma_semaphore, #tpu.memory_space<semaphore_mem>>)
      %dma_wait3A_145 = tpu.memref_slice %arg3[%add3A_73] : memref<53248xi32, #tpu.memory_space<hbm>> -> memref<208xi32, #tpu.memory_space<hbm>>
      %dma_wait3A_146 = tpu.memref_slice %arg3[%add3A_73] : memref<53248xi32, #tpu.memory_space<hbm>> -> memref<208xi32, #tpu.memory_space<hbm>>
      tpu.wait_dma2 semaphore(%run_scoped3A : memref<!tpu.dma_semaphore, #tpu.memory_space<semaphore_mem>>) src(%dma_wait3A_146 : memref<208xi32, #tpu.memory_space<hbm>>) dst(%arg6 : memref<208xi32, #tpu.memory_space<vmem>>)
      tpu.yield
    }) : () -> ()
    %dma_wait3A_74 = arith.constant 0 : i32
    %dma_wait3A_75 = tpu.memref_slice %arg4[%add3A_67, %dma_wait3A_74] : memref<53248x128xf32, #tpu.memory_space<hbm>> -> memref<208x128xf32, #tpu.memory_space<hbm>>
    %dma_wait3A_76 = arith.constant 0 : i32
    %dma_wait3A_77 = tpu.memref_slice %arg4[%add3A_67, %dma_wait3A_76] : memref<53248x128xf32, #tpu.memory_space<hbm>> -> memref<208x128xf32, #tpu.memory_space<hbm>>
    tpu.wait_dma2 semaphore(%arg12 : memref<!tpu.dma_semaphore, #tpu.memory_space<semaphore_mem>>) src(%arg8 : memref<208x128xf32, #tpu.memory_space<vmem>>) dst(%dma_wait3A_77 : memref<208x128xf32, #tpu.memory_space<hbm>>)
    %dma_start3A_78 = arith.constant 0 : i32
    %dma_start3A_79 = arith.constant 0 : i32
    %dma_start3A_80 = tpu.memref_slice %arg2[%dma_start3A_78, %dma_start3A_79] : memref<50000x128xf32, #tpu.memory_space<hbm>> -> memref<50000x128xf32, #tpu.memory_space<hbm>>
    tpu.enqueue_indirect_dma source(%dma_start3A_80 : memref<50000x128xf32, #tpu.memory_space<hbm>>) target(%arg8 : memref<208x128xf32, #tpu.memory_space<vmem>>) offsets(%arg6 : memref<208xi32, #tpu.memory_space<vmem>>) semaphore(%arg10 : memref<!tpu.dma_semaphore, #tpu.memory_space<semaphore_mem>>)
    %dma_wait3A_81 = arith.constant 0 : i32
    %dma_wait3A_82 = arith.constant 0 : i32
    %dma_wait3A_83 = tpu.memref_slice %arg2[%dma_wait3A_81, %dma_wait3A_82] : memref<50000x128xf32, #tpu.memory_space<hbm>> -> memref<50000x128xf32, #tpu.memory_space<hbm>>
    tpu.wait_indirect_dma semaphore(%arg9 : memref<!tpu.dma_semaphore, #tpu.memory_space<semaphore_mem>>) src(%dma_wait3A_83 : memref<50000x128xf32, #tpu.memory_space<hbm>>) dst(%arg7 : memref<208x128xf32, #tpu.memory_space<vmem>>)
    %add3A_84 = arith.constant 832 : i32
    %add3A_85 = arith.addi %mul3A_2, %add3A_84 : i32
    %dma_start3A_86 = arith.constant 0 : i32
    %dma_start3A_87 = tpu.memref_slice %arg4[%add3A_85, %dma_start3A_86] : memref<53248x128xf32, #tpu.memory_space<hbm>> -> memref<208x128xf32, #tpu.memory_space<hbm>>
    %dma_start3A_88 = arith.constant 0 : i32
    %dma_start3A_89 = tpu.memref_slice %arg4[%add3A_85, %dma_start3A_88] : memref<53248x128xf32, #tpu.memory_space<hbm>> -> memref<208x128xf32, #tpu.memory_space<hbm>>
    tpu.enqueue_dma source(%arg7 : memref<208x128xf32, #tpu.memory_space<vmem>>) target(%dma_start3A_89 : memref<208x128xf32, #tpu.memory_space<hbm>>) target_semaphore(%arg11 : memref<!tpu.dma_semaphore, #tpu.memory_space<semaphore_mem>>)
    %add3A_90 = arith.constant 1248 : i32
    %add3A_91 = arith.addi %mul3A_2, %add3A_90 : i32
    "tpu.region"() ({
      %run_scoped3A = tpu.sem_alloc : memref<!tpu.dma_semaphore, #tpu.memory_space<semaphore_mem>>
      %dma_start3A_143 = tpu.memref_slice %arg3[%add3A_91] : memref<53248xi32, #tpu.memory_space<hbm>> -> memref<208xi32, #tpu.memory_space<hbm>>
      %dma_start3A_144 = tpu.memref_slice %arg3[%add3A_91] : memref<53248xi32, #tpu.memory_space<hbm>> -> memref<208xi32, #tpu.memory_space<hbm>>
      tpu.enqueue_dma source(%dma_start3A_144 : memref<208xi32, #tpu.memory_space<hbm>>) target(%arg5 : memref<208xi32, #tpu.memory_space<vmem>>) target_semaphore(%run_scoped3A : memref<!tpu.dma_semaphore, #tpu.memory_space<semaphore_mem>>)
      %dma_wait3A_145 = tpu.memref_slice %arg3[%add3A_91] : memref<53248xi32, #tpu.memory_space<hbm>> -> memref<208xi32, #tpu.memory_space<hbm>>
      %dma_wait3A_146 = tpu.memref_slice %arg3[%add3A_91] : memref<53248xi32, #tpu.memory_space<hbm>> -> memref<208xi32, #tpu.memory_space<hbm>>
      tpu.wait_dma2 semaphore(%run_scoped3A : memref<!tpu.dma_semaphore, #tpu.memory_space<semaphore_mem>>) src(%dma_wait3A_146 : memref<208xi32, #tpu.memory_space<hbm>>) dst(%arg5 : memref<208xi32, #tpu.memory_space<vmem>>)
      tpu.yield
    }) : () -> ()
    %dma_wait3A_92 = arith.constant 0 : i32
    %dma_wait3A_93 = tpu.memref_slice %arg4[%add3A_85, %dma_wait3A_92] : memref<53248x128xf32, #tpu.memory_space<hbm>> -> memref<208x128xf32, #tpu.memory_space<hbm>>
    %dma_wait3A_94 = arith.constant 0 : i32
    %dma_wait3A_95 = tpu.memref_slice %arg4[%add3A_85, %dma_wait3A_94] : memref<53248x128xf32, #tpu.memory_space<hbm>> -> memref<208x128xf32, #tpu.memory_space<hbm>>
    tpu.wait_dma2 semaphore(%arg11 : memref<!tpu.dma_semaphore, #tpu.memory_space<semaphore_mem>>) src(%arg7 : memref<208x128xf32, #tpu.memory_space<vmem>>) dst(%dma_wait3A_95 : memref<208x128xf32, #tpu.memory_space<hbm>>)
    %dma_start3A_96 = arith.constant 0 : i32
    %dma_start3A_97 = arith.constant 0 : i32
    %dma_start3A_98 = tpu.memref_slice %arg2[%dma_start3A_96, %dma_start3A_97] : memref<50000x128xf32, #tpu.memory_space<hbm>> -> memref<50000x128xf32, #tpu.memory_space<hbm>>
    tpu.enqueue_indirect_dma source(%dma_start3A_98 : memref<50000x128xf32, #tpu.memory_space<hbm>>) target(%arg7 : memref<208x128xf32, #tpu.memory_space<vmem>>) offsets(%arg5 : memref<208xi32, #tpu.memory_space<vmem>>) semaphore(%arg9 : memref<!tpu.dma_semaphore, #tpu.memory_space<semaphore_mem>>)
    %dma_wait3A_99 = arith.constant 0 : i32
    %dma_wait3A_100 = arith.constant 0 : i32
    %dma_wait3A_101 = tpu.memref_slice %arg2[%dma_wait3A_99, %dma_wait3A_100] : memref<50000x128xf32, #tpu.memory_space<hbm>> -> memref<50000x128xf32, #tpu.memory_space<hbm>>
    tpu.wait_indirect_dma semaphore(%arg10 : memref<!tpu.dma_semaphore, #tpu.memory_space<semaphore_mem>>) src(%dma_wait3A_101 : memref<50000x128xf32, #tpu.memory_space<hbm>>) dst(%arg8 : memref<208x128xf32, #tpu.memory_space<vmem>>)
    %add3A_102 = arith.constant 1040 : i32
    %add3A_103 = arith.addi %mul3A_2, %add3A_102 : i32
    %dma_start3A_104 = arith.constant 0 : i32
    %dma_start3A_105 = tpu.memref_slice %arg4[%add3A_103, %dma_start3A_104] : memref<53248x128xf32, #tpu.memory_space<hbm>> -> memref<208x128xf32, #tpu.memory_space<hbm>>
    %dma_start3A_106 = arith.constant 0 : i32
    %dma_start3A_107 = tpu.memref_slice %arg4[%add3A_103, %dma_start3A_106] : memref<53248x128xf32, #tpu.memory_space<hbm>> -> memref<208x128xf32, #tpu.memory_space<hbm>>
    tpu.enqueue_dma source(%arg8 : memref<208x128xf32, #tpu.memory_space<vmem>>) target(%dma_start3A_107 : memref<208x128xf32, #tpu.memory_space<hbm>>) target_semaphore(%arg12 : memref<!tpu.dma_semaphore, #tpu.memory_space<semaphore_mem>>)
    %add3A_108 = arith.constant 1456 : i32
    %add3A_109 = arith.addi %mul3A_2, %add3A_108 : i32
    "tpu.region"() ({
      %run_scoped3A = tpu.sem_alloc : memref<!tpu.dma_semaphore, #tpu.memory_space<semaphore_mem>>
      %dma_start3A_143 = tpu.memref_slice %arg3[%add3A_109] : memref<53248xi32, #tpu.memory_space<hbm>> -> memref<208xi32, #tpu.memory_space<hbm>>
      %dma_start3A_144 = tpu.memref_slice %arg3[%add3A_109] : memref<53248xi32, #tpu.memory_space<hbm>> -> memref<208xi32, #tpu.memory_space<hbm>>
      tpu.enqueue_dma source(%dma_start3A_144 : memref<208xi32, #tpu.memory_space<hbm>>) target(%arg6 : memref<208xi32, #tpu.memory_space<vmem>>) target_semaphore(%run_scoped3A : memref<!tpu.dma_semaphore, #tpu.memory_space<semaphore_mem>>)
      %dma_wait3A_145 = tpu.memref_slice %arg3[%add3A_109] : memref<53248xi32, #tpu.memory_space<hbm>> -> memref<208xi32, #tpu.memory_space<hbm>>
      %dma_wait3A_146 = tpu.memref_slice %arg3[%add3A_109] : memref<53248xi32, #tpu.memory_space<hbm>> -> memref<208xi32, #tpu.memory_space<hbm>>
      tpu.wait_dma2 semaphore(%run_scoped3A : memref<!tpu.dma_semaphore, #tpu.memory_space<semaphore_mem>>) src(%dma_wait3A_146 : memref<208xi32, #tpu.memory_space<hbm>>) dst(%arg6 : memref<208xi32, #tpu.memory_space<vmem>>)
      tpu.yield
    }) : () -> ()
    %dma_wait3A_110 = arith.constant 0 : i32
    %dma_wait3A_111 = tpu.memref_slice %arg4[%add3A_103, %dma_wait3A_110] : memref<53248x128xf32, #tpu.memory_space<hbm>> -> memref<208x128xf32, #tpu.memory_space<hbm>>
    %dma_wait3A_112 = arith.constant 0 : i32
    %dma_wait3A_113 = tpu.memref_slice %arg4[%add3A_103, %dma_wait3A_112] : memref<53248x128xf32, #tpu.memory_space<hbm>> -> memref<208x128xf32, #tpu.memory_space<hbm>>
    tpu.wait_dma2 semaphore(%arg12 : memref<!tpu.dma_semaphore, #tpu.memory_space<semaphore_mem>>) src(%arg8 : memref<208x128xf32, #tpu.memory_space<vmem>>) dst(%dma_wait3A_113 : memref<208x128xf32, #tpu.memory_space<hbm>>)
    %dma_start3A_114 = arith.constant 0 : i32
    %dma_start3A_115 = arith.constant 0 : i32
    %dma_start3A_116 = tpu.memref_slice %arg2[%dma_start3A_114, %dma_start3A_115] : memref<50000x128xf32, #tpu.memory_space<hbm>> -> memref<50000x128xf32, #tpu.memory_space<hbm>>
    tpu.enqueue_indirect_dma source(%dma_start3A_116 : memref<50000x128xf32, #tpu.memory_space<hbm>>) target(%arg8 : memref<208x128xf32, #tpu.memory_space<vmem>>) offsets(%arg6 : memref<208xi32, #tpu.memory_space<vmem>>) semaphore(%arg10 : memref<!tpu.dma_semaphore, #tpu.memory_space<semaphore_mem>>)
    %dma_wait3A_117 = arith.constant 0 : i32
    %dma_wait3A_118 = arith.constant 0 : i32
    %dma_wait3A_119 = tpu.memref_slice %arg2[%dma_wait3A_117, %dma_wait3A_118] : memref<50000x128xf32, #tpu.memory_space<hbm>> -> memref<50000x128xf32, #tpu.memory_space<hbm>>
    tpu.wait_indirect_dma semaphore(%arg9 : memref<!tpu.dma_semaphore, #tpu.memory_space<semaphore_mem>>) src(%dma_wait3A_119 : memref<50000x128xf32, #tpu.memory_space<hbm>>) dst(%arg7 : memref<208x128xf32, #tpu.memory_space<vmem>>)
    %add3A_120 = arith.constant 1248 : i32
    %add3A_121 = arith.addi %mul3A_2, %add3A_120 : i32
    %dma_start3A_122 = arith.constant 0 : i32
    %dma_start3A_123 = tpu.memref_slice %arg4[%add3A_121, %dma_start3A_122] : memref<53248x128xf32, #tpu.memory_space<hbm>> -> memref<208x128xf32, #tpu.memory_space<hbm>>
    %dma_start3A_124 = arith.constant 0 : i32
    %dma_start3A_125 = tpu.memref_slice %arg4[%add3A_121, %dma_start3A_124] : memref<53248x128xf32, #tpu.memory_space<hbm>> -> memref<208x128xf32, #tpu.memory_space<hbm>>
    tpu.enqueue_dma source(%arg7 : memref<208x128xf32, #tpu.memory_space<vmem>>) target(%dma_start3A_125 : memref<208x128xf32, #tpu.memory_space<hbm>>) target_semaphore(%arg11 : memref<!tpu.dma_semaphore, #tpu.memory_space<semaphore_mem>>)
    %dma_wait3A_126 = arith.constant 0 : i32
    %dma_wait3A_127 = tpu.memref_slice %arg4[%add3A_121, %dma_wait3A_126] : memref<53248x128xf32, #tpu.memory_space<hbm>> -> memref<208x128xf32, #tpu.memory_space<hbm>>
    %dma_wait3A_128 = arith.constant 0 : i32
    %dma_wait3A_129 = tpu.memref_slice %arg4[%add3A_121, %dma_wait3A_128] : memref<53248x128xf32, #tpu.memory_space<hbm>> -> memref<208x128xf32, #tpu.memory_space<hbm>>
    tpu.wait_dma2 semaphore(%arg11 : memref<!tpu.dma_semaphore, #tpu.memory_space<semaphore_mem>>) src(%arg7 : memref<208x128xf32, #tpu.memory_space<vmem>>) dst(%dma_wait3A_129 : memref<208x128xf32, #tpu.memory_space<hbm>>)
    %dma_wait3A_130 = arith.constant 0 : i32
    %dma_wait3A_131 = arith.constant 0 : i32
    %dma_wait3A_132 = tpu.memref_slice %arg2[%dma_wait3A_130, %dma_wait3A_131] : memref<50000x128xf32, #tpu.memory_space<hbm>> -> memref<50000x128xf32, #tpu.memory_space<hbm>>
    tpu.wait_indirect_dma semaphore(%arg10 : memref<!tpu.dma_semaphore, #tpu.memory_space<semaphore_mem>>) src(%dma_wait3A_132 : memref<50000x128xf32, #tpu.memory_space<hbm>>) dst(%arg8 : memref<208x128xf32, #tpu.memory_space<vmem>>)
    %add3A_133 = arith.constant 1456 : i32
    %add3A_134 = arith.addi %mul3A_2, %add3A_133 : i32
    %dma_start3A_135 = arith.constant 0 : i32
    %dma_start3A_136 = tpu.memref_slice %arg4[%add3A_134, %dma_start3A_135] : memref<53248x128xf32, #tpu.memory_space<hbm>> -> memref<208x128xf32, #tpu.memory_space<hbm>>
    %dma_start3A_137 = arith.constant 0 : i32
    %dma_start3A_138 = tpu.memref_slice %arg4[%add3A_134, %dma_start3A_137] : memref<53248x128xf32, #tpu.memory_space<hbm>> -> memref<208x128xf32, #tpu.memory_space<hbm>>
    tpu.enqueue_dma source(%arg8 : memref<208x128xf32, #tpu.memory_space<vmem>>) target(%dma_start3A_138 : memref<208x128xf32, #tpu.memory_space<hbm>>) target_semaphore(%arg12 : memref<!tpu.dma_semaphore, #tpu.memory_space<semaphore_mem>>)
    %dma_wait3A_139 = arith.constant 0 : i32
    %dma_wait3A_140 = tpu.memref_slice %arg4[%add3A_134, %dma_wait3A_139] : memref<53248x128xf32, #tpu.memory_space<hbm>> -> memref<208x128xf32, #tpu.memory_space<hbm>>
    %dma_wait3A_141 = arith.constant 0 : i32
    %dma_wait3A_142 = tpu.memref_slice %arg4[%add3A_134, %dma_wait3A_141] : memref<53248x128xf32, #tpu.memory_space<hbm>> -> memref<208x128xf32, #tpu.memory_space<hbm>>
    tpu.wait_dma2 semaphore(%arg12 : memref<!tpu.dma_semaphore, #tpu.memory_space<semaphore_mem>>) src(%arg8 : memref<208x128xf32, #tpu.memory_space<vmem>>) dst(%dma_wait3A_142 : memref<208x128xf32, #tpu.memory_space<hbm>>)
    return
  }
}

module attributes {stable_mosaic.version = 14 : i64} {
  func.func @loss_kernel(%arg0: i32, %arg1: memref<6656x128xf32, #tpu.memory_space<vmem>>, %arg2: memref<1x1x6656xi32, #tpu.memory_space<vmem>>, %arg3: memref<1x1xf32, #tpu.memory_space<vmem>>) attributes {dimension_semantics = [#tpu.dimension_semantics<arbitrary>], iteration_bounds = array<i64: 8>, scalar_prefetch = 0 : i64, scratch_operands = 0 : i64, tpu.core_type = #tpu.core_type<tc>, window_params = [{transform_indices = @transform_0, window_bounds = array<i64: 6656, 128>}, {transform_indices = @transform_1, window_bounds = array<i64: 1, 1, 6656>}, {pipeline_mode = #tpu.pipeline_mode<synchronous>, transform_indices = @transform_2, window_bounds = array<i64: 1, 1>}]} {
    %get3A = arith.constant 0 : index
    %get3A_0 = arith.constant 0 : index
    %get3A_1 = arith.constant 0 : index
    %get3A_2 = vector.load %arg2[%get3A, %get3A_0, %get3A_1] : memref<1x1x6656xi32, #tpu.memory_space<vmem>>, vector<1x1x6656xi32>
    %get3A_3 = vector.shape_cast %get3A_2 : vector<1x1x6656xi32> to vector<6656xi32>
    %get3A_4 = arith.constant 0 : index
    %get3A_5 = arith.constant 0 : index
    %get3A_6 = vector.load %arg1[%get3A_4, %get3A_5] : memref<6656x128xf32, #tpu.memory_space<vmem>>, vector<6656x128xf32>
    %broadcast_in_dim3A = vector.shape_cast %get3A_3 : vector<6656xi32> to vector<6656x1xi32>
    %ne3A = arith.constant 0 : i32
    %ne3A_7 = vector.broadcast %ne3A : i32 to vector<6656x1xi32>
    %ne3A_8 = arith.cmpi ne, %broadcast_in_dim3A, %ne3A_7 : vector<6656x1xi32>
    %slice3A = vector.extract_strided_slice %get3A_6 {offsets = [0, 64], sizes = [6656, 64], strides = [1, 1]} : vector<6656x128xf32> to vector<6656x64xf32>
    %slice3A_9 = vector.extract_strided_slice %get3A_6 {offsets = [0, 0], sizes = [6656, 64], strides = [1, 1]} : vector<6656x128xf32> to vector<6656x64xf32>
    %broadcast_in_dim3A_10 = vector.shape_cast %ne3A_8 : vector<6656x1xi1> to vector<6656x1xi1>
    %broadcast_in_dim3A_11 = vector.broadcast %broadcast_in_dim3A_10 : vector<6656x1xi1> to vector<6656x64xi1>
    %select_n3A = arith.select %broadcast_in_dim3A_11, %slice3A, %slice3A_9 : vector<6656x64xi1>, vector<6656x64xf32>
    %broadcast_in_dim3A_12 = arith.constant 1.000000e+00 : f32
    %broadcast_in_dim3A_13 = vector.broadcast %broadcast_in_dim3A_12 : f32 to vector<1x64xf32>
    %mul3A = arith.mulf %select_n3A, %select_n3A : vector<6656x64xf32>
    %dot_general3A = arith.constant dense<0.000000e+00> : vector<1x6656xf32>
    %dot_general3A_14 = tpu.matmul %broadcast_in_dim3A_13, %mul3A, %dot_general3A {dimension_numbers = #tpu.dot_dimension_numbers<[1], [1], [0], [0], [0, 0, 1, 0], [], []>, transpose_lhs_hint = false} : vector<1x64xf32>, vector<6656x64xf32>, vector<1x6656xf32> -> vector<1x6656xf32>
    %slice3A_15 = vector.extract_strided_slice %dot_general3A_14 {offsets = [0, 0], sizes = [1, 128], strides = [1, 1]} : vector<1x6656xf32> to vector<1x128xf32>
    %slice3A_16 = vector.extract_strided_slice %dot_general3A_14 {offsets = [0, 128], sizes = [1, 128], strides = [1, 1]} : vector<1x6656xf32> to vector<1x128xf32>
    %slice3A_17 = vector.extract_strided_slice %dot_general3A_14 {offsets = [0, 256], sizes = [1, 6400], strides = [1, 1]} : vector<1x6656xf32> to vector<1x6400xf32>
    %slice3A_18 = vector.extract_strided_slice %select_n3A {offsets = [0, 0], sizes = [128, 64], strides = [1, 1]} : vector<6656x64xf32> to vector<128x64xf32>
    %slice3A_19 = vector.extract_strided_slice %select_n3A {offsets = [128, 0], sizes = [128, 64], strides = [1, 1]} : vector<6656x64xf32> to vector<128x64xf32>
    %slice3A_20 = vector.extract_strided_slice %select_n3A {offsets = [256, 0], sizes = [6400, 64], strides = [1, 1]} : vector<6656x64xf32> to vector<6400x64xf32>
    %mul3A_21 = arith.mulf %slice3A_18, %slice3A_19 : vector<128x64xf32>
    %dot_general3A_22 = arith.constant dense<0.000000e+00> : vector<1x128xf32>
    %dot_general3A_23 = tpu.matmul %broadcast_in_dim3A_13, %mul3A_21, %dot_general3A_22 {dimension_numbers = #tpu.dot_dimension_numbers<[1], [1], [0], [0], [0, 0, 1, 0], [], []>, transpose_lhs_hint = false} : vector<1x64xf32>, vector<128x64xf32>, vector<1x128xf32> -> vector<1x128xf32>
    %add3A = arith.addf %slice3A_15, %slice3A_16 : vector<1x128xf32>
    %mul3A_24 = arith.constant 2.000000e+00 : f32
    %mul3A_25 = vector.broadcast %mul3A_24 : f32 to vector<1x128xf32>
    %mul3A_26 = arith.mulf %mul3A_25, %dot_general3A_23 : vector<1x128xf32>
    %sub3A = arith.subf %add3A, %mul3A_26 : vector<1x128xf32>
    %sqrt3A = math.sqrt %slice3A_15 : vector<1x128xf32>
    %sqrt3A_27 = math.sqrt %sub3A : vector<1x128xf32>
    %add3A_28 = arith.constant 1.000000e+00 : f32
    %add3A_29 = vector.broadcast %add3A_28 : f32 to vector<1x128xf32>
    %add3A_30 = arith.addf %add3A_29, %slice3A_15 : vector<1x128xf32>
    %mul3A_31 = arith.mulf %dot_general3A_23, %add3A_30 : vector<1x128xf32>
    %add3A_32 = arith.constant 1.000000e+00 : f32
    %add3A_33 = vector.broadcast %add3A_32 : f32 to vector<1x128xf32>
    %add3A_34 = arith.addf %add3A_33, %slice3A_16 : vector<1x128xf32>
    %mul3A_35 = arith.mulf %slice3A_15, %add3A_34 : vector<1x128xf32>
    %sub3A_36 = arith.subf %mul3A_31, %mul3A_35 : vector<1x128xf32>
    %mul3A_37 = arith.mulf %slice3A_15, %slice3A_16 : vector<1x128xf32>
    %add3A_38 = arith.constant 1.000000e+00 : f32
    %add3A_39 = vector.broadcast %add3A_38 : f32 to vector<1x128xf32>
    %add3A_40 = arith.addf %add3A_39, %mul3A_37 : vector<1x128xf32>
    %mul3A_41 = arith.constant 2.000000e+00 : f32
    %mul3A_42 = vector.broadcast %mul3A_41 : f32 to vector<1x128xf32>
    %mul3A_43 = arith.mulf %mul3A_42, %dot_general3A_23 : vector<1x128xf32>
    %sub3A_44 = arith.subf %add3A_40, %mul3A_43 : vector<1x128xf32>
    %mul3A_45 = arith.mulf %sqrt3A, %sqrt3A_27 : vector<1x128xf32>
    %sqrt3A_46 = math.sqrt %sub3A_44 : vector<1x128xf32>
    %mul3A_47 = arith.mulf %mul3A_45, %sqrt3A_46 : vector<1x128xf32>
    %max3A = arith.constant 9.99999974E-6 : f32
    %max3A_48 = vector.broadcast %max3A : f32 to vector<1x128xf32>
    %max3A_49 = arith.maximumf %mul3A_47, %max3A_48 : vector<1x128xf32>
    %div3A = arith.divf %sub3A_36, %max3A_49 : vector<1x128xf32>
    %jit3A = arith.constant -9.990000e-01 : f32
    %jit3A_50 = arith.constant 9.990000e-01 : f32
    %max3A_51 = vector.broadcast %jit3A : f32 to vector<1x128xf32>
    %max3A_52 = arith.maximumf %max3A_51, %div3A : vector<1x128xf32>
    %min3A = vector.broadcast %jit3A_50 : f32 to vector<1x128xf32>
    %min3A_53 = arith.minimumf %min3A, %max3A_52 : vector<1x128xf32>
    %abs3A = math.absf %min3A_53 : vector<1x128xf32>
    %gt3A = arith.constant 5.000000e-01 : f32
    %gt3A_54 = vector.broadcast %gt3A : f32 to vector<1x128xf32>
    %gt3A_55 = arith.cmpf ogt, %abs3A, %gt3A_54 : vector<1x128xf32>
    %sub3A_56 = arith.constant 1.000000e+00 : f32
    %sub3A_57 = vector.broadcast %sub3A_56 : f32 to vector<1x128xf32>
    %sub3A_58 = arith.subf %sub3A_57, %abs3A : vector<1x128xf32>
    %mul3A_59 = arith.constant 5.000000e-01 : f32
    %mul3A_60 = vector.broadcast %mul3A_59 : f32 to vector<1x128xf32>
    %mul3A_61 = arith.mulf %mul3A_60, %sub3A_58 : vector<1x128xf32>
    %mul3A_62 = arith.mulf %abs3A, %abs3A : vector<1x128xf32>
    %select_n3A_63 = arith.select %gt3A_55, %mul3A_61, %mul3A_62 : vector<1x128xi1>, vector<1x128xf32>
    %sqrt3A_64 = math.sqrt %mul3A_61 : vector<1x128xf32>
    %select_n3A_65 = arith.select %gt3A_55, %sqrt3A_64, %abs3A : vector<1x128xi1>, vector<1x128xf32>
    %mul3A_66 = arith.constant 4.216320e-02 : f32
    %mul3A_67 = vector.broadcast %mul3A_66 : f32 to vector<1x128xf32>
    %mul3A_68 = arith.mulf %mul3A_67, %select_n3A_63 : vector<1x128xf32>
    %add3A_69 = arith.constant 0.024181312 : f32
    %add3A_70 = vector.broadcast %add3A_69 : f32 to vector<1x128xf32>
    %add3A_71 = arith.addf %mul3A_68, %add3A_70 : vector<1x128xf32>
    %mul3A_72 = arith.mulf %add3A_71, %select_n3A_63 : vector<1x128xf32>
    %add3A_73 = arith.constant 0.0454700254 : f32
    %add3A_74 = vector.broadcast %add3A_73 : f32 to vector<1x128xf32>
    %add3A_75 = arith.addf %mul3A_72, %add3A_74 : vector<1x128xf32>
    %mul3A_76 = arith.mulf %add3A_75, %select_n3A_63 : vector<1x128xf32>
    %add3A_77 = arith.constant 0.0749530047 : f32
    %add3A_78 = vector.broadcast %add3A_77 : f32 to vector<1x128xf32>
    %add3A_79 = arith.addf %mul3A_76, %add3A_78 : vector<1x128xf32>
    %mul3A_80 = arith.mulf %add3A_79, %select_n3A_63 : vector<1x128xf32>
    %add3A_81 = arith.constant 0.166667521 : f32
    %add3A_82 = vector.broadcast %add3A_81 : f32 to vector<1x128xf32>
    %add3A_83 = arith.addf %mul3A_80, %add3A_82 : vector<1x128xf32>
    %mul3A_84 = arith.mulf %select_n3A_65, %select_n3A_63 : vector<1x128xf32>
    %mul3A_85 = arith.mulf %mul3A_84, %add3A_83 : vector<1x128xf32>
    %add3A_86 = arith.addf %select_n3A_65, %mul3A_85 : vector<1x128xf32>
    %mul3A_87 = arith.constant 2.000000e+00 : f32
    %mul3A_88 = vector.broadcast %mul3A_87 : f32 to vector<1x128xf32>
    %mul3A_89 = arith.mulf %mul3A_88, %add3A_86 : vector<1x128xf32>
    %sub3A_90 = arith.constant 1.57079637 : f32
    %sub3A_91 = vector.broadcast %sub3A_90 : f32 to vector<1x128xf32>
    %sub3A_92 = arith.subf %sub3A_91, %mul3A_89 : vector<1x128xf32>
    %select_n3A_93 = arith.select %gt3A_55, %sub3A_92, %add3A_86 : vector<1x128xi1>, vector<1x128xf32>
    %sign3A = tpu.bitcast %min3A_53 : vector<1x128xf32> -> vector<1x128xi32>
    %sign3A_94 = arith.constant -2147483648 : i32
    %sign3A_95 = vector.broadcast %sign3A_94 : i32 to vector<1x128xi32>
    %sign3A_96 = arith.andi %sign3A, %sign3A_95 : vector<1x128xi32>
    %sign3A_97 = arith.constant 1065353216 : i32
    %sign3A_98 = vector.broadcast %sign3A_97 : i32 to vector<1x128xi32>
    %sign3A_99 = arith.ori %sign3A_98, %sign3A_96 : vector<1x128xi32>
    %sign3A_100 = tpu.bitcast %sign3A_99 : vector<1x128xi32> -> vector<1x128xf32>
    %sign3A_101 = math.absf %min3A_53 : vector<1x128xf32>
    %sign3A_102 = arith.constant 0.000000e+00 : f32
    %sign3A_103 = vector.broadcast %sign3A_102 : f32 to vector<1x128xf32>
    %sign3A_104 = arith.cmpf ogt, %sign3A_101, %sign3A_103 : vector<1x128xf32>
    %sign3A_105 = arith.select %sign3A_104, %sign3A_100, %min3A_53 : vector<1x128xi1>, vector<1x128xf32>
    %mul3A_106 = arith.mulf %sign3A_105, %select_n3A_93 : vector<1x128xf32>
    %sub3A_107 = arith.constant 1.57079637 : f32
    %sub3A_108 = vector.broadcast %sub3A_107 : f32 to vector<1x128xf32>
    %sub3A_109 = arith.subf %sub3A_108, %mul3A_106 : vector<1x128xf32>
    %sub3A_110 = arith.constant 1.52607155 : f32
    %sub3A_111 = vector.broadcast %sub3A_110 : f32 to vector<1x128xf32>
    %sub3A_112 = arith.subf %sub3A_109, %sub3A_111 : vector<1x128xf32>
    %jit3A_113 = arith.constant 0.000000e+00 : f32
    %max3A_114 = vector.broadcast %jit3A_113 : f32 to vector<1x128xf32>
    %max3A_115 = arith.maximumf %max3A_114, %sub3A_112 : vector<1x128xf32>
    %reshape3A = vector.shape_cast %slice3A_20 : vector<6400x64xf32> to vector<50x128x64xf32>
    %broadcast_in_dim3A_116 = vector.shape_cast %slice3A_19 : vector<128x64xf32> to vector<1x128x64xf32>
    %mul3A_117 = vector.broadcast %broadcast_in_dim3A_116 : vector<1x128x64xf32> to vector<50x128x64xf32>
    %mul3A_118 = arith.mulf %reshape3A, %mul3A_117 : vector<50x128x64xf32>
    %reshape3A_119 = vector.shape_cast %mul3A_118 : vector<50x128x64xf32> to vector<6400x64xf32>
    %dot_general3A_120 = arith.constant dense<0.000000e+00> : vector<1x6400xf32>
    %dot_general3A_121 = tpu.matmul %broadcast_in_dim3A_13, %reshape3A_119, %dot_general3A_120 {dimension_numbers = #tpu.dot_dimension_numbers<[1], [1], [0], [0], [0, 0, 1, 0], [], []>, transpose_lhs_hint = false} : vector<1x64xf32>, vector<6400x64xf32>, vector<1x6400xf32> -> vector<1x6400xf32>
    %concatenate3A = tpu.concatenate %slice3A_16, %slice3A_16, %slice3A_16, %slice3A_16, %slice3A_16, %slice3A_16, %slice3A_16, %slice3A_16, %slice3A_16, %slice3A_16, %slice3A_16, %slice3A_16, %slice3A_16, %slice3A_16, %slice3A_16, %slice3A_16, %slice3A_16, %slice3A_16, %slice3A_16, %slice3A_16, %slice3A_16, %slice3A_16, %slice3A_16, %slice3A_16, %slice3A_16, %slice3A_16, %slice3A_16, %slice3A_16, %slice3A_16, %slice3A_16, %slice3A_16, %slice3A_16, %slice3A_16, %slice3A_16, %slice3A_16, %slice3A_16, %slice3A_16, %slice3A_16, %slice3A_16, %slice3A_16, %slice3A_16, %slice3A_16, %slice3A_16, %slice3A_16, %slice3A_16, %slice3A_16, %slice3A_16, %slice3A_16, %slice3A_16, %slice3A_16 in 1 : vector<1x128xf32>, vector<1x128xf32>, vector<1x128xf32>, vector<1x128xf32>, vector<1x128xf32>, vector<1x128xf32>, vector<1x128xf32>, vector<1x128xf32>, vector<1x128xf32>, vector<1x128xf32>, vector<1x128xf32>, vector<1x128xf32>, vector<1x128xf32>, vector<1x128xf32>, vector<1x128xf32>, vector<1x128xf32>, vector<1x128xf32>, vector<1x128xf32>, vector<1x128xf32>, vector<1x128xf32>, vector<1x128xf32>, vector<1x128xf32>, vector<1x128xf32>, vector<1x128xf32>, vector<1x128xf32>, vector<1x128xf32>, vector<1x128xf32>, vector<1x128xf32>, vector<1x128xf32>, vector<1x128xf32>, vector<1x128xf32>, vector<1x128xf32>, vector<1x128xf32>, vector<1x128xf32>, vector<1x128xf32>, vector<1x128xf32>, vector<1x128xf32>, vector<1x128xf32>, vector<1x128xf32>, vector<1x128xf32>, vector<1x128xf32>, vector<1x128xf32>, vector<1x128xf32>, vector<1x128xf32>, vector<1x128xf32>, vector<1x128xf32>, vector<1x128xf32>, vector<1x128xf32>, vector<1x128xf32>, vector<1x128xf32> -> vector<1x6400xf32>
    %add3A_122 = arith.addf %concatenate3A, %slice3A_17 : vector<1x6400xf32>
    %mul3A_123 = arith.constant 2.000000e+00 : f32
    %mul3A_124 = vector.broadcast %mul3A_123 : f32 to vector<1x6400xf32>
    %mul3A_125 = arith.mulf %mul3A_124, %dot_general3A_121 : vector<1x6400xf32>
    %sub3A_126 = arith.subf %add3A_122, %mul3A_125 : vector<1x6400xf32>
    %sqrt3A_127 = math.sqrt %concatenate3A : vector<1x6400xf32>
    %sqrt3A_128 = math.sqrt %sub3A_126 : vector<1x6400xf32>
    %add3A_129 = arith.constant 1.000000e+00 : f32
    %add3A_130 = vector.broadcast %add3A_129 : f32 to vector<1x6400xf32>
    %add3A_131 = arith.addf %add3A_130, %concatenate3A : vector<1x6400xf32>
    %mul3A_132 = arith.mulf %dot_general3A_121, %add3A_131 : vector<1x6400xf32>
    %add3A_133 = arith.constant 1.000000e+00 : f32
    %add3A_134 = vector.broadcast %add3A_133 : f32 to vector<1x6400xf32>
    %add3A_135 = arith.addf %add3A_134, %slice3A_17 : vector<1x6400xf32>
    %mul3A_136 = arith.mulf %concatenate3A, %add3A_135 : vector<1x6400xf32>
    %sub3A_137 = arith.subf %mul3A_132, %mul3A_136 : vector<1x6400xf32>
    %mul3A_138 = arith.mulf %concatenate3A, %slice3A_17 : vector<1x6400xf32>
    %add3A_139 = arith.constant 1.000000e+00 : f32
    %add3A_140 = vector.broadcast %add3A_139 : f32 to vector<1x6400xf32>
    %add3A_141 = arith.addf %add3A_140, %mul3A_138 : vector<1x6400xf32>
    %mul3A_142 = arith.constant 2.000000e+00 : f32
    %mul3A_143 = vector.broadcast %mul3A_142 : f32 to vector<1x6400xf32>
    %mul3A_144 = arith.mulf %mul3A_143, %dot_general3A_121 : vector<1x6400xf32>
    %sub3A_145 = arith.subf %add3A_141, %mul3A_144 : vector<1x6400xf32>
    %mul3A_146 = arith.mulf %sqrt3A_127, %sqrt3A_128 : vector<1x6400xf32>
    %sqrt3A_147 = math.sqrt %sub3A_145 : vector<1x6400xf32>
    %mul3A_148 = arith.mulf %mul3A_146, %sqrt3A_147 : vector<1x6400xf32>
    %max3A_149 = arith.constant 9.99999974E-6 : f32
    %max3A_150 = vector.broadcast %max3A_149 : f32 to vector<1x6400xf32>
    %max3A_151 = arith.maximumf %mul3A_148, %max3A_150 : vector<1x6400xf32>
    %div3A_152 = arith.divf %sub3A_137, %max3A_151 : vector<1x6400xf32>
    %jit3A_153 = arith.constant -9.990000e-01 : f32
    %jit3A_154 = arith.constant 9.990000e-01 : f32
    %max3A_155 = vector.broadcast %jit3A_153 : f32 to vector<1x6400xf32>
    %max3A_156 = arith.maximumf %max3A_155, %div3A_152 : vector<1x6400xf32>
    %min3A_157 = vector.broadcast %jit3A_154 : f32 to vector<1x6400xf32>
    %min3A_158 = arith.minimumf %min3A_157, %max3A_156 : vector<1x6400xf32>
    %abs3A_159 = math.absf %min3A_158 : vector<1x6400xf32>
    %gt3A_160 = arith.constant 5.000000e-01 : f32
    %gt3A_161 = vector.broadcast %gt3A_160 : f32 to vector<1x6400xf32>
    %gt3A_162 = arith.cmpf ogt, %abs3A_159, %gt3A_161 : vector<1x6400xf32>
    %sub3A_163 = arith.constant 1.000000e+00 : f32
    %sub3A_164 = vector.broadcast %sub3A_163 : f32 to vector<1x6400xf32>
    %sub3A_165 = arith.subf %sub3A_164, %abs3A_159 : vector<1x6400xf32>
    %mul3A_166 = arith.constant 5.000000e-01 : f32
    %mul3A_167 = vector.broadcast %mul3A_166 : f32 to vector<1x6400xf32>
    %mul3A_168 = arith.mulf %mul3A_167, %sub3A_165 : vector<1x6400xf32>
    %mul3A_169 = arith.mulf %abs3A_159, %abs3A_159 : vector<1x6400xf32>
    %select_n3A_170 = arith.select %gt3A_162, %mul3A_168, %mul3A_169 : vector<1x6400xi1>, vector<1x6400xf32>
    %sqrt3A_171 = math.sqrt %mul3A_168 : vector<1x6400xf32>
    %select_n3A_172 = arith.select %gt3A_162, %sqrt3A_171, %abs3A_159 : vector<1x6400xi1>, vector<1x6400xf32>
    %mul3A_173 = arith.constant 4.216320e-02 : f32
    %mul3A_174 = vector.broadcast %mul3A_173 : f32 to vector<1x6400xf32>
    %mul3A_175 = arith.mulf %mul3A_174, %select_n3A_170 : vector<1x6400xf32>
    %add3A_176 = arith.constant 0.024181312 : f32
    %add3A_177 = vector.broadcast %add3A_176 : f32 to vector<1x6400xf32>
    %add3A_178 = arith.addf %mul3A_175, %add3A_177 : vector<1x6400xf32>
    %mul3A_179 = arith.mulf %add3A_178, %select_n3A_170 : vector<1x6400xf32>
    %add3A_180 = arith.constant 0.0454700254 : f32
    %add3A_181 = vector.broadcast %add3A_180 : f32 to vector<1x6400xf32>
    %add3A_182 = arith.addf %mul3A_179, %add3A_181 : vector<1x6400xf32>
    %mul3A_183 = arith.mulf %add3A_182, %select_n3A_170 : vector<1x6400xf32>
    %add3A_184 = arith.constant 0.0749530047 : f32
    %add3A_185 = vector.broadcast %add3A_184 : f32 to vector<1x6400xf32>
    %add3A_186 = arith.addf %mul3A_183, %add3A_185 : vector<1x6400xf32>
    %mul3A_187 = arith.mulf %add3A_186, %select_n3A_170 : vector<1x6400xf32>
    %add3A_188 = arith.constant 0.166667521 : f32
    %add3A_189 = vector.broadcast %add3A_188 : f32 to vector<1x6400xf32>
    %add3A_190 = arith.addf %mul3A_187, %add3A_189 : vector<1x6400xf32>
    %mul3A_191 = arith.mulf %select_n3A_172, %select_n3A_170 : vector<1x6400xf32>
    %mul3A_192 = arith.mulf %mul3A_191, %add3A_190 : vector<1x6400xf32>
    %add3A_193 = arith.addf %select_n3A_172, %mul3A_192 : vector<1x6400xf32>
    %mul3A_194 = arith.constant 2.000000e+00 : f32
    %mul3A_195 = vector.broadcast %mul3A_194 : f32 to vector<1x6400xf32>
    %mul3A_196 = arith.mulf %mul3A_195, %add3A_193 : vector<1x6400xf32>
    %sub3A_197 = arith.constant 1.57079637 : f32
    %sub3A_198 = vector.broadcast %sub3A_197 : f32 to vector<1x6400xf32>
    %sub3A_199 = arith.subf %sub3A_198, %mul3A_196 : vector<1x6400xf32>
    %select_n3A_200 = arith.select %gt3A_162, %sub3A_199, %add3A_193 : vector<1x6400xi1>, vector<1x6400xf32>
    %sign3A_201 = tpu.bitcast %min3A_158 : vector<1x6400xf32> -> vector<1x6400xi32>
    %sign3A_202 = arith.constant -2147483648 : i32
    %sign3A_203 = vector.broadcast %sign3A_202 : i32 to vector<1x6400xi32>
    %sign3A_204 = arith.andi %sign3A_201, %sign3A_203 : vector<1x6400xi32>
    %sign3A_205 = arith.constant 1065353216 : i32
    %sign3A_206 = vector.broadcast %sign3A_205 : i32 to vector<1x6400xi32>
    %sign3A_207 = arith.ori %sign3A_206, %sign3A_204 : vector<1x6400xi32>
    %sign3A_208 = tpu.bitcast %sign3A_207 : vector<1x6400xi32> -> vector<1x6400xf32>
    %sign3A_209 = math.absf %min3A_158 : vector<1x6400xf32>
    %sign3A_210 = arith.constant 0.000000e+00 : f32
    %sign3A_211 = vector.broadcast %sign3A_210 : f32 to vector<1x6400xf32>
    %sign3A_212 = arith.cmpf ogt, %sign3A_209, %sign3A_211 : vector<1x6400xf32>
    %sign3A_213 = arith.select %sign3A_212, %sign3A_208, %min3A_158 : vector<1x6400xi1>, vector<1x6400xf32>
    %mul3A_214 = arith.mulf %sign3A_213, %select_n3A_200 : vector<1x6400xf32>
    %sub3A_215 = arith.constant 1.57079637 : f32
    %sub3A_216 = vector.broadcast %sub3A_215 : f32 to vector<1x6400xf32>
    %sub3A_217 = arith.subf %sub3A_216, %mul3A_214 : vector<1x6400xf32>
    %sub3A_218 = arith.constant 1.52607155 : f32
    %sub3A_219 = vector.broadcast %sub3A_218 : f32 to vector<1x6400xf32>
    %sub3A_220 = arith.subf %sub3A_217, %sub3A_219 : vector<1x6400xf32>
    %jit3A_221 = arith.constant 0.000000e+00 : f32
    %max3A_222 = vector.broadcast %jit3A_221 : f32 to vector<1x6400xf32>
    %max3A_223 = arith.maximumf %max3A_222, %sub3A_220 : vector<1x6400xf32>
    %sub3A_224 = arith.constant 1.000000e+00 : f32
    %sub3A_225 = vector.broadcast %sub3A_224 : f32 to vector<1x6400xf32>
    %sub3A_226 = arith.subf %sub3A_225, %max3A_223 : vector<1x6400xf32>
    %jit3A_227 = arith.constant 0.000000e+00 : f32
    %max3A_228 = vector.broadcast %jit3A_227 : f32 to vector<1x6400xf32>
    %max3A_229 = arith.maximumf %max3A_228, %sub3A_226 : vector<1x6400xf32>
    %reduce_sum3A = vector.shape_cast %max3A_115 : vector<1x128xf32> to vector<1x1x128xf32>
    %reduce_sum3A_230 = arith.constant dense<0.000000e+00> : vector<1xf32>
    %reduce_sum3A_231 = vector.multi_reduction <add>, %reduce_sum3A, %reduce_sum3A_230 [1, 2] : vector<1x1x128xf32> to vector<1xf32>
    %reduce_sum3A_232 = vector.shape_cast %reduce_sum3A_231 : vector<1xf32> to vector<1x1x1xf32>
    %reduce_sum3A_233 = vector.extract %reduce_sum3A_232[0, 0, 0] : f32 from vector<1x1x1xf32>
    %reduce_sum3A_234 = vector.shape_cast %max3A_229 : vector<1x6400xf32> to vector<1x1x6400xf32>
    %reduce_sum3A_235 = arith.constant dense<0.000000e+00> : vector<1xf32>
    %reduce_sum3A_236 = vector.multi_reduction <add>, %reduce_sum3A_234, %reduce_sum3A_235 [1, 2] : vector<1x1x6400xf32> to vector<1xf32>
    %reduce_sum3A_237 = vector.shape_cast %reduce_sum3A_236 : vector<1xf32> to vector<1x1x1xf32>
    %reduce_sum3A_238 = vector.extract %reduce_sum3A_237[0, 0, 0] : f32 from vector<1x1x1xf32>
    %add3A_239 = arith.addf %reduce_sum3A_233, %reduce_sum3A_238 : f32
    %reshape3A_240 = vector.broadcast %add3A_239 : f32 to vector<1x1xf32>
    %eq3A = arith.constant 0 : i32
    %eq3A_241 = arith.cmpi eq, %arg0, %eq3A : i32
    %convert_element_type3A = arith.extui %eq3A_241 : i1 to i32
    %cond3A = arith.constant 0 : i32
    %cond3A_242 = arith.cmpi ne, %convert_element_type3A, %cond3A : i32
    scf.if %cond3A_242 {
      %broadcast_in_dim3A_249 = arith.constant 0.000000e+00 : f32
      %broadcast_in_dim3A_250 = vector.broadcast %broadcast_in_dim3A_249 : f32 to vector<1x1xf32>
      %swap3A_251 = arith.constant 0 : index
      %swap3A_252 = arith.constant 0 : index
      %swap3A_253 = vector.load %arg3[%swap3A_251, %swap3A_252] : memref<1x1xf32, #tpu.memory_space<vmem>>, vector<1x1xf32>
      tpu.vector_store %arg3[%swap3A_251, %swap3A_252], %broadcast_in_dim3A_250 {strides = array<i32>} : memref<1x1xf32, #tpu.memory_space<vmem>>, vector<1x1xf32>,
    } else {
    }
    %get3A_243 = arith.constant 0 : index
    %get3A_244 = arith.constant 0 : index
    %get3A_245 = vector.load %arg3[%get3A_243, %get3A_244] : memref<1x1xf32, #tpu.memory_space<vmem>>, vector<1x1xf32>
    %add3A_246 = arith.addf %get3A_245, %reshape3A_240 : vector<1x1xf32>
    %swap3A = arith.constant 0 : index
    %swap3A_247 = arith.constant 0 : index
    %swap3A_248 = vector.load %arg3[%swap3A, %swap3A_247] : memref<1x1xf32, #tpu.memory_space<vmem>>, vector<1x1xf32>
    tpu.vector_store %arg3[%swap3A, %swap3A_247], %add3A_246 {strides = array<i32>} : memref<1x1xf32, #tpu.memory_space<vmem>>, vector<1x1xf32>,
    return
  }
  func.func @transform_0(%arg0: i32) -> (i32, i32) {
    %c0_i32 = arith.constant 0 : i32
    %c0_i32_0 = arith.constant 0 : i32
    return %arg0, %c0_i32 : i32, i32
  }
  func.func @transform_1(%arg0: i32) -> (i32, i32, i32) {
    %c0_i32 = arith.constant 0 : i32
    %c0_i32_0 = arith.constant 0 : i32
    %c0_i32_1 = arith.constant 0 : i32
    return %arg0, %c0_i32, %c0_i32_0 : i32, i32, i32
  }
  func.func @transform_2(%arg0: i32) -> (i32, i32) {
    %c0_i32 = arith.constant 0 : i32
    %c0_i32_0 = arith.constant 0 : i32
    %c0_i32_1 = arith.constant 0 : i32
    return %c0_i32, %c0_i32_0 : i32, i32
  }
}

</mosaic_0001>

<sc_bundles>
// kernel: kernel.10.cloned.1.call-start
scs
__scs_entry_jumppad:
0x0: {  	(pc) =	sbr.rel $0x88, $3  }
0x1: {  	(tag) =	ssettag $0x0;
	lr =	simm.s32 $0x1  }
0x2: {  	[smem:$0x3F9D] =	sst lr;
	_ =	strace $0xD0000000  }
0x3: {  	_ = 	snop  }
0x4: {  	_ = 	snop  }
0x5: {  	_ = 	snop  }
0x6: {  	_ = 	snop  }
0x7: {  	_ = 	snop  }
__scs_overlays_trampoline_lowered:
0x8: {  	[smem:$0x3FAC] =	sst s0  }
0x9: {  	[smem:$0x3FAD] =	sst s1  }
0xa: {  	[smem:$0x3FAE] =	sst s2  }
0xb: {  	[smem:$0x3FAF] =	sst s3  }
0xc: {  	[smem:$0x3FB0] =	sst s4  }
0xd: {  	[smem:$0x3FB1] =	sst s5  }
0xe: {  	[smem:$0x3FB2] =	sst s6  }
0xf: {  	[smem:$0x3FB3] =	sst s7  }
0x10: {  	[smem:$0x3FB4] =	sst s8  }
0x11: {  	[smem:$0x3FB5] =	sst s9;
	s0 =	simm.s32 @!p0 $0x0  }
0x12: {  	s1 =	sld [smem:$0x3F9B];
	s0 =	simm.s32 @p0 $0x1  }
0x13: {  	[smem:$0x3FB6] =	sst s0;
	s0 =	simm.s32 @!p1 $0x0  }
0x14: {  	s2 =	sld [smem:$0x3F9A];
	s0 =	simm.s32 @p1 $0x1  }
0x15: {  	[smem:$0x3FB7] =	sst s0;
	s0 =	simm.s32 @!p2 $0x0  }
0x16: {  	s3 =	sld [smem:$0x3FDB];
	s0 =	simm.s32 @p2 $0x1  }
0x17: {  	s4 =	simm.s32 $0x1BF5;
	[smem:$0x3FB9] =	sst s0  }
0x18: {  	s0 =	sld [smem:$0x3F9C];
	_ =	swait.ge [sflag:s4], $0x0  }
0x19: {  	s7 =	sld [smem:$0x3F9D]  }
0x1a: {  	s8 =	sadd.s32 $0xFFFFE003, lr  }
0x1b: {  	s9 =	sadd.s32 $0xFFFFFEF7, lr;
	s5 =	simm.s32 $0xFFFFFFFF;
	p2 =	slt.u32 s8, $0xFFFFF086  }
0x1c: {  	p1 =	slt.u32 s9, $0xF7A;
	s5 =	simm.s32 @!p2 $0x0  }
0x1d: {  	s5 =	simm.s32 @p1 $0x1;
	p0 =	seq.s32 s7, s2  }
0x1e: {  	s7 =	smul.u32 @!p0 $0xF7A, s2;
	p2 =	seq.s32 @!p0 s5, $0x0  }
0x1f: {  	s9 =	smul.u32 $0xF7A, s1;
	s8 =	simm.s32 @!p0 $0x1BF5;
	p2 =	por !p2, p0  }
0x20: {  	[sflag:s8] =	ssyncset.s32 @!p0 $0xFFFFF086;
	s6 =	sadd.s32 @!p0 s3, s7;
	s7 =	simm.s32 @!p0 $0x108  }
0x21: {  	s3 =	sadd.s32 s3, s9;
	s6 =	sadd.s32 @!p0 $0x88, s6;
	s7 =	simm.s32 @p2 $0x1082  }
0x22: {  	[simem:s7], [sflag:s8] =	dma.local @!p0 [hbm:s6], $0xF7A  }
0x23: {  	s9 =	sor.u32 $0xD0000000, s2;
	s6 =	simm.s32 $0x108;
	_ =	swait.ge @!p0 [sflag:s8], $0x0  }
0x24: {  	s3 =	sadd.s32 $0x88, s3;
	s6 =	simm.s32 @!p1 $0x1082;
	[sflag:s4] =	ssyncset.s32 $0xFFFFF086  }
0x25: {  	[simem:s6], [sflag:s4] =	dma.local [hbm:s3], $0xF7A  }
0x26: {  	[smem:$0x3F9D] =	sst s1;
	(tag) =	ssettag s2;
	_ =	strace s9  }
0x27: {  	s1 =	sld [smem:$0x3FAD]  }
0x28: {  	s2 =	sld [smem:$0x3FAE]  }
0x29: {  	s4 =	sld [smem:$0x3FB0]  }
0x2a: {  	p0 =	seq.s32 s5, $0x0;
	s5 =	sld [smem:$0x3FB1]  }
0x2b: {  	s6 =	sld [smem:$0x3FB2]  }
0x2c: {  	s7 =	sld [smem:$0x3FB3]  }
0x2d: {  	s3 =	simm.s32 $0x108;
	s8 =	sld [smem:$0x3FB4]  }
0x2e: {  	s3 =	simm.s32 @!p0 $0x1082;
	s9 =	sld [smem:$0x3FB5]  }
0x2f: {  	lr =	sadd.s32 s0, s3;
	s0 =	sld [smem:$0x3FAC]  }
0x30: {  	s3 =	sld [smem:$0x3FAF]  }
0x31: {  	[smem:$0x3FB8] =	sst s10  }
0x32: {  	s10 =	sld [smem:$0x3FB6];
	_ =	sdelay $0x3  }
0x33: {  	p0 =	seq.s32 s10, $0x1;
	s10 =	sld [smem:$0x3FB8];
	_ =	sdelay $0x3  }
0x34: {  	[smem:$0x3FB8] =	sst s10  }
0x35: {  	s10 =	sld [smem:$0x3FB7];
	_ =	sdelay $0x3  }
0x36: {  	p1 =	seq.s32 s10, $0x1;
	s10 =	sld [smem:$0x3FB8];
	_ =	sdelay $0x3  }
0x37: {  	[smem:$0x3FB8] =	sst s10  }
0x38: {  	s10 =	sld [smem:$0x3FB9]  }
0x39: {  	_ = 	snop;
	(pc) =	sbr.ind lr, $3  }
0x3a: {  	_ = 	snop  }
0x3b: {  	_ = 	snop  }
0x3c: {  	p2 =	seq.s32 s10, $0x1;
	s10 =	sld [smem:$0x3FB8]  }
0x3d: {  	_ =	shalt  }
0x3e: {  	_ =	shalt  }
0x3f: {  	_ =	shalt  }
0x40: {  	_ =	shalt  }
0x41: {  	_ =	shalt  }
0x42: {  	_ =	shalt  }
0x43: {  	_ =	shalt  }
0x44: {  	_ =	shalt  }
0x45: {  	_ =	shalt  }
0x46: {  	_ =	shalt  }
0x47: {  	_ =	shalt  }
0x48: {  	_ =	shalt  }
0x49: {  	_ =	shalt  }
0x4a: {  	_ =	shalt  }
0x4b: {  	_ =	shalt  }
0x4c: {  	_ =	shalt  }
0x4d: {  	_ =	shalt  }
0x4e: {  	_ =	shalt  }
0x4f: {  	_ =	shalt  }
0x50: {  	_ =	shalt  }
0x51: {  	_ =	shalt  }
0x52: {  	_ =	shalt  }
0x53: {  	_ =	shalt  }
0x54: {  	_ =	shalt  }
0x55: {  	_ =	shalt  }
0x56: {  	_ =	shalt  }
0x57: {  	_ =	shalt  }
0x58: {  	_ =	shalt  }
0x59: {  	_ =	shalt  }
0x5a: {  	_ =	shalt  }
0x5b: {  	_ =	shalt  }
0x5c: {  	_ =	shalt  }
0x5d: {  	_ =	shalt  }
0x5e: {  	_ =	shalt  }
0x5f: {  	_ =	shalt  }
0x60: {  	_ =	shalt  }
0x61: {  	_ =	shalt  }
0x62: {  	_ =	shalt  }
0x63: {  	_ =	shalt  }
0x64: {  	_ =	shalt  }
0x65: {  	_ =	shalt  }
0x66: {  	_ =	shalt  }
0x67: {  	_ =	shalt  }
0x68: {  	_ =	shalt  }
0x69: {  	_ =	shalt  }
0x6a: {  	_ =	shalt  }
0x6b: {  	_ =	shalt  }
0x6c: {  	_ =	shalt  }
0x6d: {  	_ =	shalt  }
0x6e: {  	_ =	shalt  }
0x6f: {  	_ =	shalt  }
0x70: {  	_ =	shalt  }
0x71: {  	_ =	shalt  }
0x72: {  	_ =	shalt  }
0x73: {  	_ =	shalt  }
0x74: {  	_ =	shalt  }
0x75: {  	_ =	shalt  }
0x76: {  	_ =	shalt  }
0x77: {  	_ =	shalt  }
0x78: {  	_ =	shalt  }
0x79: {  	_ =	shalt  }
0x7a: {  	_ =	shalt  }
0x7b: {  	_ =	shalt  }
0x7c: {  	_ =	shalt  }
0x7d: {  	_ =	shalt  }
0x7e: {  	_ =	shalt  }
0x7f: {  	_ =	shalt  }
0x80: {  	_ =	shalt  }
0x81: {  	_ =	shalt  }
0x82: {  	_ =	shalt  }
0x83: {  	_ =	shalt  }
0x84: {  	_ =	shalt  }
0x85: {  	_ =	shalt  }
0x86: {  	_ =	shalt  }
0x87: {  	_ =	shalt  }
.Lfunc_end0:
.L_simem_size_0:
called_computation_lowered:
.L_overlay_start_0:
0x88: {  	s2 =	sld [smem:$0x3FD9]  }
0x89: {  	s3 =	sld [smem:$0x3FFE];
	_ =	sdelay $0x1  }
0x8a: {  	s1 =	srdreg.scid  }
0x8b: {  	s0 =	sand.u32 $0x1, s1  }
0x8c: {  	s16 =	sshll.u32 s0, $0xA;
	s2 =	sadd.s32 s3, s2  }
0x8d: {  	s2 =	sadd.s32 s2, s16  }
0x8e: {  	[smem:$0x3FC4] =	sst s2  }
0x8f: {  	_ = 	snop  }
0x90: {  	(tm) =	ssettm $0x1  }
0x91: {  	s17 =	sld [smem:$0x3FFB];
	_ =	sdelay $0x3  }
0x92: {  	_ =	strace s17  }
0x93: {  	s2 =	sld [smem:$0x3FFC];
	_ =	sdelay $0x3  }
0x94: {  	_ =	strace s2  }
0x95: {  	s2 =	sld [smem:$0x3FFD];
	_ =	sdelay $0x3  }
0x96: {  	_ =	strace s2  }
0x97: {  	_ =	strace $0x8FFFFFFF  }
0x98: {  	s18 =	sld [smem:$0x3FDB];
	_ =	sdelay $0x1  }
0x99: {  	s19 =	simm.s32 $_scs_section_size  }
0x9a: {  	s4 =	simm.s32 $_size__tile_overlayer_lowered;
	s5 =	simm.s32 $_tile_overlayer_lowered  }
0x9b: {  	s22 =	simm.s32 $0x1BFF;
	s21 =	sshll.u32 s5, $0x1;
	s2 =	sadd.s32 s19, s18  }
0x9c: {  	s6 =	simm.s32 $0x0;
	s20 =	sshll.u32 s4, $0x1;
	s4 =	sadd.s32 s21, s2  }
0x9d: {  	[timem:s6], [sflag:s22] =	dma.local [hbm:s4], s20  }
0x9e: {  	_ =	swait.ge [sflag:s22], s20  }
0x9f: {  	s3 =	ssub.s32 $0x0, s20;
	[sflag:s22] =	ssyncset.done $0x0  }
0xa0: {  	[sflag:s22] =	ssyncadd.s32 s3;
	_ =	sdelay $0x1  }
0xa1: {  	s23 =	simm.s32 $0x1B8B  }
0xa2: {  	_ =	swait.ge [sflag:s23], $0x1  }
0xa3: {  	[sflag:s23] =	ssyncset.done $0x0  }
0xa4: {  	s25 =	simm.s32 $0x1B8E;
	s24 =	sld [smem:$0x3FFE];
	[sflag:s23] =	ssyncadd.s32 $0xFFFFFFFF  }
0xa5: {  	s26 =	simm.s32 $execute0_lowered;
	[smem:$0x3FD2] =	sst s25  }
0xa6: {  	s4 =	sshll.u32 s26, $0x1;
	_ =	strace $0x80000046;
	[dreg:$0x1] =	wrdreg $0xFFFFFFFF  }
0xa7: {  	s28 =	simm.s32 $_size_execute0_lowered;
	s2 =	sadd.s32 s2, s4;
	[dreg:$0x0] =	wrdreg $0x0  }
0xa8: {  	s4 =	sshll.u32 s28, $0x1;
	[dreg:$0x2] =	wrdreg s2  }
0xa9: {  	[dreg:$0x3] =	wrdreg s4  }
0xaa: {  	[dreg:$0x4] =	wrdreg $0xC0  }
0xab: {  	_ =	task [dreg:s6], $0x5FFFF  }
0xac: {  	[dreg:$0x1] =	wrdreg $0xFFFFFFFF  }
0xad: {  	[dreg:$0x0] =	wrdreg $0x60  }
0xae: {  	[dreg:$0x2] =	wrdreg s24  }
0xaf: {  	[dreg:$0x3] =	wrdreg $0x9  }
0xb0: {  	_ =	task.clear_ibuf [dreg:s6], $0x4FFFF;
	_ =	strace $0x90000046  }
0xb1: {  	s29 =	simm.s32 $0x9;
	_ =	strace $0x80000048  }
0xb2: {  	_ =	swait.ge [sflag:s29], $0x1  }
0xb3: {  	[sflag:s29] =	ssyncadd.s32 $0xFFFFFFFF  }
0xb4: {  	_ =	strace $0x90000048  }
0xb5: {  	_ =	sfence  }
0xb6: {  	s30 =	sld [smem:$0x0];
	_ =	sdelay $0x2  }
0xb7: {  	s31 =	sshll.u32 s1, $0xD;
	s1 =	sshrl.u32 s1, $0x2  }
0xb8: {  	s3 =	sand.u32 $0x4000, s31;
	s1 =	sadd.s32 s1, s30  }
0xb9: {  	s0 =	sor.u32 s3, s0;
	s1 =	sshll.u32 s1, $0x11  }
0xba: {  	s0 =	sor.u32 s1, s0  }
0xbb: {  	s0 =	sadd.s32 $0x8F2B, s0  }
0xbc: {  	[sflag:s0] =	ssyncadd.remote.s32 $0x1  }
0xbd: {  	_ =	sfence.sel $0xFFFF  }
0xbe: {  	[dreg:$0x0] =	wrdreg $0xFFFFFFFF;
	(pc) =	sbr.abs _section_cstart, $3  }
0xbf: {  	[dreg:$0x1] =	wrdreg $0xFFFFFFFF  }
0xc0: {  	_ =	task.clear_ibuf [dreg:s6], $0x2FFFF;
	_ =	strace $0x9FFFFFFF  }
0xc1: {  	(tm) =	ssettm $0x7FFFFFFF  }
tec
execute0_lowered:
.L_overlay_start_1:
0x0: {  	(tag) =	ssettag $0x1  }
0x1: {  	s1 =	srdreg.scid;
	s0 =	stileid.u32  }
0x2: {  	s29 =	sand.u32 $0x1, s1;
	s24 =	sshll.u32 s0, $0x1  }
0x3: {  	s12 =	sor.u32 s29, s24  }
0x4: {  	s28 =	smul.u32 $0x680, s12  }
0x5: {  	s13 =	rddreg [dreg:$0x0];
	s2 =	simm.s32 $0x0  }
0x6: {  	[smem:$0x7FF] =	sst s2;
	s26 =	sadd.s32 $0x9200, s13;
	s3 =	sshrl.u32 s28, $0x3  }
0x7: {  	s4 =	simm.s32 $0x5;
	_ =	strace $0x80000047;
	s3 =	sadd.s32 s26, s3  }
0x8: {  	[tilespmem:s2], [sflag:$0x5] =	stream.linear.gather [hbm4b:s3+s2], $0xD0, $0x38;
	[tilespmem:$0xD200] =	vst v63  }
0x9: {  	s6 =	simm.s32 $0xD0;
	_ =	swait.ge [sflag:s4], $0xD0  }
0xa: {  	s7 =	simm.s32 $0x200;
	s16 =	sadd.s32 $0xD0, s28;
	[sflag:s4] =	ssyncset.done $0x0  }
0xb: {  	s5 =	sadd.s32 $0x188C00, s13;
	s8 =	sshrl.u32 s16, $0x3;
	[sflag:s4] =	ssyncadd.s32 $0xFFFFFF30  }
0xc: {  	[tilespmem:s7], [sflag:$0x1] =	stream.indirect.gather [hbm4b:s5+s6], $0x80, s2, s6, $0xb8;
	[tilespmem:$0xD200] =	vst v63  }
0xd: {  	s9 =	simm.s32 $0x100;
	s8 =	sadd.s32 s26, s8  }
0xe: {  	[tilespmem:s9], [sflag:$0x5] =	stream.linear.gather [hbm4b:s8+s2], $0xD0, $0x38;
	[tilespmem:$0xD200] =	vst v63  }
0xf: {  	_ =	swait.ge [sflag:s4], $0xD0  }
0x10: {  	[sflag:s4] =	ssyncset.done $0x0  }
0x11: {  	s10 =	simm.s32 $0x6A00;
	s11 =	simm.s32 $0x1;
	[sflag:s4] =	ssyncadd.s32 $0xFFFFFF30  }
0x12: {  	[tilespmem:s10], [sflag:$0x2] =	stream.indirect.gather [hbm4b:s5+s6], $0x80, s9, s6, $0xb8;
	[tilespmem:$0xD200] =	vst v63  }
0x13: {  	s12 =	smul.u32 $0x6800, s12;
	_ =	swait.ge [sflag:s11], $0x6800  }
0x14: {  	s30 =	sadd.s32 $0xAC00, s13;
	s19 =	sadd.s32 $0x1A0, s28;
	[sflag:s11] =	ssyncset.done $0x0  }
0x15: {  	s12 =	sadd.s32 s30, s12;
	s25 =	sshrl.u32 s19, $0x3;
	[sflag:s11] =	ssyncadd.s32 $0xFFFF9800  }
0x16: {  	[hbm4b:s12+s2] =	stream.linear.scatter [tilespmem:s7], [sflag:$0x3], $0x6800, $0x38;
	[tilespmem:$0xD200] =	vst v63  }
0x17: {  	s13 =	sadd.s32 s26, s25  }
0x18: {  	[tilespmem:s2], [sflag:$0x5] =	stream.linear.gather [hbm4b:s13+s2], $0xD0, $0x38;
	[tilespmem:$0xD200] =	vst v63  }
0x19: {  	_ =	swait.ge [sflag:s4], $0xD0  }
0x1a: {  	[sflag:s4] =	ssyncset.done $0x0  }
0x1b: {  	s14 =	simm.s32 $0x3;
	[sflag:s4] =	ssyncadd.s32 $0xFFFFFF30  }
0x1c: {  	_ =	swait.ge [sflag:s14], $0x6800  }
0x1d: {  	[sflag:s14] =	ssyncset.done $0x0  }
0x1e: {  	s15 =	simm.s32 $0x2;
	[sflag:s14] =	ssyncadd.s32 $0xFFFF9800  }
0x1f: {  	[tilespmem:s7], [sflag:$0x1] =	stream.indirect.gather [hbm4b:s5+s6], $0x80, s2, s6, $0xb8;
	[tilespmem:$0xD200] =	vst v63  }
0x20: {  	_ =	swait.ge [sflag:s15], $0x6800  }
0x21: {  	s21 =	sadd.s32 $0x270, s28;
	s16 =	sshll.u32 s16, $0x4;
	[sflag:s15] =	ssyncset.done $0x0  }
0x22: {  	s17 =	sshrl.u32 s21, $0x3;
	s16 =	sadd.s32 s30, s16;
	[sflag:s15] =	ssyncadd.s32 $0xFFFF9800  }
0x23: {  	[hbm4b:s16+s2] =	stream.linear.scatter [tilespmem:s10], [sflag:$0x4], $0x6800, $0x38;
	[tilespmem:$0xD200] =	vst v63  }
0x24: {  	s17 =	sadd.s32 s26, s17  }
0x25: {  	[tilespmem:s9], [sflag:$0x5] =	stream.linear.gather [hbm4b:s17+s2], $0xD0, $0x38;
	[tilespmem:$0xD200] =	vst v63  }
0x26: {  	_ =	swait.ge [sflag:s4], $0xD0  }
0x27: {  	[sflag:s4] =	ssyncset.done $0x0  }
0x28: {  	s18 =	simm.s32 $0x4;
	[sflag:s4] =	ssyncadd.s32 $0xFFFFFF30  }
0x29: {  	_ =	swait.ge [sflag:s18], $0x6800  }
0x2a: {  	[sflag:s18] =	ssyncset.done $0x0  }
0x2b: {  	[sflag:s18] =	ssyncadd.s32 $0xFFFF9800  }
0x2c: {  	[tilespmem:s10], [sflag:$0x2] =	stream.indirect.gather [hbm4b:s5+s6], $0x80, s9, s6, $0xb8;
	[tilespmem:$0xD200] =	vst v63  }
0x2d: {  	_ =	swait.ge [sflag:s11], $0x6800  }
0x2e: {  	s23 =	sadd.s32 $0x340, s28;
	s19 =	sshll.u32 s19, $0x4;
	[sflag:s11] =	ssyncset.done $0x0  }
0x2f: {  	s20 =	sshrl.u32 s23, $0x3;
	s19 =	sadd.s32 s30, s19;
	[sflag:s11] =	ssyncadd.s32 $0xFFFF9800  }
0x30: {  	[hbm4b:s19+s2] =	stream.linear.scatter [tilespmem:s7], [sflag:$0x3], $0x6800, $0x38;
	[tilespmem:$0xD200] =	vst v63  }
0x31: {  	s20 =	sadd.s32 s26, s20  }
0x32: {  	[tilespmem:s2], [sflag:$0x5] =	stream.linear.gather [hbm4b:s20+s2], $0xD0, $0x38;
	[tilespmem:$0xD200] =	vst v63  }
0x33: {  	_ =	swait.ge [sflag:s4], $0xD0  }
0x34: {  	[sflag:s4] =	ssyncset.done $0x0  }
0x35: {  	[sflag:s4] =	ssyncadd.s32 $0xFFFFFF30  }
0x36: {  	_ =	swait.ge [sflag:s14], $0x6800  }
0x37: {  	[sflag:s14] =	ssyncset.done $0x0  }
0x38: {  	[sflag:s14] =	ssyncadd.s32 $0xFFFF9800  }
0x39: {  	[tilespmem:s7], [sflag:$0x1] =	stream.indirect.gather [hbm4b:s5+s6], $0x80, s2, s6, $0xb8;
	[tilespmem:$0xD200] =	vst v63  }
0x3a: {  	_ =	swait.ge [sflag:s15], $0x6800  }
0x3b: {  	s21 =	sshll.u32 s21, $0x4;
	s25 =	sadd.s32 $0x410, s28;
	[sflag:s15] =	ssyncset.done $0x0  }
0x3c: {  	s21 =	sadd.s32 s30, s21;
	s22 =	sshrl.u32 s25, $0x3;
	[sflag:s15] =	ssyncadd.s32 $0xFFFF9800  }
0x3d: {  	[hbm4b:s21+s2] =	stream.linear.scatter [tilespmem:s10], [sflag:$0x4], $0x6800, $0x38;
	[tilespmem:$0xD200] =	vst v63  }
0x3e: {  	s22 =	sadd.s32 s26, s22  }
0x3f: {  	[tilespmem:s9], [sflag:$0x5] =	stream.linear.gather [hbm4b:s22+s2], $0xD0, $0x38;
	[tilespmem:$0xD200] =	vst v63  }
0x40: {  	_ =	swait.ge [sflag:s4], $0xD0  }
0x41: {  	[sflag:s4] =	ssyncset.done $0x0  }
0x42: {  	[sflag:s4] =	ssyncadd.s32 $0xFFFFFF30  }
0x43: {  	_ =	swait.ge [sflag:s18], $0x6800  }
0x44: {  	[sflag:s18] =	ssyncset.done $0x0  }
0x45: {  	[sflag:s18] =	ssyncadd.s32 $0xFFFF9800  }
0x46: {  	[tilespmem:s10], [sflag:$0x2] =	stream.indirect.gather [hbm4b:s5+s6], $0x80, s9, s6, $0xb8;
	[tilespmem:$0xD200] =	vst v63  }
0x47: {  	_ =	swait.ge [sflag:s11], $0x6800  }
0x48: {  	s31 =	sadd.s32 $0x4E0, s28;
	s23 =	sshll.u32 s23, $0x4;
	[sflag:s11] =	ssyncset.done $0x0  }
0x49: {  	s24 =	sshrl.u32 s31, $0x3;
	s23 =	sadd.s32 s30, s23;
	[sflag:s11] =	ssyncadd.s32 $0xFFFF9800  }
0x4a: {  	[hbm4b:s23+s2] =	stream.linear.scatter [tilespmem:s7], [sflag:$0x3], $0x6800, $0x38;
	[tilespmem:$0xD200] =	vst v63  }
0x4b: {  	s24 =	sadd.s32 s26, s24  }
0x4c: {  	[tilespmem:s2], [sflag:$0x5] =	stream.linear.gather [hbm4b:s24+s2], $0xD0, $0x38;
	[tilespmem:$0xD200] =	vst v63  }
0x4d: {  	_ =	swait.ge [sflag:s4], $0xD0  }
0x4e: {  	[sflag:s4] =	ssyncset.done $0x0  }
0x4f: {  	[sflag:s4] =	ssyncadd.s32 $0xFFFFFF30  }
0x50: {  	_ =	swait.ge [sflag:s14], $0x6800  }
0x51: {  	[sflag:s14] =	ssyncset.done $0x0  }
0x52: {  	[sflag:s14] =	ssyncadd.s32 $0xFFFF9800  }
0x53: {  	[tilespmem:s7], [sflag:$0x1] =	stream.indirect.gather [hbm4b:s5+s6], $0x80, s2, s6, $0xb8;
	[tilespmem:$0xD200] =	vst v63  }
0x54: {  	_ =	swait.ge [sflag:s15], $0x6800  }
0x55: {  	s1 =	sadd.s32 $0x5B0, s28;
	s25 =	sshll.u32 s25, $0x4;
	[sflag:s15] =	ssyncset.done $0x0  }
0x56: {  	s28 =	sshrl.u32 s1, $0x3;
	s25 =	sadd.s32 s30, s25;
	[sflag:s15] =	ssyncadd.s32 $0xFFFF9800  }
0x57: {  	[hbm4b:s25+s2] =	stream.linear.scatter [tilespmem:s10], [sflag:$0x4], $0x6800, $0x38;
	[tilespmem:$0xD200] =	vst v63  }
0x58: {  	s26 =	sadd.s32 s26, s28  }
0x59: {  	[tilespmem:s9], [sflag:$0x5] =	stream.linear.gather [hbm4b:s26+s2], $0xD0, $0x38;
	[tilespmem:$0xD200] =	vst v63  }
0x5a: {  	_ =	swait.ge [sflag:s4], $0xD0  }
0x5b: {  	[sflag:s4] =	ssyncset.done $0x0  }
0x5c: {  	[sflag:s4] =	ssyncadd.s32 $0xFFFFFF30  }
0x5d: {  	_ =	swait.ge [sflag:s18], $0x6800  }
0x5e: {  	[sflag:s18] =	ssyncset.done $0x0  }
0x5f: {  	[sflag:s18] =	ssyncadd.s32 $0xFFFF9800  }
0x60: {  	[tilespmem:s10], [sflag:$0x2] =	stream.indirect.gather [hbm4b:s5+s6], $0x80, s9, s6, $0xb8;
	[tilespmem:$0xD200] =	vst v63  }
0x61: {  	_ =	swait.ge [sflag:s11], $0x6800  }
0x62: {  	s28 =	sshll.u32 s31, $0x4;
	[sflag:s11] =	ssyncset.done $0x0  }
0x63: {  	s29 =	ssub.s32 $0x2, s29;
	s28 =	sadd.s32 s30, s28;
	[sflag:s11] =	ssyncadd.s32 $0xFFFF9800  }
0x64: {  	[hbm4b:s28+s2] =	stream.linear.scatter [tilespmem:s7], [sflag:$0x3], $0x6800, $0x38;
	[tilespmem:$0xD200] =	vst v63  }
0x65: {  	s31 =	sshrl.u32 s29, $0x1;
	_ =	swait.ge [sflag:s14], $0x6800  }
0x66: {  	s31 =	ssub.s32 s29, s31;
	[sflag:s14] =	ssyncset.done $0x0  }
0x67: {  	s31 =	smax.u32 s31, $0x1;
	[sflag:s14] =	ssyncadd.s32 $0xFFFF9800  }
0x68: {  	p0 =	sne.s32 s31, $0x1;
	_ =	swait.ge [sflag:s15], $0x6800  }
.Ltmp0:
0x69: {  	s1 =	sshll.u32 s1, $0x4;
	[sflag:s15] =	ssyncset.done $0x0;
	(pc) =	sbr.rel @!p0 .LBB2_2-.Ltmp0, $4  }
0x6a: {  	s29 =	sadd.s32 s30, s1;
	[sflag:s15] =	ssyncadd.s32 $0xFFFF9800  }
0x6b: {  	[hbm4b:s29+s2] =	stream.linear.scatter [tilespmem:s10], [sflag:$0x4], $0x6800, $0x38;
	[tilespmem:$0xD200] =	vst v63  }
0x6c: {  	_ =	swait.ge [sflag:s18], $0x6800  }
0x6d: {  	s30 =	sadd.s32 $0xFFFFFFFF, s31;
	[sflag:s18] =	ssyncset.done $0x0  }
.LBB2_1:
0x6e: {  	p0 =	sne.s32 s30, $0x1;
	s30 =	sadd.s32 $0xFFFFFFFF, s30;
	[sflag:s18] =	ssyncadd.s32 $0xFFFF9800  }
0x6f: {  	[tilespmem:s2], [sflag:$0x5] =	stream.linear.gather [hbm4b:s3+s2], $0xD0, $0x38;
	[tilespmem:$0xD200] =	vst v63  }
0x70: {  	_ =	swait.ge [sflag:s4], $0xD0  }
0x71: {  	[sflag:s4] =	ssyncset.done $0x0  }
0x72: {  	[sflag:s4] =	ssyncadd.s32 $0xFFFFFF30  }
0x73: {  	[tilespmem:s7], [sflag:$0x1] =	stream.indirect.gather [hbm4b:s5+s6], $0x80, s2, s6, $0xb8;
	[tilespmem:$0xD200] =	vst v63  }
0x74: {  	_ = 	snop  }
0x75: {  	[tilespmem:s9], [sflag:$0x5] =	stream.linear.gather [hbm4b:s8+s2], $0xD0, $0x38;
	[tilespmem:$0xD200] =	vst v63  }
0x76: {  	_ =	swait.ge [sflag:s4], $0xD0  }
0x77: {  	[sflag:s4] =	ssyncset.done $0x0  }
0x78: {  	[sflag:s4] =	ssyncadd.s32 $0xFFFFFF30  }
0x79: {  	[tilespmem:s10], [sflag:$0x2] =	stream.indirect.gather [hbm4b:s5+s6], $0x80, s9, s6, $0xb8;
	[tilespmem:$0xD200] =	vst v63  }
0x7a: {  	_ =	swait.ge [sflag:s11], $0x6800  }
0x7b: {  	[sflag:s11] =	ssyncset.done $0x0  }
0x7c: {  	[sflag:s11] =	ssyncadd.s32 $0xFFFF9800  }
0x7d: {  	[hbm4b:s12+s2] =	stream.linear.scatter [tilespmem:s7], [sflag:$0x3], $0x6800, $0x38;
	[tilespmem:$0xD200] =	vst v63  }
0x7e: {  	_ = 	snop  }
0x7f: {  	[tilespmem:s2], [sflag:$0x5] =	stream.linear.gather [hbm4b:s13+s2], $0xD0, $0x38;
	[tilespmem:$0xD200] =	vst v63  }
0x80: {  	_ =	swait.ge [sflag:s4], $0xD0  }
0x81: {  	[sflag:s4] =	ssyncset.done $0x0  }
0x82: {  	[sflag:s4] =	ssyncadd.s32 $0xFFFFFF30  }
0x83: {  	_ =	swait.ge [sflag:s14], $0x6800  }
0x84: {  	[sflag:s14] =	ssyncset.done $0x0  }
0x85: {  	[sflag:s14] =	ssyncadd.s32 $0xFFFF9800  }
0x86: {  	[tilespmem:s7], [sflag:$0x1] =	stream.indirect.gather [hbm4b:s5+s6], $0x80, s2, s6, $0xb8;
	[tilespmem:$0xD200] =	vst v63  }
0x87: {  	_ =	swait.ge [sflag:s15], $0x6800  }
0x88: {  	[sflag:s15] =	ssyncset.done $0x0  }
0x89: {  	[sflag:s15] =	ssyncadd.s32 $0xFFFF9800  }
0x8a: {  	[hbm4b:s16+s2] =	stream.linear.scatter [tilespmem:s10], [sflag:$0x4], $0x6800, $0x38;
	[tilespmem:$0xD200] =	vst v63  }
0x8b: {  	_ = 	snop  }
0x8c: {  	[tilespmem:s9], [sflag:$0x5] =	stream.linear.gather [hbm4b:s17+s2], $0xD0, $0x38;
	[tilespmem:$0xD200] =	vst v63  }
0x8d: {  	_ =	swait.ge [sflag:s4], $0xD0  }
0x8e: {  	[sflag:s4] =	ssyncset.done $0x0  }
0x8f: {  	[sflag:s4] =	ssyncadd.s32 $0xFFFFFF30  }
0x90: {  	_ =	swait.ge [sflag:s18], $0x6800  }
0x91: {  	[sflag:s18] =	ssyncset.done $0x0  }
0x92: {  	[sflag:s18] =	ssyncadd.s32 $0xFFFF9800  }
0x93: {  	[tilespmem:s10], [sflag:$0x2] =	stream.indirect.gather [hbm4b:s5+s6], $0x80, s9, s6, $0xb8;
	[tilespmem:$0xD200] =	vst v63  }
0x94: {  	_ =	swait.ge [sflag:s11], $0x6800  }
0x95: {  	[sflag:s11] =	ssyncset.done $0x0  }
0x96: {  	[sflag:s11] =	ssyncadd.s32 $0xFFFF9800  }
0x97: {  	[hbm4b:s19+s2] =	stream.linear.scatter [tilespmem:s7], [sflag:$0x3], $0x6800, $0x38;
	[tilespmem:$0xD200] =	vst v63  }
0x98: {  	_ = 	snop  }
0x99: {  	[tilespmem:s2], [sflag:$0x5] =	stream.linear.gather [hbm4b:s20+s2], $0xD0, $0x38;
	[tilespmem:$0xD200] =	vst v63  }
0x9a: {  	_ =	swait.ge [sflag:s4], $0xD0  }
0x9b: {  	[sflag:s4] =	ssyncset.done $0x0  }
0x9c: {  	[sflag:s4] =	ssyncadd.s32 $0xFFFFFF30  }
0x9d: {  	_ =	swait.ge [sflag:s14], $0x6800  }
0x9e: {  	[sflag:s14] =	ssyncset.done $0x0  }
0x9f: {  	[sflag:s14] =	ssyncadd.s32 $0xFFFF9800  }
0xa0: {  	[tilespmem:s7], [sflag:$0x1] =	stream.indirect.gather [hbm4b:s5+s6], $0x80, s2, s6, $0xb8;
	[tilespmem:$0xD200] =	vst v63  }
0xa1: {  	_ =	swait.ge [sflag:s15], $0x6800  }
0xa2: {  	[sflag:s15] =	ssyncset.done $0x0  }
0xa3: {  	[sflag:s15] =	ssyncadd.s32 $0xFFFF9800  }
0xa4: {  	[hbm4b:s21+s2] =	stream.linear.scatter [tilespmem:s10], [sflag:$0x4], $0x6800, $0x38;
	[tilespmem:$0xD200] =	vst v63  }
0xa5: {  	_ = 	snop  }
0xa6: {  	[tilespmem:s9], [sflag:$0x5] =	stream.linear.gather [hbm4b:s22+s2], $0xD0, $0x38;
	[tilespmem:$0xD200] =	vst v63  }
0xa7: {  	_ =	swait.ge [sflag:s4], $0xD0  }
0xa8: {  	[sflag:s4] =	ssyncset.done $0x0  }
0xa9: {  	[sflag:s4] =	ssyncadd.s32 $0xFFFFFF30  }
0xaa: {  	_ =	swait.ge [sflag:s18], $0x6800  }
0xab: {  	[sflag:s18] =	ssyncset.done $0x0  }
0xac: {  	[sflag:s18] =	ssyncadd.s32 $0xFFFF9800  }
0xad: {  	[tilespmem:s10], [sflag:$0x2] =	stream.indirect.gather [hbm4b:s5+s6], $0x80, s9, s6, $0xb8;
	[tilespmem:$0xD200] =	vst v63  }
0xae: {  	_ =	swait.ge [sflag:s11], $0x6800  }
0xaf: {  	[sflag:s11] =	ssyncset.done $0x0  }
0xb0: {  	[sflag:s11] =	ssyncadd.s32 $0xFFFF9800  }
0xb1: {  	[hbm4b:s23+s2] =	stream.linear.scatter [tilespmem:s7], [sflag:$0x3], $0x6800, $0x38;
	[tilespmem:$0xD200] =	vst v63  }
0xb2: {  	_ = 	snop  }
0xb3: {  	[tilespmem:s2], [sflag:$0x5] =	stream.linear.gather [hbm4b:s24+s2], $0xD0, $0x38;
	[tilespmem:$0xD200] =	vst v63  }
0xb4: {  	_ =	swait.ge [sflag:s4], $0xD0  }
0xb5: {  	[sflag:s4] =	ssyncset.done $0x0  }
0xb6: {  	[sflag:s4] =	ssyncadd.s32 $0xFFFFFF30  }
0xb7: {  	_ =	swait.ge [sflag:s14], $0x6800  }
0xb8: {  	[sflag:s14] =	ssyncset.done $0x0  }
0xb9: {  	[sflag:s14] =	ssyncadd.s32 $0xFFFF9800  }
0xba: {  	[tilespmem:s7], [sflag:$0x1] =	stream.indirect.gather [hbm4b:s5+s6], $0x80, s2, s6, $0xb8;
	[tilespmem:$0xD200] =	vst v63  }
0xbb: {  	_ =	swait.ge [sflag:s15], $0x6800  }
0xbc: {  	[sflag:s15] =	ssyncset.done $0x0  }
0xbd: {  	[sflag:s15] =	ssyncadd.s32 $0xFFFF9800  }
0xbe: {  	[hbm4b:s25+s2] =	stream.linear.scatter [tilespmem:s10], [sflag:$0x4], $0x6800, $0x38;
	[tilespmem:$0xD200] =	vst v63  }
0xbf: {  	_ = 	snop  }
0xc0: {  	[tilespmem:s9], [sflag:$0x5] =	stream.linear.gather [hbm4b:s26+s2], $0xD0, $0x38;
	[tilespmem:$0xD200] =	vst v63  }
0xc1: {  	_ =	swait.ge [sflag:s4], $0xD0  }
0xc2: {  	[sflag:s4] =	ssyncset.done $0x0  }
0xc3: {  	[sflag:s4] =	ssyncadd.s32 $0xFFFFFF30  }
0xc4: {  	_ =	swait.ge [sflag:s18], $0x6800  }
0xc5: {  	[sflag:s18] =	ssyncset.done $0x0  }
0xc6: {  	[sflag:s18] =	ssyncadd.s32 $0xFFFF9800  }
0xc7: {  	[tilespmem:s10], [sflag:$0x2] =	stream.indirect.gather [hbm4b:s5+s6], $0x80, s9, s6, $0xb8;
	[tilespmem:$0xD200] =	vst v63  }
0xc8: {  	_ =	swait.ge [sflag:s11], $0x6800  }
0xc9: {  	[sflag:s11] =	ssyncset.done $0x0  }
0xca: {  	[sflag:s11] =	ssyncadd.s32 $0xFFFF9800  }
0xcb: {  	[hbm4b:s28+s2] =	stream.linear.scatter [tilespmem:s7], [sflag:$0x3], $0x6800, $0x38;
	[tilespmem:$0xD200] =	vst v63  }
0xcc: {  	_ =	swait.ge [sflag:s14], $0x6800  }
0xcd: {  	[sflag:s14] =	ssyncset.done $0x0  }
0xce: {  	[sflag:s14] =	ssyncadd.s32 $0xFFFF9800  }
0xcf: {  	_ =	swait.ge [sflag:s15], $0x6800  }
.Ltmp1:
0xd0: {  	[sflag:s15] =	ssyncset.done $0x0;
	(pc) =	sbr.rel @p0 .LBB2_1-.Ltmp1, $4  }
0xd1: {  	[sflag:s15] =	ssyncadd.s32 $0xFFFF9800  }
0xd2: {  	[hbm4b:s29+s2] =	stream.linear.scatter [tilespmem:s10], [sflag:$0x4], $0x6800, $0x38;
	[tilespmem:$0xD200] =	vst v63  }
0xd3: {  	_ =	swait.ge [sflag:s18], $0x6800  }
0xd4: {  	[sflag:s18] =	ssyncset.done $0x0  }
.LBB2_2:
0xd5: {  	[sflag:s18] =	ssyncadd.s32 $0xFFFF9800  }
0xd6: {  	_ =	sfence.sel $0x180000  }
0xd7: {  	[bflag:$0x0] =	sbarrier.arrive $0xFFFF  }
0xd8: {  	_ =	strace $0x90000047  }
0xd9: {  	[bflag:$0x2] =	sbarrier.arrive $0xFFFF  }
0xda: {  	p0 =	sne.s32 s0, $0x0;
	s0 =	rddreg [dreg:$0x1]  }
0xdb: {  	s0 =	sadd.s32 @!p0 $0x100000, s0  }
0xdc: {  	[sflag:s0] =	ssyncadd.tile.s32 @!p0 $0x1;
	_ =	shalt  }
.Lfunc_end2:
_tile_overlayer_lowered:
.L_overlay_start_2:
0xdd: {  	(tag) =	ssettag $0x2  }
0xde: {  	s0 =	rddreg [dreg:$0x0];
	s2 =	stileid.u32  }
0xdf: {  	s1 =	rddreg [dreg:$0x1];
	p0 =	sne.s32 s2, $0x0  }
0xe0: {  	s3 =	rddreg [dreg:$0x2];
	[bflag:$0x3] =	sbarrier.arrive $0xFFFF;
	s2 =	simm.s32 @!p0 $0x1C05  }
0xe1: {  	[timem:s3], [sflag:s2] =	dma.local @!p0 [hbm:s0], s1  }
0xe2: {  	s0 =	simm.s32 @!p0 $0x5  }
0xe3: {  	_ =	swait.ge @!p0 [sflag:s0], s1  }
0xe4: {  	s1 =	ssub.s32 @!p0 $0x0, s1;
	[sflag:s0] =	ssyncset.done @!p0 $0x0  }
0xe5: {  	[sflag:s0] =	ssyncadd.s32 @!p0 s1  }
0xe6: {  	[bflag:$0x3] =	sbarrier.arrive $0xFFFF  }
0xe7: {  	_ =	shalt  }

// kernel: kernel.13.cloned.1.call-start
scs
__scs_entry_jumppad:
0x0: {  	(pc) =	sbr.rel $0x88, $3  }
0x1: {  	(tag) =	ssettag $0x0;
	lr =	simm.s32 $0x1  }
0x2: {  	[smem:$0x3F9D] =	sst lr;
	_ =	strace $0xD0000000  }
0x3: {  	_ = 	snop  }
0x4: {  	_ = 	snop  }
0x5: {  	_ = 	snop  }
0x6: {  	_ = 	snop  }
0x7: {  	_ = 	snop  }
__scs_overlays_trampoline_lowered:
0x8: {  	[smem:$0x3FAC] =	sst s0  }
0x9: {  	[smem:$0x3FAD] =	sst s1  }
0xa: {  	[smem:$0x3FAE] =	sst s2  }
0xb: {  	[smem:$0x3FAF] =	sst s3  }
0xc: {  	[smem:$0x3FB0] =	sst s4  }
0xd: {  	[smem:$0x3FB1] =	sst s5  }
0xe: {  	[smem:$0x3FB2] =	sst s6  }
0xf: {  	[smem:$0x3FB3] =	sst s7  }
0x10: {  	[smem:$0x3FB4] =	sst s8  }
0x11: {  	[smem:$0x3FB5] =	sst s9;
	s0 =	simm.s32 @!p0 $0x0  }
0x12: {  	s1 =	sld [smem:$0x3F9B];
	s0 =	simm.s32 @p0 $0x1  }
0x13: {  	[smem:$0x3FB6] =	sst s0;
	s0 =	simm.s32 @!p1 $0x0  }
0x14: {  	s2 =	sld [smem:$0x3F9A];
	s0 =	simm.s32 @p1 $0x1  }
0x15: {  	[smem:$0x3FB7] =	sst s0;
	s0 =	simm.s32 @!p2 $0x0  }
0x16: {  	s3 =	sld [smem:$0x3FDB];
	s0 =	simm.s32 @p2 $0x1  }
0x17: {  	s4 =	simm.s32 $0x1BF5;
	[smem:$0x3FB9] =	sst s0  }
0x18: {  	s0 =	sld [smem:$0x3F9C];
	_ =	swait.ge [sflag:s4], $0x0  }
0x19: {  	s7 =	sld [smem:$0x3F9D]  }
0x1a: {  	s8 =	sadd.s32 $0xFFFFE003, lr  }
0x1b: {  	s9 =	sadd.s32 $0xFFFFFEF7, lr;
	s5 =	simm.s32 $0xFFFFFFFF;
	p2 =	slt.u32 s8, $0xFFFFF086  }
0x1c: {  	p1 =	slt.u32 s9, $0xF7A;
	s5 =	simm.s32 @!p2 $0x0  }
0x1d: {  	s5 =	simm.s32 @p1 $0x1;
	p0 =	seq.s32 s7, s2  }
0x1e: {  	s7 =	smul.u32 @!p0 $0xF7A, s2;
	p2 =	seq.s32 @!p0 s5, $0x0  }
0x1f: {  	s9 =	smul.u32 $0xF7A, s1;
	s8 =	simm.s32 @!p0 $0x1BF5;
	p2 =	por !p2, p0  }
0x20: {  	[sflag:s8] =	ssyncset.s32 @!p0 $0xFFFFF086;
	s6 =	sadd.s32 @!p0 s3, s7;
	s7 =	simm.s32 @!p0 $0x108  }
0x21: {  	s3 =	sadd.s32 s3, s9;
	s6 =	sadd.s32 @!p0 $0x88, s6;
	s7 =	simm.s32 @p2 $0x1082  }
0x22: {  	[simem:s7], [sflag:s8] =	dma.local @!p0 [hbm:s6], $0xF7A  }
0x23: {  	s9 =	sor.u32 $0xD0000000, s2;
	s6 =	simm.s32 $0x108;
	_ =	swait.ge @!p0 [sflag:s8], $0x0  }
0x24: {  	s3 =	sadd.s32 $0x88, s3;
	s6 =	simm.s32 @!p1 $0x1082;
	[sflag:s4] =	ssyncset.s32 $0xFFFFF086  }
0x25: {  	[simem:s6], [sflag:s4] =	dma.local [hbm:s3], $0xF7A  }
0x26: {  	[smem:$0x3F9D] =	sst s1;
	(tag) =	ssettag s2;
	_ =	strace s9  }
0x27: {  	s1 =	sld [smem:$0x3FAD]  }
0x28: {  	s2 =	sld [smem:$0x3FAE]  }
0x29: {  	s4 =	sld [smem:$0x3FB0]  }
0x2a: {  	p0 =	seq.s32 s5, $0x0;
	s5 =	sld [smem:$0x3FB1]  }
0x2b: {  	s6 =	sld [smem:$0x3FB2]  }
0x2c: {  	s7 =	sld [smem:$0x3FB3]  }
0x2d: {  	s3 =	simm.s32 $0x108;
	s8 =	sld [smem:$0x3FB4]  }
0x2e: {  	s3 =	simm.s32 @!p0 $0x1082;
	s9 =	sld [smem:$0x3FB5]  }
0x2f: {  	lr =	sadd.s32 s0, s3;
	s0 =	sld [smem:$0x3FAC]  }
0x30: {  	s3 =	sld [smem:$0x3FAF]  }
0x31: {  	[smem:$0x3FB8] =	sst s10  }
0x32: {  	s10 =	sld [smem:$0x3FB6];
	_ =	sdelay $0x3  }
0x33: {  	p0 =	seq.s32 s10, $0x1;
	s10 =	sld [smem:$0x3FB8];
	_ =	sdelay $0x3  }
0x34: {  	[smem:$0x3FB8] =	sst s10  }
0x35: {  	s10 =	sld [smem:$0x3FB7];
	_ =	sdelay $0x3  }
0x36: {  	p1 =	seq.s32 s10, $0x1;
	s10 =	sld [smem:$0x3FB8];
	_ =	sdelay $0x3  }
0x37: {  	[smem:$0x3FB8] =	sst s10  }
0x38: {  	s10 =	sld [smem:$0x3FB9]  }
0x39: {  	_ = 	snop;
	(pc) =	sbr.ind lr, $3  }
0x3a: {  	_ = 	snop  }
0x3b: {  	_ = 	snop  }
0x3c: {  	p2 =	seq.s32 s10, $0x1;
	s10 =	sld [smem:$0x3FB8]  }
0x3d: {  	_ =	shalt  }
0x3e: {  	_ =	shalt  }
0x3f: {  	_ =	shalt  }
0x40: {  	_ =	shalt  }
0x41: {  	_ =	shalt  }
0x42: {  	_ =	shalt  }
0x43: {  	_ =	shalt  }
0x44: {  	_ =	shalt  }
0x45: {  	_ =	shalt  }
0x46: {  	_ =	shalt  }
0x47: {  	_ =	shalt  }
0x48: {  	_ =	shalt  }
0x49: {  	_ =	shalt  }
0x4a: {  	_ =	shalt  }
0x4b: {  	_ =	shalt  }
0x4c: {  	_ =	shalt  }
0x4d: {  	_ =	shalt  }
0x4e: {  	_ =	shalt  }
0x4f: {  	_ =	shalt  }
0x50: {  	_ =	shalt  }
0x51: {  	_ =	shalt  }
0x52: {  	_ =	shalt  }
0x53: {  	_ =	shalt  }
0x54: {  	_ =	shalt  }
0x55: {  	_ =	shalt  }
0x56: {  	_ =	shalt  }
0x57: {  	_ =	shalt  }
0x58: {  	_ =	shalt  }
0x59: {  	_ =	shalt  }
0x5a: {  	_ =	shalt  }
0x5b: {  	_ =	shalt  }
0x5c: {  	_ =	shalt  }
0x5d: {  	_ =	shalt  }
0x5e: {  	_ =	shalt  }
0x5f: {  	_ =	shalt  }
0x60: {  	_ =	shalt  }
0x61: {  	_ =	shalt  }
0x62: {  	_ =	shalt  }
0x63: {  	_ =	shalt  }
0x64: {  	_ =	shalt  }
0x65: {  	_ =	shalt  }
0x66: {  	_ =	shalt  }
0x67: {  	_ =	shalt  }
0x68: {  	_ =	shalt  }
0x69: {  	_ =	shalt  }
0x6a: {  	_ =	shalt  }
0x6b: {  	_ =	shalt  }
0x6c: {  	_ =	shalt  }
0x6d: {  	_ =	shalt  }
0x6e: {  	_ =	shalt  }
0x6f: {  	_ =	shalt  }
0x70: {  	_ =	shalt  }
0x71: {  	_ =	shalt  }
0x72: {  	_ =	shalt  }
0x73: {  	_ =	shalt  }
0x74: {  	_ =	shalt  }
0x75: {  	_ =	shalt  }
0x76: {  	_ =	shalt  }
0x77: {  	_ =	shalt  }
0x78: {  	_ =	shalt  }
0x79: {  	_ =	shalt  }
0x7a: {  	_ =	shalt  }
0x7b: {  	_ =	shalt  }
0x7c: {  	_ =	shalt  }
0x7d: {  	_ =	shalt  }
0x7e: {  	_ =	shalt  }
0x7f: {  	_ =	shalt  }
0x80: {  	_ =	shalt  }
0x81: {  	_ =	shalt  }
0x82: {  	_ =	shalt  }
0x83: {  	_ =	shalt  }
0x84: {  	_ =	shalt  }
0x85: {  	_ =	shalt  }
0x86: {  	_ =	shalt  }
0x87: {  	_ =	shalt  }
.Lfunc_end0:
.L_simem_size_0:
called_computation.1_lowered:
.L_overlay_start_0:
0x88: {  	s2 =	sld [smem:$0x3FD9]  }
0x89: {  	s3 =	sld [smem:$0x3FFE];
	_ =	sdelay $0x1  }
0x8a: {  	s1 =	srdreg.scid  }
0x8b: {  	s0 =	sand.u32 $0x1, s1  }
0x8c: {  	s17 =	sshll.u32 s0, $0xA;
	s2 =	sadd.s32 s3, s2  }
0x8d: {  	s2 =	sadd.s32 s2, s17  }
0x8e: {  	[smem:$0x3FC4] =	sst s2  }
0x8f: {  	_ = 	snop  }
0x90: {  	(tm) =	ssettm $0x1  }
0x91: {  	s18 =	sld [smem:$0x3FFB];
	_ =	sdelay $0x3  }
0x92: {  	_ =	strace s18  }
0x93: {  	s2 =	sld [smem:$0x3FFC];
	_ =	sdelay $0x3  }
0x94: {  	_ =	strace s2  }
0x95: {  	s2 =	sld [smem:$0x3FFD];
	_ =	sdelay $0x3  }
0x96: {  	_ =	strace s2  }
0x97: {  	_ =	strace $0x8FFFFFFF  }
0x98: {  	s19 =	sld [smem:$0x3FDB];
	_ =	sdelay $0x1  }
0x99: {  	s20 =	simm.s32 $_scs_section_size  }
0x9a: {  	s4 =	simm.s32 $_size__tile_overlayer_lowered;
	s5 =	simm.s32 $_tile_overlayer_lowered  }
0x9b: {  	s6 =	simm.s32 $0x1BFF;
	s21 =	sshll.u32 s5, $0x1;
	s3 =	sadd.s32 s20, s19  }
0x9c: {  	s22 =	simm.s32 $0x0;
	s4 =	sshll.u32 s4, $0x1;
	s5 =	sadd.s32 s21, s3  }
0x9d: {  	[timem:s22], [sflag:s6] =	dma.local [hbm:s5], s4  }
0x9e: {  	_ =	swait.ge [sflag:s6], s4  }
0x9f: {  	s4 =	ssub.s32 $0x0, s4;
	[sflag:s6] =	ssyncset.done $0x0  }
0xa0: {  	[sflag:s6] =	ssyncadd.s32 s4;
	_ =	sdelay $0x1  }
0xa1: {  	s23 =	simm.s32 $0x1B8B  }
0xa2: {  	_ =	swait.ge [sflag:s23], $0x1  }
0xa3: {  	[sflag:s23] =	ssyncset.done $0x0  }
0xa4: {  	[sflag:s23] =	ssyncadd.s32 $0xFFFFFFFF  }
0xa5: {  	s4 =	sld [smem:$0x0]  }
0xa6: {  	s5 =	sand.u32 $0xFFFFFFFE, s1  }
0xa7: {  	p0 =	sne.s32 s1, s5  }
0xa8: {  	s5 =	sshll.u32 @p0 s5, $0xE  }
0xa9: {  	s5 =	sadd.s32 @p0 $0x11B8D, s5;
	s6 =	sshll.u32 @p0 s4, $0x11  }
0xaa: {  	s5 =	sor.u32 @p0 s6, s5  }
0xab: {  	[sflag:s5] =	ssyncadd.remote.s32 @p0 $0x1;
	_ =	sdelay $0x1  }
0xac: {  	s5 =	simm.s32 @p0 $0x1B8D  }
0xad: {  	_ =	swait.eq @p0 [sflag:s5], $0x1  }
0xae: {  	[sflag:s5] =	ssyncadd.s32 @p0 $0xFFFFFFFF  }
0xaf: {  	s6 =	sshll.u32 @!p0 s1, $0xE  }
0xb0: {  	s6 =	sor.u32 @!p0 $0x4000, s6;
	s5 =	simm.s32 @!p0 $0x1B8D  }
0xb1: {  	s4 =	sshll.u32 @!p0 s4, $0x11;
	s6 =	sadd.s32 @!p0 $0x11B8D, s6;
	_ =	swait.eq @!p0 [sflag:s5], $0x1  }
0xb2: {  	s4 =	sor.u32 @!p0 s4, s6;
	[sflag:s5] =	ssyncadd.s32 @!p0 $0xFFFFFFFF  }
0xb3: {  	s25 =	simm.s32 $0x1B8E;
	s24 =	sld [smem:$0x3FFE];
	[sflag:s4] =	ssyncadd.remote.s32 @!p0 $0x1  }
0xb4: {  	s26 =	simm.s32 $execute0_lowered;
	[smem:$0x3FD2] =	sst s25  }
0xb5: {  	s5 =	sshll.u32 s26, $0x1;
	_ =	strace $0x80000049;
	[dreg:$0x1] =	wrdreg $0xFFFFFFFF  }
0xb6: {  	s28 =	simm.s32 $_size_execute0_lowered;
	s3 =	sadd.s32 s3, s5;
	[dreg:$0x0] =	wrdreg $0x0  }
0xb7: {  	s5 =	sshll.u32 s28, $0x1;
	[dreg:$0x2] =	wrdreg s3  }
0xb8: {  	[dreg:$0x3] =	wrdreg s5  }
0xb9: {  	[dreg:$0x4] =	wrdreg $0xC0  }
0xba: {  	_ =	task [dreg:s22], $0x5FFFF  }
0xbb: {  	[dreg:$0x1] =	wrdreg $0xFFFFFFFF  }
0xbc: {  	[dreg:$0x0] =	wrdreg $0x60  }
0xbd: {  	[dreg:$0x2] =	wrdreg s24  }
0xbe: {  	[dreg:$0x3] =	wrdreg $0xA  }
0xbf: {  	_ =	task.clear_ibuf [dreg:s22], $0x4FFFF;
	_ =	strace $0x90000049  }
0xc0: {  	s29 =	simm.s32 $0xA;
	_ =	strace $0x8000004B  }
0xc1: {  	_ =	swait.ge [sflag:s29], $0x1  }
0xc2: {  	[sflag:s29] =	ssyncadd.s32 $0xFFFFFFFF  }
0xc3: {  	_ =	strace $0x9000004B  }
0xc4: {  	_ =	sfence  }
0xc5: {  	s30 =	sld [smem:$0x0];
	_ =	sdelay $0x2  }
0xc6: {  	s31 =	sshll.u32 s1, $0xD;
	s1 =	sshrl.u32 s1, $0x2  }
0xc7: {  	s4 =	sand.u32 $0x4000, s31;
	s1 =	sadd.s32 s1, s30  }
0xc8: {  	s0 =	sor.u32 s4, s0;
	s1 =	sshll.u32 s1, $0x11  }
0xc9: {  	s0 =	sor.u32 s1, s0  }
0xca: {  	s0 =	sadd.s32 $0x8F2B, s0  }
0xcb: {  	[sflag:s0] =	ssyncadd.remote.s32 $0x1  }
0xcc: {  	_ =	sfence.sel $0xFFFF  }
0xcd: {  	[dreg:$0x0] =	wrdreg $0xFFFFFFFF;
	(pc) =	sbr.abs _section_cstart, $3  }
0xce: {  	[dreg:$0x1] =	wrdreg $0xFFFFFFFF  }
0xcf: {  	_ =	task.clear_ibuf [dreg:s22], $0x2FFFF;
	_ =	strace $0x9FFFFFFF  }
0xd0: {  	(tm) =	ssettm $0x7FFFFFFF  }
0xd1: {  	_ =	shalt  }
tec
execute0_lowered:
.L_overlay_start_1:
0x0: {  	(tag) =	ssettag $0x1  }
0x1: {  	s1 =	srdreg.scid;
	s0 =	stileid.u32  }
0x2: {  	s29 =	sand.u32 $0x1, s1;
	s24 =	sshll.u32 s0, $0x1  }
0x3: {  	s12 =	sor.u32 s29, s24  }
0x4: {  	s28 =	smul.u32 $0x680, s12  }
0x5: {  	s13 =	rddreg [dreg:$0x0];
	s2 =	simm.s32 $0x0  }
0x6: {  	[smem:$0x7FF] =	sst s2;
	s26 =	sadd.s32 $0xDAC00, s13;
	s3 =	sshrl.u32 s28, $0x3  }
0x7: {  	s4 =	simm.s32 $0x5;
	_ =	strace $0x8000004A;
	s3 =	sadd.s32 s26, s3  }
0x8: {  	[tilespmem:s2], [sflag:$0x5] =	stream.linear.gather [hbm4b:s3+s2], $0xD0, $0x38;
	[tilespmem:$0xD200] =	vst v63  }
0x9: {  	s6 =	simm.s32 $0xD0;
	_ =	swait.ge [sflag:s4], $0xD0  }
0xa: {  	s7 =	simm.s32 $0x200;
	s16 =	sadd.s32 $0xD0, s28;
	[sflag:s4] =	ssyncset.done $0x0  }
0xb: {  	s5 =	sadd.s32 $0x188C00, s13;
	s8 =	sshrl.u32 s16, $0x3;
	[sflag:s4] =	ssyncadd.s32 $0xFFFFFF30  }
0xc: {  	[tilespmem:s7], [sflag:$0x1] =	stream.indirect.gather [hbm4b:s5+s6], $0x80, s2, s6, $0xb8;
	[tilespmem:$0xD200] =	vst v63  }
0xd: {  	s9 =	simm.s32 $0x100;
	s8 =	sadd.s32 s26, s8  }
0xe: {  	[tilespmem:s9], [sflag:$0x5] =	stream.linear.gather [hbm4b:s8+s2], $0xD0, $0x38;
	[tilespmem:$0xD200] =	vst v63  }
0xf: {  	_ =	swait.ge [sflag:s4], $0xD0  }
0x10: {  	[sflag:s4] =	ssyncset.done $0x0  }
0x11: {  	s10 =	simm.s32 $0x6A00;
	s11 =	simm.s32 $0x1;
	[sflag:s4] =	ssyncadd.s32 $0xFFFFFF30  }
0x12: {  	[tilespmem:s10], [sflag:$0x2] =	stream.indirect.gather [hbm4b:s5+s6], $0x80, s9, s6, $0xb8;
	[tilespmem:$0xD200] =	vst v63  }
0x13: {  	s12 =	smul.u32 $0x6800, s12;
	_ =	swait.ge [sflag:s11], $0x6800  }
0x14: {  	s30 =	sadd.s32 $0x24C200, s13;
	s19 =	sadd.s32 $0x1A0, s28;
	[sflag:s11] =	ssyncset.done $0x0  }
0x15: {  	s12 =	sadd.s32 s30, s12;
	s25 =	sshrl.u32 s19, $0x3;
	[sflag:s11] =	ssyncadd.s32 $0xFFFF9800  }
0x16: {  	[hbm4b:s12+s2] =	stream.linear.scatter [tilespmem:s7], [sflag:$0x3], $0x6800, $0x38;
	[tilespmem:$0xD200] =	vst v63  }
0x17: {  	s13 =	sadd.s32 s26, s25  }
0x18: {  	[tilespmem:s2], [sflag:$0x5] =	stream.linear.gather [hbm4b:s13+s2], $0xD0, $0x38;
	[tilespmem:$0xD200] =	vst v63  }
0x19: {  	_ =	swait.ge [sflag:s4], $0xD0  }
0x1a: {  	[sflag:s4] =	ssyncset.done $0x0  }
0x1b: {  	s14 =	simm.s32 $0x3;
	[sflag:s4] =	ssyncadd.s32 $0xFFFFFF30  }
0x1c: {  	_ =	swait.ge [sflag:s14], $0x6800  }
0x1d: {  	[sflag:s14] =	ssyncset.done $0x0  }
0x1e: {  	s15 =	simm.s32 $0x2;
	[sflag:s14] =	ssyncadd.s32 $0xFFFF9800  }
0x1f: {  	[tilespmem:s7], [sflag:$0x1] =	stream.indirect.gather [hbm4b:s5+s6], $0x80, s2, s6, $0xb8;
	[tilespmem:$0xD200] =	vst v63  }
0x20: {  	_ =	swait.ge [sflag:s15], $0x6800  }
0x21: {  	s21 =	sadd.s32 $0x270, s28;
	s16 =	sshll.u32 s16, $0x4;
	[sflag:s15] =	ssyncset.done $0x0  }
0x22: {  	s17 =	sshrl.u32 s21, $0x3;
	s16 =	sadd.s32 s30, s16;
	[sflag:s15] =	ssyncadd.s32 $0xFFFF9800  }
0x23: {  	[hbm4b:s16+s2] =	stream.linear.scatter [tilespmem:s10], [sflag:$0x4], $0x6800, $0x38;
	[tilespmem:$0xD200] =	vst v63  }
0x24: {  	s17 =	sadd.s32 s26, s17  }
0x25: {  	[tilespmem:s9], [sflag:$0x5] =	stream.linear.gather [hbm4b:s17+s2], $0xD0, $0x38;
	[tilespmem:$0xD200] =	vst v63  }
0x26: {  	_ =	swait.ge [sflag:s4], $0xD0  }
0x27: {  	[sflag:s4] =	ssyncset.done $0x0  }
0x28: {  	s18 =	simm.s32 $0x4;
	[sflag:s4] =	ssyncadd.s32 $0xFFFFFF30  }
0x29: {  	_ =	swait.ge [sflag:s18], $0x6800  }
0x2a: {  	[sflag:s18] =	ssyncset.done $0x0  }
0x2b: {  	[sflag:s18] =	ssyncadd.s32 $0xFFFF9800  }
0x2c: {  	[tilespmem:s10], [sflag:$0x2] =	stream.indirect.gather [hbm4b:s5+s6], $0x80, s9, s6, $0xb8;
	[tilespmem:$0xD200] =	vst v63  }
0x2d: {  	_ =	swait.ge [sflag:s11], $0x6800  }
0x2e: {  	s23 =	sadd.s32 $0x340, s28;
	s19 =	sshll.u32 s19, $0x4;
	[sflag:s11] =	ssyncset.done $0x0  }
0x2f: {  	s20 =	sshrl.u32 s23, $0x3;
	s19 =	sadd.s32 s30, s19;
	[sflag:s11] =	ssyncadd.s32 $0xFFFF9800  }
0x30: {  	[hbm4b:s19+s2] =	stream.linear.scatter [tilespmem:s7], [sflag:$0x3], $0x6800, $0x38;
	[tilespmem:$0xD200] =	vst v63  }
0x31: {  	s20 =	sadd.s32 s26, s20  }
0x32: {  	[tilespmem:s2], [sflag:$0x5] =	stream.linear.gather [hbm4b:s20+s2], $0xD0, $0x38;
	[tilespmem:$0xD200] =	vst v63  }
0x33: {  	_ =	swait.ge [sflag:s4], $0xD0  }
0x34: {  	[sflag:s4] =	ssyncset.done $0x0  }
0x35: {  	[sflag:s4] =	ssyncadd.s32 $0xFFFFFF30  }
0x36: {  	_ =	swait.ge [sflag:s14], $0x6800  }
0x37: {  	[sflag:s14] =	ssyncset.done $0x0  }
0x38: {  	[sflag:s14] =	ssyncadd.s32 $0xFFFF9800  }
0x39: {  	[tilespmem:s7], [sflag:$0x1] =	stream.indirect.gather [hbm4b:s5+s6], $0x80, s2, s6, $0xb8;
	[tilespmem:$0xD200] =	vst v63  }
0x3a: {  	_ =	swait.ge [sflag:s15], $0x6800  }
0x3b: {  	s21 =	sshll.u32 s21, $0x4;
	s25 =	sadd.s32 $0x410, s28;
	[sflag:s15] =	ssyncset.done $0x0  }
0x3c: {  	s21 =	sadd.s32 s30, s21;
	s22 =	sshrl.u32 s25, $0x3;
	[sflag:s15] =	ssyncadd.s32 $0xFFFF9800  }
0x3d: {  	[hbm4b:s21+s2] =	stream.linear.scatter [tilespmem:s10], [sflag:$0x4], $0x6800, $0x38;
	[tilespmem:$0xD200] =	vst v63  }
0x3e: {  	s22 =	sadd.s32 s26, s22  }
0x3f: {  	[tilespmem:s9], [sflag:$0x5] =	stream.linear.gather [hbm4b:s22+s2], $0xD0, $0x38;
	[tilespmem:$0xD200] =	vst v63  }
0x40: {  	_ =	swait.ge [sflag:s4], $0xD0  }
0x41: {  	[sflag:s4] =	ssyncset.done $0x0  }
0x42: {  	[sflag:s4] =	ssyncadd.s32 $0xFFFFFF30  }
0x43: {  	_ =	swait.ge [sflag:s18], $0x6800  }
0x44: {  	[sflag:s18] =	ssyncset.done $0x0  }
0x45: {  	[sflag:s18] =	ssyncadd.s32 $0xFFFF9800  }
0x46: {  	[tilespmem:s10], [sflag:$0x2] =	stream.indirect.gather [hbm4b:s5+s6], $0x80, s9, s6, $0xb8;
	[tilespmem:$0xD200] =	vst v63  }
0x47: {  	_ =	swait.ge [sflag:s11], $0x6800  }
0x48: {  	s31 =	sadd.s32 $0x4E0, s28;
	s23 =	sshll.u32 s23, $0x4;
	[sflag:s11] =	ssyncset.done $0x0  }
0x49: {  	s24 =	sshrl.u32 s31, $0x3;
	s23 =	sadd.s32 s30, s23;
	[sflag:s11] =	ssyncadd.s32 $0xFFFF9800  }
0x4a: {  	[hbm4b:s23+s2] =	stream.linear.scatter [tilespmem:s7], [sflag:$0x3], $0x6800, $0x38;
	[tilespmem:$0xD200] =	vst v63  }
0x4b: {  	s24 =	sadd.s32 s26, s24  }
0x4c: {  	[tilespmem:s2], [sflag:$0x5] =	stream.linear.gather [hbm4b:s24+s2], $0xD0, $0x38;
	[tilespmem:$0xD200] =	vst v63  }
0x4d: {  	_ =	swait.ge [sflag:s4], $0xD0  }
0x4e: {  	[sflag:s4] =	ssyncset.done $0x0  }
0x4f: {  	[sflag:s4] =	ssyncadd.s32 $0xFFFFFF30  }
0x50: {  	_ =	swait.ge [sflag:s14], $0x6800  }
0x51: {  	[sflag:s14] =	ssyncset.done $0x0  }
0x52: {  	[sflag:s14] =	ssyncadd.s32 $0xFFFF9800  }
0x53: {  	[tilespmem:s7], [sflag:$0x1] =	stream.indirect.gather [hbm4b:s5+s6], $0x80, s2, s6, $0xb8;
	[tilespmem:$0xD200] =	vst v63  }
0x54: {  	_ =	swait.ge [sflag:s15], $0x6800  }
0x55: {  	s1 =	sadd.s32 $0x5B0, s28;
	s25 =	sshll.u32 s25, $0x4;
	[sflag:s15] =	ssyncset.done $0x0  }
0x56: {  	s28 =	sshrl.u32 s1, $0x3;
	s25 =	sadd.s32 s30, s25;
	[sflag:s15] =	ssyncadd.s32 $0xFFFF9800  }
0x57: {  	[hbm4b:s25+s2] =	stream.linear.scatter [tilespmem:s10], [sflag:$0x4], $0x6800, $0x38;
	[tilespmem:$0xD200] =	vst v63  }
0x58: {  	s26 =	sadd.s32 s26, s28  }
0x59: {  	[tilespmem:s9], [sflag:$0x5] =	stream.linear.gather [hbm4b:s26+s2], $0xD0, $0x38;
	[tilespmem:$0xD200] =	vst v63  }
0x5a: {  	_ =	swait.ge [sflag:s4], $0xD0  }
0x5b: {  	[sflag:s4] =	ssyncset.done $0x0  }
0x5c: {  	[sflag:s4] =	ssyncadd.s32 $0xFFFFFF30  }
0x5d: {  	_ =	swait.ge [sflag:s18], $0x6800  }
0x5e: {  	[sflag:s18] =	ssyncset.done $0x0  }
0x5f: {  	[sflag:s18] =	ssyncadd.s32 $0xFFFF9800  }
0x60: {  	[tilespmem:s10], [sflag:$0x2] =	stream.indirect.gather [hbm4b:s5+s6], $0x80, s9, s6, $0xb8;
	[tilespmem:$0xD200] =	vst v63  }
0x61: {  	_ =	swait.ge [sflag:s11], $0x6800  }
0x62: {  	s28 =	sshll.u32 s31, $0x4;
	[sflag:s11] =	ssyncset.done $0x0  }
0x63: {  	s29 =	ssub.s32 $0x2, s29;
	s28 =	sadd.s32 s30, s28;
	[sflag:s11] =	ssyncadd.s32 $0xFFFF9800  }
0x64: {  	[hbm4b:s28+s2] =	stream.linear.scatter [tilespmem:s7], [sflag:$0x3], $0x6800, $0x38;
	[tilespmem:$0xD200] =	vst v63  }
0x65: {  	s31 =	sshrl.u32 s29, $0x1;
	_ =	swait.ge [sflag:s14], $0x6800  }
0x66: {  	s31 =	ssub.s32 s29, s31;
	[sflag:s14] =	ssyncset.done $0x0  }
0x67: {  	s31 =	smax.u32 s31, $0x1;
	[sflag:s14] =	ssyncadd.s32 $0xFFFF9800  }
0x68: {  	p0 =	sne.s32 s31, $0x1;
	_ =	swait.ge [sflag:s15], $0x6800  }
.Ltmp0:
0x69: {  	s1 =	sshll.u32 s1, $0x4;
	[sflag:s15] =	ssyncset.done $0x0;
	(pc) =	sbr.rel @!p0 .LBB2_2-.Ltmp0, $4  }
0x6a: {  	s29 =	sadd.s32 s30, s1;
	[sflag:s15] =	ssyncadd.s32 $0xFFFF9800  }
0x6b: {  	[hbm4b:s29+s2] =	stream.linear.scatter [tilespmem:s10], [sflag:$0x4], $0x6800, $0x38;
	[tilespmem:$0xD200] =	vst v63  }
0x6c: {  	_ =	swait.ge [sflag:s18], $0x6800  }
0x6d: {  	s30 =	sadd.s32 $0xFFFFFFFF, s31;
	[sflag:s18] =	ssyncset.done $0x0  }
.LBB2_1:
0x6e: {  	p0 =	sne.s32 s30, $0x1;
	s30 =	sadd.s32 $0xFFFFFFFF, s30;
	[sflag:s18] =	ssyncadd.s32 $0xFFFF9800  }
0x6f: {  	[tilespmem:s2], [sflag:$0x5] =	stream.linear.gather [hbm4b:s3+s2], $0xD0, $0x38;
	[tilespmem:$0xD200] =	vst v63  }
0x70: {  	_ =	swait.ge [sflag:s4], $0xD0  }
0x71: {  	[sflag:s4] =	ssyncset.done $0x0  }
0x72: {  	[sflag:s4] =	ssyncadd.s32 $0xFFFFFF30  }
0x73: {  	[tilespmem:s7], [sflag:$0x1] =	stream.indirect.gather [hbm4b:s5+s6], $0x80, s2, s6, $0xb8;
	[tilespmem:$0xD200] =	vst v63  }
0x74: {  	_ = 	snop  }
0x75: {  	[tilespmem:s9], [sflag:$0x5] =	stream.linear.gather [hbm4b:s8+s2], $0xD0, $0x38;
	[tilespmem:$0xD200] =	vst v63  }
0x76: {  	_ =	swait.ge [sflag:s4], $0xD0  }
0x77: {  	[sflag:s4] =	ssyncset.done $0x0  }
0x78: {  	[sflag:s4] =	ssyncadd.s32 $0xFFFFFF30  }
0x79: {  	[tilespmem:s10], [sflag:$0x2] =	stream.indirect.gather [hbm4b:s5+s6], $0x80, s9, s6, $0xb8;
	[tilespmem:$0xD200] =	vst v63  }
0x7a: {  	_ =	swait.ge [sflag:s11], $0x6800  }
0x7b: {  	[sflag:s11] =	ssyncset.done $0x0  }
0x7c: {  	[sflag:s11] =	ssyncadd.s32 $0xFFFF9800  }
0x7d: {  	[hbm4b:s12+s2] =	stream.linear.scatter [tilespmem:s7], [sflag:$0x3], $0x6800, $0x38;
	[tilespmem:$0xD200] =	vst v63  }
0x7e: {  	_ = 	snop  }
0x7f: {  	[tilespmem:s2], [sflag:$0x5] =	stream.linear.gather [hbm4b:s13+s2], $0xD0, $0x38;
	[tilespmem:$0xD200] =	vst v63  }
0x80: {  	_ =	swait.ge [sflag:s4], $0xD0  }
0x81: {  	[sflag:s4] =	ssyncset.done $0x0  }
0x82: {  	[sflag:s4] =	ssyncadd.s32 $0xFFFFFF30  }
0x83: {  	_ =	swait.ge [sflag:s14], $0x6800  }
0x84: {  	[sflag:s14] =	ssyncset.done $0x0  }
0x85: {  	[sflag:s14] =	ssyncadd.s32 $0xFFFF9800  }
0x86: {  	[tilespmem:s7], [sflag:$0x1] =	stream.indirect.gather [hbm4b:s5+s6], $0x80, s2, s6, $0xb8;
	[tilespmem:$0xD200] =	vst v63  }
0x87: {  	_ =	swait.ge [sflag:s15], $0x6800  }
0x88: {  	[sflag:s15] =	ssyncset.done $0x0  }
0x89: {  	[sflag:s15] =	ssyncadd.s32 $0xFFFF9800  }
0x8a: {  	[hbm4b:s16+s2] =	stream.linear.scatter [tilespmem:s10], [sflag:$0x4], $0x6800, $0x38;
	[tilespmem:$0xD200] =	vst v63  }
0x8b: {  	_ = 	snop  }
0x8c: {  	[tilespmem:s9], [sflag:$0x5] =	stream.linear.gather [hbm4b:s17+s2], $0xD0, $0x38;
	[tilespmem:$0xD200] =	vst v63  }
0x8d: {  	_ =	swait.ge [sflag:s4], $0xD0  }
0x8e: {  	[sflag:s4] =	ssyncset.done $0x0  }
0x8f: {  	[sflag:s4] =	ssyncadd.s32 $0xFFFFFF30  }
0x90: {  	_ =	swait.ge [sflag:s18], $0x6800  }
0x91: {  	[sflag:s18] =	ssyncset.done $0x0  }
0x92: {  	[sflag:s18] =	ssyncadd.s32 $0xFFFF9800  }
0x93: {  	[tilespmem:s10], [sflag:$0x2] =	stream.indirect.gather [hbm4b:s5+s6], $0x80, s9, s6, $0xb8;
	[tilespmem:$0xD200] =	vst v63  }
0x94: {  	_ =	swait.ge [sflag:s11], $0x6800  }
0x95: {  	[sflag:s11] =	ssyncset.done $0x0  }
0x96: {  	[sflag:s11] =	ssyncadd.s32 $0xFFFF9800  }
0x97: {  	[hbm4b:s19+s2] =	stream.linear.scatter [tilespmem:s7], [sflag:$0x3], $0x6800, $0x38;
	[tilespmem:$0xD200] =	vst v63  }
0x98: {  	_ = 	snop  }
0x99: {  	[tilespmem:s2], [sflag:$0x5] =	stream.linear.gather [hbm4b:s20+s2], $0xD0, $0x38;
	[tilespmem:$0xD200] =	vst v63  }
0x9a: {  	_ =	swait.ge [sflag:s4], $0xD0  }
0x9b: {  	[sflag:s4] =	ssyncset.done $0x0  }
0x9c: {  	[sflag:s4] =	ssyncadd.s32 $0xFFFFFF30  }
0x9d: {  	_ =	swait.ge [sflag:s14], $0x6800  }
0x9e: {  	[sflag:s14] =	ssyncset.done $0x0  }
0x9f: {  	[sflag:s14] =	ssyncadd.s32 $0xFFFF9800  }
0xa0: {  	[tilespmem:s7], [sflag:$0x1] =	stream.indirect.gather [hbm4b:s5+s6], $0x80, s2, s6, $0xb8;
	[tilespmem:$0xD200] =	vst v63  }
0xa1: {  	_ =	swait.ge [sflag:s15], $0x6800  }
0xa2: {  	[sflag:s15] =	ssyncset.done $0x0  }
0xa3: {  	[sflag:s15] =	ssyncadd.s32 $0xFFFF9800  }
0xa4: {  	[hbm4b:s21+s2] =	stream.linear.scatter [tilespmem:s10], [sflag:$0x4], $0x6800, $0x38;
	[tilespmem:$0xD200] =	vst v63  }
0xa5: {  	_ = 	snop  }
0xa6: {  	[tilespmem:s9], [sflag:$0x5] =	stream.linear.gather [hbm4b:s22+s2], $0xD0, $0x38;
	[tilespmem:$0xD200] =	vst v63  }
0xa7: {  	_ =	swait.ge [sflag:s4], $0xD0  }
0xa8: {  	[sflag:s4] =	ssyncset.done $0x0  }
0xa9: {  	[sflag:s4] =	ssyncadd.s32 $0xFFFFFF30  }
0xaa: {  	_ =	swait.ge [sflag:s18], $0x6800  }
0xab: {  	[sflag:s18] =	ssyncset.done $0x0  }
0xac: {  	[sflag:s18] =	ssyncadd.s32 $0xFFFF9800  }
0xad: {  	[tilespmem:s10], [sflag:$0x2] =	stream.indirect.gather [hbm4b:s5+s6], $0x80, s9, s6, $0xb8;
	[tilespmem:$0xD200] =	vst v63  }
0xae: {  	_ =	swait.ge [sflag:s11], $0x6800  }
0xaf: {  	[sflag:s11] =	ssyncset.done $0x0  }
0xb0: {  	[sflag:s11] =	ssyncadd.s32 $0xFFFF9800  }
0xb1: {  	[hbm4b:s23+s2] =	stream.linear.scatter [tilespmem:s7], [sflag:$0x3], $0x6800, $0x38;
	[tilespmem:$0xD200] =	vst v63  }
0xb2: {  	_ = 	snop  }
0xb3: {  	[tilespmem:s2], [sflag:$0x5] =	stream.linear.gather [hbm4b:s24+s2], $0xD0, $0x38;
	[tilespmem:$0xD200] =	vst v63  }
0xb4: {  	_ =	swait.ge [sflag:s4], $0xD0  }
0xb5: {  	[sflag:s4] =	ssyncset.done $0x0  }
0xb6: {  	[sflag:s4] =	ssyncadd.s32 $0xFFFFFF30  }
0xb7: {  	_ =	swait.ge [sflag:s14], $0x6800  }
0xb8: {  	[sflag:s14] =	ssyncset.done $0x0  }
0xb9: {  	[sflag:s14] =	ssyncadd.s32 $0xFFFF9800  }
0xba: {  	[tilespmem:s7], [sflag:$0x1] =	stream.indirect.gather [hbm4b:s5+s6], $0x80, s2, s6, $0xb8;
	[tilespmem:$0xD200] =	vst v63  }
0xbb: {  	_ =	swait.ge [sflag:s15], $0x6800  }
0xbc: {  	[sflag:s15] =	ssyncset.done $0x0  }
0xbd: {  	[sflag:s15] =	ssyncadd.s32 $0xFFFF9800  }
0xbe: {  	[hbm4b:s25+s2] =	stream.linear.scatter [tilespmem:s10], [sflag:$0x4], $0x6800, $0x38;
	[tilespmem:$0xD200] =	vst v63  }
0xbf: {  	_ = 	snop  }
0xc0: {  	[tilespmem:s9], [sflag:$0x5] =	stream.linear.gather [hbm4b:s26+s2], $0xD0, $0x38;
	[tilespmem:$0xD200] =	vst v63  }
0xc1: {  	_ =	swait.ge [sflag:s4], $0xD0  }
0xc2: {  	[sflag:s4] =	ssyncset.done $0x0  }
0xc3: {  	[sflag:s4] =	ssyncadd.s32 $0xFFFFFF30  }
0xc4: {  	_ =	swait.ge [sflag:s18], $0x6800  }
0xc5: {  	[sflag:s18] =	ssyncset.done $0x0  }
0xc6: {  	[sflag:s18] =	ssyncadd.s32 $0xFFFF9800  }
0xc7: {  	[tilespmem:s10], [sflag:$0x2] =	stream.indirect.gather [hbm4b:s5+s6], $0x80, s9, s6, $0xb8;
	[tilespmem:$0xD200] =	vst v63  }
0xc8: {  	_ =	swait.ge [sflag:s11], $0x6800  }
0xc9: {  	[sflag:s11] =	ssyncset.done $0x0  }
0xca: {  	[sflag:s11] =	ssyncadd.s32 $0xFFFF9800  }
0xcb: {  	[hbm4b:s28+s2] =	stream.linear.scatter [tilespmem:s7], [sflag:$0x3], $0x6800, $0x38;
	[tilespmem:$0xD200] =	vst v63  }
0xcc: {  	_ =	swait.ge [sflag:s14], $0x6800  }
0xcd: {  	[sflag:s14] =	ssyncset.done $0x0  }
0xce: {  	[sflag:s14] =	ssyncadd.s32 $0xFFFF9800  }
0xcf: {  	_ =	swait.ge [sflag:s15], $0x6800  }
.Ltmp1:
0xd0: {  	[sflag:s15] =	ssyncset.done $0x0;
	(pc) =	sbr.rel @p0 .LBB2_1-.Ltmp1, $4  }
0xd1: {  	[sflag:s15] =	ssyncadd.s32 $0xFFFF9800  }
0xd2: {  	[hbm4b:s29+s2] =	stream.linear.scatter [tilespmem:s10], [sflag:$0x4], $0x6800, $0x38;
	[tilespmem:$0xD200] =	vst v63  }
0xd3: {  	_ =	swait.ge [sflag:s18], $0x6800  }
0xd4: {  	[sflag:s18] =	ssyncset.done $0x0  }
.LBB2_2:
0xd5: {  	[sflag:s18] =	ssyncadd.s32 $0xFFFF9800  }
0xd6: {  	_ =	sfence.sel $0x180000  }
0xd7: {  	[bflag:$0x0] =	sbarrier.arrive $0xFFFF  }
0xd8: {  	_ =	strace $0x9000004A  }
0xd9: {  	[bflag:$0x2] =	sbarrier.arrive $0xFFFF  }
0xda: {  	p0 =	sne.s32 s0, $0x0;
	s0 =	rddreg [dreg:$0x1]  }
0xdb: {  	s0 =	sadd.s32 @!p0 $0x100000, s0  }
0xdc: {  	[sflag:s0] =	ssyncadd.tile.s32 @!p0 $0x1;
	_ =	shalt  }
.Lfunc_end2:
_tile_overlayer_lowered:
.L_overlay_start_2:
0xdd: {  	(tag) =	ssettag $0x2  }
0xde: {  	s0 =	rddreg [dreg:$0x0];
	s2 =	stileid.u32  }
0xdf: {  	s1 =	rddreg [dreg:$0x1];
	p0 =	sne.s32 s2, $0x0  }
0xe0: {  	s3 =	rddreg [dreg:$0x2];
	[bflag:$0x3] =	sbarrier.arrive $0xFFFF;
	s2 =	simm.s32 @!p0 $0x1C05  }
0xe1: {  	[timem:s3], [sflag:s2] =	dma.local @!p0 [hbm:s0], s1  }
0xe2: {  	s0 =	simm.s32 @!p0 $0x5  }
0xe3: {  	_ =	swait.ge @!p0 [sflag:s0], s1  }
0xe4: {  	s1 =	ssub.s32 @!p0 $0x0, s1;
	[sflag:s0] =	ssyncset.done @!p0 $0x0  }
0xe5: {  	[sflag:s0] =	ssyncadd.s32 @!p0 s1  }
0xe6: {  	[bflag:$0x3] =	sbarrier.arrive $0xFFFF  }
0xe7: {  	_ =	shalt  }

// kernel: kernel.16.cloned.1.call-start
scs
__scs_entry_jumppad:
0x0: {  	(pc) =	sbr.rel $0x88, $3  }
0x1: {  	(tag) =	ssettag $0x0;
	lr =	simm.s32 $0x1  }
0x2: {  	[smem:$0x3F9D] =	sst lr;
	_ =	strace $0xD0000000  }
0x3: {  	_ = 	snop  }
0x4: {  	_ = 	snop  }
0x5: {  	_ = 	snop  }
0x6: {  	_ = 	snop  }
0x7: {  	_ = 	snop  }
__scs_overlays_trampoline_lowered:
0x8: {  	[smem:$0x3FAC] =	sst s0  }
0x9: {  	[smem:$0x3FAD] =	sst s1  }
0xa: {  	[smem:$0x3FAE] =	sst s2  }
0xb: {  	[smem:$0x3FAF] =	sst s3  }
0xc: {  	[smem:$0x3FB0] =	sst s4  }
0xd: {  	[smem:$0x3FB1] =	sst s5  }
0xe: {  	[smem:$0x3FB2] =	sst s6  }
0xf: {  	[smem:$0x3FB3] =	sst s7  }
0x10: {  	[smem:$0x3FB4] =	sst s8  }
0x11: {  	[smem:$0x3FB5] =	sst s9;
	s0 =	simm.s32 @!p0 $0x0  }
0x12: {  	s1 =	sld [smem:$0x3F9B];
	s0 =	simm.s32 @p0 $0x1  }
0x13: {  	[smem:$0x3FB6] =	sst s0;
	s0 =	simm.s32 @!p1 $0x0  }
0x14: {  	s2 =	sld [smem:$0x3F9A];
	s0 =	simm.s32 @p1 $0x1  }
0x15: {  	[smem:$0x3FB7] =	sst s0;
	s0 =	simm.s32 @!p2 $0x0  }
0x16: {  	s3 =	sld [smem:$0x3FDB];
	s0 =	simm.s32 @p2 $0x1  }
0x17: {  	s4 =	simm.s32 $0x1BF5;
	[smem:$0x3FB9] =	sst s0  }
0x18: {  	s0 =	sld [smem:$0x3F9C];
	_ =	swait.ge [sflag:s4], $0x0  }
0x19: {  	s7 =	sld [smem:$0x3F9D]  }
0x1a: {  	s8 =	sadd.s32 $0xFFFFE003, lr  }
0x1b: {  	s9 =	sadd.s32 $0xFFFFFEF7, lr;
	s5 =	simm.s32 $0xFFFFFFFF;
	p2 =	slt.u32 s8, $0xFFFFF086  }
0x1c: {  	p1 =	slt.u32 s9, $0xF7A;
	s5 =	simm.s32 @!p2 $0x0  }
0x1d: {  	s5 =	simm.s32 @p1 $0x1;
	p0 =	seq.s32 s7, s2  }
0x1e: {  	s7 =	smul.u32 @!p0 $0xF7A, s2;
	p2 =	seq.s32 @!p0 s5, $0x0  }
0x1f: {  	s9 =	smul.u32 $0xF7A, s1;
	s8 =	simm.s32 @!p0 $0x1BF5;
	p2 =	por !p2, p0  }
0x20: {  	[sflag:s8] =	ssyncset.s32 @!p0 $0xFFFFF086;
	s6 =	sadd.s32 @!p0 s3, s7;
	s7 =	simm.s32 @!p0 $0x108  }
0x21: {  	s3 =	sadd.s32 s3, s9;
	s6 =	sadd.s32 @!p0 $0x88, s6;
	s7 =	simm.s32 @p2 $0x1082  }
0x22: {  	[simem:s7], [sflag:s8] =	dma.local @!p0 [hbm:s6], $0xF7A  }
0x23: {  	s9 =	sor.u32 $0xD0000000, s2;
	s6 =	simm.s32 $0x108;
	_ =	swait.ge @!p0 [sflag:s8], $0x0  }
0x24: {  	s3 =	sadd.s32 $0x88, s3;
	s6 =	simm.s32 @!p1 $0x1082;
	[sflag:s4] =	ssyncset.s32 $0xFFFFF086  }
0x25: {  	[simem:s6], [sflag:s4] =	dma.local [hbm:s3], $0xF7A  }
0x26: {  	[smem:$0x3F9D] =	sst s1;
	(tag) =	ssettag s2;
	_ =	strace s9  }
0x27: {  	s1 =	sld [smem:$0x3FAD]  }
0x28: {  	s2 =	sld [smem:$0x3FAE]  }
0x29: {  	s4 =	sld [smem:$0x3FB0]  }
0x2a: {  	p0 =	seq.s32 s5, $0x0;
	s5 =	sld [smem:$0x3FB1]  }
0x2b: {  	s6 =	sld [smem:$0x3FB2]  }
0x2c: {  	s7 =	sld [smem:$0x3FB3]  }
0x2d: {  	s3 =	simm.s32 $0x108;
	s8 =	sld [smem:$0x3FB4]  }
0x2e: {  	s3 =	simm.s32 @!p0 $0x1082;
	s9 =	sld [smem:$0x3FB5]  }
0x2f: {  	lr =	sadd.s32 s0, s3;
	s0 =	sld [smem:$0x3FAC]  }
0x30: {  	s3 =	sld [smem:$0x3FAF]  }
0x31: {  	[smem:$0x3FB8] =	sst s10  }
0x32: {  	s10 =	sld [smem:$0x3FB6];
	_ =	sdelay $0x3  }
0x33: {  	p0 =	seq.s32 s10, $0x1;
	s10 =	sld [smem:$0x3FB8];
	_ =	sdelay $0x3  }
0x34: {  	[smem:$0x3FB8] =	sst s10  }
0x35: {  	s10 =	sld [smem:$0x3FB7];
	_ =	sdelay $0x3  }
0x36: {  	p1 =	seq.s32 s10, $0x1;
	s10 =	sld [smem:$0x3FB8];
	_ =	sdelay $0x3  }
0x37: {  	[smem:$0x3FB8] =	sst s10  }
0x38: {  	s10 =	sld [smem:$0x3FB9]  }
0x39: {  	_ = 	snop;
	(pc) =	sbr.ind lr, $3  }
0x3a: {  	_ = 	snop  }
0x3b: {  	_ = 	snop  }
0x3c: {  	p2 =	seq.s32 s10, $0x1;
	s10 =	sld [smem:$0x3FB8]  }
0x3d: {  	_ =	shalt  }
0x3e: {  	_ =	shalt  }
0x3f: {  	_ =	shalt  }
0x40: {  	_ =	shalt  }
0x41: {  	_ =	shalt  }
0x42: {  	_ =	shalt  }
0x43: {  	_ =	shalt  }
0x44: {  	_ =	shalt  }
0x45: {  	_ =	shalt  }
0x46: {  	_ =	shalt  }
0x47: {  	_ =	shalt  }
0x48: {  	_ =	shalt  }
0x49: {  	_ =	shalt  }
0x4a: {  	_ =	shalt  }
0x4b: {  	_ =	shalt  }
0x4c: {  	_ =	shalt  }
0x4d: {  	_ =	shalt  }
0x4e: {  	_ =	shalt  }
0x4f: {  	_ =	shalt  }
0x50: {  	_ =	shalt  }
0x51: {  	_ =	shalt  }
0x52: {  	_ =	shalt  }
0x53: {  	_ =	shalt  }
0x54: {  	_ =	shalt  }
0x55: {  	_ =	shalt  }
0x56: {  	_ =	shalt  }
0x57: {  	_ =	shalt  }
0x58: {  	_ =	shalt  }
0x59: {  	_ =	shalt  }
0x5a: {  	_ =	shalt  }
0x5b: {  	_ =	shalt  }
0x5c: {  	_ =	shalt  }
0x5d: {  	_ =	shalt  }
0x5e: {  	_ =	shalt  }
0x5f: {  	_ =	shalt  }
0x60: {  	_ =	shalt  }
0x61: {  	_ =	shalt  }
0x62: {  	_ =	shalt  }
0x63: {  	_ =	shalt  }
0x64: {  	_ =	shalt  }
0x65: {  	_ =	shalt  }
0x66: {  	_ =	shalt  }
0x67: {  	_ =	shalt  }
0x68: {  	_ =	shalt  }
0x69: {  	_ =	shalt  }
0x6a: {  	_ =	shalt  }
0x6b: {  	_ =	shalt  }
0x6c: {  	_ =	shalt  }
0x6d: {  	_ =	shalt  }
0x6e: {  	_ =	shalt  }
0x6f: {  	_ =	shalt  }
0x70: {  	_ =	shalt  }
0x71: {  	_ =	shalt  }
0x72: {  	_ =	shalt  }
0x73: {  	_ =	shalt  }
0x74: {  	_ =	shalt  }
0x75: {  	_ =	shalt  }
0x76: {  	_ =	shalt  }
0x77: {  	_ =	shalt  }
0x78: {  	_ =	shalt  }
0x79: {  	_ =	shalt  }
0x7a: {  	_ =	shalt  }
0x7b: {  	_ =	shalt  }
0x7c: {  	_ =	shalt  }
0x7d: {  	_ =	shalt  }
0x7e: {  	_ =	shalt  }
0x7f: {  	_ =	shalt  }
0x80: {  	_ =	shalt  }
0x81: {  	_ =	shalt  }
0x82: {  	_ =	shalt  }
0x83: {  	_ =	shalt  }
0x84: {  	_ =	shalt  }
0x85: {  	_ =	shalt  }
0x86: {  	_ =	shalt  }
0x87: {  	_ =	shalt  }
.Lfunc_end0:
.L_simem_size_0:
called_computation.2_lowered:
.L_overlay_start_0:
0x88: {  	s2 =	sld [smem:$0x3FD9]  }
0x89: {  	s3 =	sld [smem:$0x3FFE];
	_ =	sdelay $0x1  }
0x8a: {  	s1 =	srdreg.scid  }
0x8b: {  	s0 =	sand.u32 $0x1, s1  }
0x8c: {  	s17 =	sshll.u32 s0, $0xA;
	s2 =	sadd.s32 s3, s2  }
0x8d: {  	s2 =	sadd.s32 s2, s17  }
0x8e: {  	[smem:$0x3FC4] =	sst s2  }
0x8f: {  	_ = 	snop  }
0x90: {  	(tm) =	ssettm $0x1  }
0x91: {  	s18 =	sld [smem:$0x3FFB];
	_ =	sdelay $0x3  }
0x92: {  	_ =	strace s18  }
0x93: {  	s2 =	sld [smem:$0x3FFC];
	_ =	sdelay $0x3  }
0x94: {  	_ =	strace s2  }
0x95: {  	s2 =	sld [smem:$0x3FFD];
	_ =	sdelay $0x3  }
0x96: {  	_ =	strace s2  }
0x97: {  	_ =	strace $0x8FFFFFFF  }
0x98: {  	s19 =	sld [smem:$0x3FDB];
	_ =	sdelay $0x1  }
0x99: {  	s20 =	simm.s32 $_scs_section_size  }
0x9a: {  	s4 =	simm.s32 $_size__tile_overlayer_lowered;
	s5 =	simm.s32 $_tile_overlayer_lowered  }
0x9b: {  	s6 =	simm.s32 $0x1BFF;
	s21 =	sshll.u32 s5, $0x1;
	s3 =	sadd.s32 s20, s19  }
0x9c: {  	s22 =	simm.s32 $0x0;
	s4 =	sshll.u32 s4, $0x1;
	s5 =	sadd.s32 s21, s3  }
0x9d: {  	[timem:s22], [sflag:s6] =	dma.local [hbm:s5], s4  }
0x9e: {  	_ =	swait.ge [sflag:s6], s4  }
0x9f: {  	s4 =	ssub.s32 $0x0, s4;
	[sflag:s6] =	ssyncset.done $0x0  }
0xa0: {  	[sflag:s6] =	ssyncadd.s32 s4;
	_ =	sdelay $0x1  }
0xa1: {  	s23 =	simm.s32 $0x1B8B  }
0xa2: {  	_ =	swait.ge [sflag:s23], $0x1  }
0xa3: {  	[sflag:s23] =	ssyncset.done $0x0  }
0xa4: {  	[sflag:s23] =	ssyncadd.s32 $0xFFFFFFFF  }
0xa5: {  	s4 =	sld [smem:$0x0]  }
0xa6: {  	s5 =	sand.u32 $0xFFFFFFFE, s1  }
0xa7: {  	p0 =	sne.s32 s1, s5  }
0xa8: {  	s5 =	sshll.u32 @p0 s5, $0xE  }
0xa9: {  	s5 =	sadd.s32 @p0 $0x11B8D, s5;
	s6 =	sshll.u32 @p0 s4, $0x11  }
0xaa: {  	s5 =	sor.u32 @p0 s6, s5  }
0xab: {  	[sflag:s5] =	ssyncadd.remote.s32 @p0 $0x1;
	_ =	sdelay $0x1  }
0xac: {  	s5 =	simm.s32 @p0 $0x1B8D  }
0xad: {  	_ =	swait.eq @p0 [sflag:s5], $0x1  }
0xae: {  	[sflag:s5] =	ssyncadd.s32 @p0 $0xFFFFFFFF  }
0xaf: {  	s6 =	sshll.u32 @!p0 s1, $0xE  }
0xb0: {  	s6 =	sor.u32 @!p0 $0x4000, s6;
	s5 =	simm.s32 @!p0 $0x1B8D  }
0xb1: {  	s4 =	sshll.u32 @!p0 s4, $0x11;
	s6 =	sadd.s32 @!p0 $0x11B8D, s6;
	_ =	swait.eq @!p0 [sflag:s5], $0x1  }
0xb2: {  	s4 =	sor.u32 @!p0 s4, s6;
	[sflag:s5] =	ssyncadd.s32 @!p0 $0xFFFFFFFF  }
0xb3: {  	s25 =	simm.s32 $0x1B8E;
	s24 =	sld [smem:$0x3FFE];
	[sflag:s4] =	ssyncadd.remote.s32 @!p0 $0x1  }
0xb4: {  	s26 =	simm.s32 $execute0_lowered;
	[smem:$0x3FD2] =	sst s25  }
0xb5: {  	s5 =	sshll.u32 s26, $0x1;
	_ =	strace $0x8000004C;
	[dreg:$0x1] =	wrdreg $0xFFFFFFFF  }
0xb6: {  	s28 =	simm.s32 $_size_execute0_lowered;
	s3 =	sadd.s32 s3, s5;
	[dreg:$0x0] =	wrdreg $0x0  }
0xb7: {  	s5 =	sshll.u32 s28, $0x1;
	[dreg:$0x2] =	wrdreg s3  }
0xb8: {  	[dreg:$0x3] =	wrdreg s5  }
0xb9: {  	[dreg:$0x4] =	wrdreg $0xC0  }
0xba: {  	_ =	task [dreg:s22], $0x5FFFF  }
0xbb: {  	[dreg:$0x1] =	wrdreg $0xFFFFFFFF  }
0xbc: {  	[dreg:$0x0] =	wrdreg $0x60  }
0xbd: {  	[dreg:$0x2] =	wrdreg s24  }
0xbe: {  	[dreg:$0x3] =	wrdreg $0xB  }
0xbf: {  	_ =	task.clear_ibuf [dreg:s22], $0x4FFFF;
	_ =	strace $0x9000004C  }
0xc0: {  	s29 =	simm.s32 $0xB;
	_ =	strace $0x8000004E  }
0xc1: {  	_ =	swait.ge [sflag:s29], $0x1  }
0xc2: {  	[sflag:s29] =	ssyncadd.s32 $0xFFFFFFFF  }
0xc3: {  	_ =	strace $0x9000004E  }
0xc4: {  	_ =	sfence  }
0xc5: {  	s30 =	sld [smem:$0x0];
	_ =	sdelay $0x2  }
0xc6: {  	s31 =	sshll.u32 s1, $0xD;
	s1 =	sshrl.u32 s1, $0x2  }
0xc7: {  	s4 =	sand.u32 $0x4000, s31;
	s1 =	sadd.s32 s1, s30  }
0xc8: {  	s0 =	sor.u32 s4, s0;
	s1 =	sshll.u32 s1, $0x11  }
0xc9: {  	s0 =	sor.u32 s1, s0  }
0xca: {  	s0 =	sadd.s32 $0x8F2B, s0  }
0xcb: {  	[sflag:s0] =	ssyncadd.remote.s32 $0x1  }
0xcc: {  	_ =	sfence.sel $0xFFFF  }
0xcd: {  	[dreg:$0x0] =	wrdreg $0xFFFFFFFF;
	(pc) =	sbr.abs _section_cstart, $3  }
0xce: {  	[dreg:$0x1] =	wrdreg $0xFFFFFFFF  }
0xcf: {  	_ =	task.clear_ibuf [dreg:s22], $0x2FFFF;
	_ =	strace $0x9FFFFFFF  }
0xd0: {  	(tm) =	ssettm $0x7FFFFFFF  }
0xd1: {  	_ =	shalt  }
tec
execute0_lowered:
.L_overlay_start_1:
0x0: {  	(tag) =	ssettag $0x1  }
0x1: {  	s1 =	srdreg.scid;
	s0 =	stileid.u32  }
0x2: {  	s29 =	sand.u32 $0x1, s1;
	s24 =	sshll.u32 s0, $0x1  }
0x3: {  	s12 =	sor.u32 s29, s24  }
0x4: {  	s28 =	smul.u32 $0x680, s12  }
0x5: {  	s13 =	rddreg [dreg:$0x0];
	s2 =	simm.s32 $0x0  }
0x6: {  	[smem:$0x7FF] =	sst s2;
	s26 =	sadd.s32 $0xDC600, s13;
	s3 =	sshrl.u32 s28, $0x3  }
0x7: {  	s4 =	simm.s32 $0x5;
	_ =	strace $0x8000004D;
	s3 =	sadd.s32 s26, s3  }
0x8: {  	[tilespmem:s2], [sflag:$0x5] =	stream.linear.gather [hbm4b:s3+s2], $0xD0, $0x38;
	[tilespmem:$0xD200] =	vst v63  }
0x9: {  	s6 =	simm.s32 $0xD0;
	_ =	swait.ge [sflag:s4], $0xD0  }
0xa: {  	s7 =	simm.s32 $0x200;
	s16 =	sadd.s32 $0xD0, s28;
	[sflag:s4] =	ssyncset.done $0x0  }
0xb: {  	s5 =	sadd.s32 $0x188C00, s13;
	s8 =	sshrl.u32 s16, $0x3;
	[sflag:s4] =	ssyncadd.s32 $0xFFFFFF30  }
0xc: {  	[tilespmem:s7], [sflag:$0x1] =	stream.indirect.gather [hbm4b:s5+s6], $0x80, s2, s6, $0xb8;
	[tilespmem:$0xD200] =	vst v63  }
0xd: {  	s9 =	simm.s32 $0x100;
	s8 =	sadd.s32 s26, s8  }
0xe: {  	[tilespmem:s9], [sflag:$0x5] =	stream.linear.gather [hbm4b:s8+s2], $0xD0, $0x38;
	[tilespmem:$0xD200] =	vst v63  }
0xf: {  	_ =	swait.ge [sflag:s4], $0xD0  }
0x10: {  	[sflag:s4] =	ssyncset.done $0x0  }
0x11: {  	s10 =	simm.s32 $0x6A00;
	s11 =	simm.s32 $0x1;
	[sflag:s4] =	ssyncadd.s32 $0xFFFFFF30  }
0x12: {  	[tilespmem:s10], [sflag:$0x2] =	stream.indirect.gather [hbm4b:s5+s6], $0x80, s9, s6, $0xb8;
	[tilespmem:$0xD200] =	vst v63  }
0x13: {  	s12 =	smul.u32 $0x6800, s12;
	_ =	swait.ge [sflag:s11], $0x6800  }
0x14: {  	s30 =	sadd.s32 $0x31C200, s13;
	s19 =	sadd.s32 $0x1A0, s28;
	[sflag:s11] =	ssyncset.done $0x0  }
0x15: {  	s12 =	sadd.s32 s30, s12;
	s25 =	sshrl.u32 s19, $0x3;
	[sflag:s11] =	ssyncadd.s32 $0xFFFF9800  }
0x16: {  	[hbm4b:s12+s2] =	stream.linear.scatter [tilespmem:s7], [sflag:$0x3], $0x6800, $0x38;
	[tilespmem:$0xD200] =	vst v63  }
0x17: {  	s13 =	sadd.s32 s26, s25  }
0x18: {  	[tilespmem:s2], [sflag:$0x5] =	stream.linear.gather [hbm4b:s13+s2], $0xD0, $0x38;
	[tilespmem:$0xD200] =	vst v63  }
0x19: {  	_ =	swait.ge [sflag:s4], $0xD0  }
0x1a: {  	[sflag:s4] =	ssyncset.done $0x0  }
0x1b: {  	s14 =	simm.s32 $0x3;
	[sflag:s4] =	ssyncadd.s32 $0xFFFFFF30  }
0x1c: {  	_ =	swait.ge [sflag:s14], $0x6800  }
0x1d: {  	[sflag:s14] =	ssyncset.done $0x0  }
0x1e: {  	s15 =	simm.s32 $0x2;
	[sflag:s14] =	ssyncadd.s32 $0xFFFF9800  }
0x1f: {  	[tilespmem:s7], [sflag:$0x1] =	stream.indirect.gather [hbm4b:s5+s6], $0x80, s2, s6, $0xb8;
	[tilespmem:$0xD200] =	vst v63  }
0x20: {  	_ =	swait.ge [sflag:s15], $0x6800  }
0x21: {  	s21 =	sadd.s32 $0x270, s28;
	s16 =	sshll.u32 s16, $0x4;
	[sflag:s15] =	ssyncset.done $0x0  }
0x22: {  	s17 =	sshrl.u32 s21, $0x3;
	s16 =	sadd.s32 s30, s16;
	[sflag:s15] =	ssyncadd.s32 $0xFFFF9800  }
0x23: {  	[hbm4b:s16+s2] =	stream.linear.scatter [tilespmem:s10], [sflag:$0x4], $0x6800, $0x38;
	[tilespmem:$0xD200] =	vst v63  }
0x24: {  	s17 =	sadd.s32 s26, s17  }
0x25: {  	[tilespmem:s9], [sflag:$0x5] =	stream.linear.gather [hbm4b:s17+s2], $0xD0, $0x38;
	[tilespmem:$0xD200] =	vst v63  }
0x26: {  	_ =	swait.ge [sflag:s4], $0xD0  }
0x27: {  	[sflag:s4] =	ssyncset.done $0x0  }
0x28: {  	s18 =	simm.s32 $0x4;
	[sflag:s4] =	ssyncadd.s32 $0xFFFFFF30  }
0x29: {  	_ =	swait.ge [sflag:s18], $0x6800  }
0x2a: {  	[sflag:s18] =	ssyncset.done $0x0  }
0x2b: {  	[sflag:s18] =	ssyncadd.s32 $0xFFFF9800  }
0x2c: {  	[tilespmem:s10], [sflag:$0x2] =	stream.indirect.gather [hbm4b:s5+s6], $0x80, s9, s6, $0xb8;
	[tilespmem:$0xD200] =	vst v63  }
0x2d: {  	_ =	swait.ge [sflag:s11], $0x6800  }
0x2e: {  	s23 =	sadd.s32 $0x340, s28;
	s19 =	sshll.u32 s19, $0x4;
	[sflag:s11] =	ssyncset.done $0x0  }
0x2f: {  	s20 =	sshrl.u32 s23, $0x3;
	s19 =	sadd.s32 s30, s19;
	[sflag:s11] =	ssyncadd.s32 $0xFFFF9800  }
0x30: {  	[hbm4b:s19+s2] =	stream.linear.scatter [tilespmem:s7], [sflag:$0x3], $0x6800, $0x38;
	[tilespmem:$0xD200] =	vst v63  }
0x31: {  	s20 =	sadd.s32 s26, s20  }
0x32: {  	[tilespmem:s2], [sflag:$0x5] =	stream.linear.gather [hbm4b:s20+s2], $0xD0, $0x38;
	[tilespmem:$0xD200] =	vst v63  }
0x33: {  	_ =	swait.ge [sflag:s4], $0xD0  }
0x34: {  	[sflag:s4] =	ssyncset.done $0x0  }
0x35: {  	[sflag:s4] =	ssyncadd.s32 $0xFFFFFF30  }
0x36: {  	_ =	swait.ge [sflag:s14], $0x6800  }
0x37: {  	[sflag:s14] =	ssyncset.done $0x0  }
0x38: {  	[sflag:s14] =	ssyncadd.s32 $0xFFFF9800  }
0x39: {  	[tilespmem:s7], [sflag:$0x1] =	stream.indirect.gather [hbm4b:s5+s6], $0x80, s2, s6, $0xb8;
	[tilespmem:$0xD200] =	vst v63  }
0x3a: {  	_ =	swait.ge [sflag:s15], $0x6800  }
0x3b: {  	s21 =	sshll.u32 s21, $0x4;
	s25 =	sadd.s32 $0x410, s28;
	[sflag:s15] =	ssyncset.done $0x0  }
0x3c: {  	s21 =	sadd.s32 s30, s21;
	s22 =	sshrl.u32 s25, $0x3;
	[sflag:s15] =	ssyncadd.s32 $0xFFFF9800  }
0x3d: {  	[hbm4b:s21+s2] =	stream.linear.scatter [tilespmem:s10], [sflag:$0x4], $0x6800, $0x38;
	[tilespmem:$0xD200] =	vst v63  }
0x3e: {  	s22 =	sadd.s32 s26, s22  }
0x3f: {  	[tilespmem:s9], [sflag:$0x5] =	stream.linear.gather [hbm4b:s22+s2], $0xD0, $0x38;
	[tilespmem:$0xD200] =	vst v63  }
0x40: {  	_ =	swait.ge [sflag:s4], $0xD0  }
0x41: {  	[sflag:s4] =	ssyncset.done $0x0  }
0x42: {  	[sflag:s4] =	ssyncadd.s32 $0xFFFFFF30  }
0x43: {  	_ =	swait.ge [sflag:s18], $0x6800  }
0x44: {  	[sflag:s18] =	ssyncset.done $0x0  }
0x45: {  	[sflag:s18] =	ssyncadd.s32 $0xFFFF9800  }
0x46: {  	[tilespmem:s10], [sflag:$0x2] =	stream.indirect.gather [hbm4b:s5+s6], $0x80, s9, s6, $0xb8;
	[tilespmem:$0xD200] =	vst v63  }
0x47: {  	_ =	swait.ge [sflag:s11], $0x6800  }
0x48: {  	s31 =	sadd.s32 $0x4E0, s28;
	s23 =	sshll.u32 s23, $0x4;
	[sflag:s11] =	ssyncset.done $0x0  }
0x49: {  	s24 =	sshrl.u32 s31, $0x3;
	s23 =	sadd.s32 s30, s23;
	[sflag:s11] =	ssyncadd.s32 $0xFFFF9800  }
0x4a: {  	[hbm4b:s23+s2] =	stream.linear.scatter [tilespmem:s7], [sflag:$0x3], $0x6800, $0x38;
	[tilespmem:$0xD200] =	vst v63  }
0x4b: {  	s24 =	sadd.s32 s26, s24  }
0x4c: {  	[tilespmem:s2], [sflag:$0x5] =	stream.linear.gather [hbm4b:s24+s2], $0xD0, $0x38;
	[tilespmem:$0xD200] =	vst v63  }
0x4d: {  	_ =	swait.ge [sflag:s4], $0xD0  }
0x4e: {  	[sflag:s4] =	ssyncset.done $0x0  }
0x4f: {  	[sflag:s4] =	ssyncadd.s32 $0xFFFFFF30  }
0x50: {  	_ =	swait.ge [sflag:s14], $0x6800  }
0x51: {  	[sflag:s14] =	ssyncset.done $0x0  }
0x52: {  	[sflag:s14] =	ssyncadd.s32 $0xFFFF9800  }
0x53: {  	[tilespmem:s7], [sflag:$0x1] =	stream.indirect.gather [hbm4b:s5+s6], $0x80, s2, s6, $0xb8;
	[tilespmem:$0xD200] =	vst v63  }
0x54: {  	_ =	swait.ge [sflag:s15], $0x6800  }
0x55: {  	s1 =	sadd.s32 $0x5B0, s28;
	s25 =	sshll.u32 s25, $0x4;
	[sflag:s15] =	ssyncset.done $0x0  }
0x56: {  	s28 =	sshrl.u32 s1, $0x3;
	s25 =	sadd.s32 s30, s25;
	[sflag:s15] =	ssyncadd.s32 $0xFFFF9800  }
0x57: {  	[hbm4b:s25+s2] =	stream.linear.scatter [tilespmem:s10], [sflag:$0x4], $0x6800, $0x38;
	[tilespmem:$0xD200] =	vst v63  }
0x58: {  	s26 =	sadd.s32 s26, s28  }
0x59: {  	[tilespmem:s9], [sflag:$0x5] =	stream.linear.gather [hbm4b:s26+s2], $0xD0, $0x38;
	[tilespmem:$0xD200] =	vst v63  }
0x5a: {  	_ =	swait.ge [sflag:s4], $0xD0  }
0x5b: {  	[sflag:s4] =	ssyncset.done $0x0  }
0x5c: {  	[sflag:s4] =	ssyncadd.s32 $0xFFFFFF30  }
0x5d: {  	_ =	swait.ge [sflag:s18], $0x6800  }
0x5e: {  	[sflag:s18] =	ssyncset.done $0x0  }
0x5f: {  	[sflag:s18] =	ssyncadd.s32 $0xFFFF9800  }
0x60: {  	[tilespmem:s10], [sflag:$0x2] =	stream.indirect.gather [hbm4b:s5+s6], $0x80, s9, s6, $0xb8;
	[tilespmem:$0xD200] =	vst v63  }
0x61: {  	_ =	swait.ge [sflag:s11], $0x6800  }
0x62: {  	s28 =	sshll.u32 s31, $0x4;
	[sflag:s11] =	ssyncset.done $0x0  }
0x63: {  	s29 =	ssub.s32 $0x2, s29;
	s28 =	sadd.s32 s30, s28;
	[sflag:s11] =	ssyncadd.s32 $0xFFFF9800  }
0x64: {  	[hbm4b:s28+s2] =	stream.linear.scatter [tilespmem:s7], [sflag:$0x3], $0x6800, $0x38;
	[tilespmem:$0xD200] =	vst v63  }
0x65: {  	s31 =	sshrl.u32 s29, $0x1;
	_ =	swait.ge [sflag:s14], $0x6800  }
0x66: {  	s31 =	ssub.s32 s29, s31;
	[sflag:s14] =	ssyncset.done $0x0  }
0x67: {  	s31 =	smax.u32 s31, $0x1;
	[sflag:s14] =	ssyncadd.s32 $0xFFFF9800  }
0x68: {  	p0 =	sne.s32 s31, $0x1;
	_ =	swait.ge [sflag:s15], $0x6800  }
.Ltmp0:
0x69: {  	s1 =	sshll.u32 s1, $0x4;
	[sflag:s15] =	ssyncset.done $0x0;
	(pc) =	sbr.rel @!p0 .LBB2_2-.Ltmp0, $4  }
0x6a: {  	s29 =	sadd.s32 s30, s1;
	[sflag:s15] =	ssyncadd.s32 $0xFFFF9800  }
0x6b: {  	[hbm4b:s29+s2] =	stream.linear.scatter [tilespmem:s10], [sflag:$0x4], $0x6800, $0x38;
	[tilespmem:$0xD200] =	vst v63  }
0x6c: {  	_ =	swait.ge [sflag:s18], $0x6800  }
0x6d: {  	s30 =	sadd.s32 $0xFFFFFFFF, s31;
	[sflag:s18] =	ssyncset.done $0x0  }
.LBB2_1:
0x6e: {  	p0 =	sne.s32 s30, $0x1;
	s30 =	sadd.s32 $0xFFFFFFFF, s30;
	[sflag:s18] =	ssyncadd.s32 $0xFFFF9800  }
0x6f: {  	[tilespmem:s2], [sflag:$0x5] =	stream.linear.gather [hbm4b:s3+s2], $0xD0, $0x38;
	[tilespmem:$0xD200] =	vst v63  }
0x70: {  	_ =	swait.ge [sflag:s4], $0xD0  }
0x71: {  	[sflag:s4] =	ssyncset.done $0x0  }
0x72: {  	[sflag:s4] =	ssyncadd.s32 $0xFFFFFF30  }
0x73: {  	[tilespmem:s7], [sflag:$0x1] =	stream.indirect.gather [hbm4b:s5+s6], $0x80, s2, s6, $0xb8;
	[tilespmem:$0xD200] =	vst v63  }
0x74: {  	_ = 	snop  }
0x75: {  	[tilespmem:s9], [sflag:$0x5] =	stream.linear.gather [hbm4b:s8+s2], $0xD0, $0x38;
	[tilespmem:$0xD200] =	vst v63  }
0x76: {  	_ =	swait.ge [sflag:s4], $0xD0  }
0x77: {  	[sflag:s4] =	ssyncset.done $0x0  }
0x78: {  	[sflag:s4] =	ssyncadd.s32 $0xFFFFFF30  }
0x79: {  	[tilespmem:s10], [sflag:$0x2] =	stream.indirect.gather [hbm4b:s5+s6], $0x80, s9, s6, $0xb8;
	[tilespmem:$0xD200] =	vst v63  }
0x7a: {  	_ =	swait.ge [sflag:s11], $0x6800  }
0x7b: {  	[sflag:s11] =	ssyncset.done $0x0  }
0x7c: {  	[sflag:s11] =	ssyncadd.s32 $0xFFFF9800  }
0x7d: {  	[hbm4b:s12+s2] =	stream.linear.scatter [tilespmem:s7], [sflag:$0x3], $0x6800, $0x38;
	[tilespmem:$0xD200] =	vst v63  }
0x7e: {  	_ = 	snop  }
0x7f: {  	[tilespmem:s2], [sflag:$0x5] =	stream.linear.gather [hbm4b:s13+s2], $0xD0, $0x38;
	[tilespmem:$0xD200] =	vst v63  }
0x80: {  	_ =	swait.ge [sflag:s4], $0xD0  }
0x81: {  	[sflag:s4] =	ssyncset.done $0x0  }
0x82: {  	[sflag:s4] =	ssyncadd.s32 $0xFFFFFF30  }
0x83: {  	_ =	swait.ge [sflag:s14], $0x6800  }
0x84: {  	[sflag:s14] =	ssyncset.done $0x0  }
0x85: {  	[sflag:s14] =	ssyncadd.s32 $0xFFFF9800  }
0x86: {  	[tilespmem:s7], [sflag:$0x1] =	stream.indirect.gather [hbm4b:s5+s6], $0x80, s2, s6, $0xb8;
	[tilespmem:$0xD200] =	vst v63  }
0x87: {  	_ =	swait.ge [sflag:s15], $0x6800  }
0x88: {  	[sflag:s15] =	ssyncset.done $0x0  }
0x89: {  	[sflag:s15] =	ssyncadd.s32 $0xFFFF9800  }
0x8a: {  	[hbm4b:s16+s2] =	stream.linear.scatter [tilespmem:s10], [sflag:$0x4], $0x6800, $0x38;
	[tilespmem:$0xD200] =	vst v63  }
0x8b: {  	_ = 	snop  }
0x8c: {  	[tilespmem:s9], [sflag:$0x5] =	stream.linear.gather [hbm4b:s17+s2], $0xD0, $0x38;
	[tilespmem:$0xD200] =	vst v63  }
0x8d: {  	_ =	swait.ge [sflag:s4], $0xD0  }
0x8e: {  	[sflag:s4] =	ssyncset.done $0x0  }
0x8f: {  	[sflag:s4] =	ssyncadd.s32 $0xFFFFFF30  }
0x90: {  	_ =	swait.ge [sflag:s18], $0x6800  }
0x91: {  	[sflag:s18] =	ssyncset.done $0x0  }
0x92: {  	[sflag:s18] =	ssyncadd.s32 $0xFFFF9800  }
0x93: {  	[tilespmem:s10], [sflag:$0x2] =	stream.indirect.gather [hbm4b:s5+s6], $0x80, s9, s6, $0xb8;
	[tilespmem:$0xD200] =	vst v63  }
0x94: {  	_ =	swait.ge [sflag:s11], $0x6800  }
0x95: {  	[sflag:s11] =	ssyncset.done $0x0  }
0x96: {  	[sflag:s11] =	ssyncadd.s32 $0xFFFF9800  }
0x97: {  	[hbm4b:s19+s2] =	stream.linear.scatter [tilespmem:s7], [sflag:$0x3], $0x6800, $0x38;
	[tilespmem:$0xD200] =	vst v63  }
0x98: {  	_ = 	snop  }
0x99: {  	[tilespmem:s2], [sflag:$0x5] =	stream.linear.gather [hbm4b:s20+s2], $0xD0, $0x38;
	[tilespmem:$0xD200] =	vst v63  }
0x9a: {  	_ =	swait.ge [sflag:s4], $0xD0  }
0x9b: {  	[sflag:s4] =	ssyncset.done $0x0  }
0x9c: {  	[sflag:s4] =	ssyncadd.s32 $0xFFFFFF30  }
0x9d: {  	_ =	swait.ge [sflag:s14], $0x6800  }
0x9e: {  	[sflag:s14] =	ssyncset.done $0x0  }
0x9f: {  	[sflag:s14] =	ssyncadd.s32 $0xFFFF9800  }
0xa0: {  	[tilespmem:s7], [sflag:$0x1] =	stream.indirect.gather [hbm4b:s5+s6], $0x80, s2, s6, $0xb8;
	[tilespmem:$0xD200] =	vst v63  }
0xa1: {  	_ =	swait.ge [sflag:s15], $0x6800  }
0xa2: {  	[sflag:s15] =	ssyncset.done $0x0  }
0xa3: {  	[sflag:s15] =	ssyncadd.s32 $0xFFFF9800  }
0xa4: {  	[hbm4b:s21+s2] =	stream.linear.scatter [tilespmem:s10], [sflag:$0x4], $0x6800, $0x38;
	[tilespmem:$0xD200] =	vst v63  }
0xa5: {  	_ = 	snop  }
0xa6: {  	[tilespmem:s9], [sflag:$0x5] =	stream.linear.gather [hbm4b:s22+s2], $0xD0, $0x38;
	[tilespmem:$0xD200] =	vst v63  }
0xa7: {  	_ =	swait.ge [sflag:s4], $0xD0  }
0xa8: {  	[sflag:s4] =	ssyncset.done $0x0  }
0xa9: {  	[sflag:s4] =	ssyncadd.s32 $0xFFFFFF30  }
0xaa: {  	_ =	swait.ge [sflag:s18], $0x6800  }
0xab: {  	[sflag:s18] =	ssyncset.done $0x0  }
0xac: {  	[sflag:s18] =	ssyncadd.s32 $0xFFFF9800  }
0xad: {  	[tilespmem:s10], [sflag:$0x2] =	stream.indirect.gather [hbm4b:s5+s6], $0x80, s9, s6, $0xb8;
	[tilespmem:$0xD200] =	vst v63  }
0xae: {  	_ =	swait.ge [sflag:s11], $0x6800  }
0xaf: {  	[sflag:s11] =	ssyncset.done $0x0  }
0xb0: {  	[sflag:s11] =	ssyncadd.s32 $0xFFFF9800  }
0xb1: {  	[hbm4b:s23+s2] =	stream.linear.scatter [tilespmem:s7], [sflag:$0x3], $0x6800, $0x38;
	[tilespmem:$0xD200] =	vst v63  }
0xb2: {  	_ = 	snop  }
0xb3: {  	[tilespmem:s2], [sflag:$0x5] =	stream.linear.gather [hbm4b:s24+s2], $0xD0, $0x38;
	[tilespmem:$0xD200] =	vst v63  }
0xb4: {  	_ =	swait.ge [sflag:s4], $0xD0  }
0xb5: {  	[sflag:s4] =	ssyncset.done $0x0  }
0xb6: {  	[sflag:s4] =	ssyncadd.s32 $0xFFFFFF30  }
0xb7: {  	_ =	swait.ge [sflag:s14], $0x6800  }
0xb8: {  	[sflag:s14] =	ssyncset.done $0x0  }
0xb9: {  	[sflag:s14] =	ssyncadd.s32 $0xFFFF9800  }
0xba: {  	[tilespmem:s7], [sflag:$0x1] =	stream.indirect.gather [hbm4b:s5+s6], $0x80, s2, s6, $0xb8;
	[tilespmem:$0xD200] =	vst v63  }
0xbb: {  	_ =	swait.ge [sflag:s15], $0x6800  }
0xbc: {  	[sflag:s15] =	ssyncset.done $0x0  }
0xbd: {  	[sflag:s15] =	ssyncadd.s32 $0xFFFF9800  }
0xbe: {  	[hbm4b:s25+s2] =	stream.linear.scatter [tilespmem:s10], [sflag:$0x4], $0x6800, $0x38;
	[tilespmem:$0xD200] =	vst v63  }
0xbf: {  	_ = 	snop  }
0xc0: {  	[tilespmem:s9], [sflag:$0x5] =	stream.linear.gather [hbm4b:s26+s2], $0xD0, $0x38;
	[tilespmem:$0xD200] =	vst v63  }
0xc1: {  	_ =	swait.ge [sflag:s4], $0xD0  }
0xc2: {  	[sflag:s4] =	ssyncset.done $0x0  }
0xc3: {  	[sflag:s4] =	ssyncadd.s32 $0xFFFFFF30  }
0xc4: {  	_ =	swait.ge [sflag:s18], $0x6800  }
0xc5: {  	[sflag:s18] =	ssyncset.done $0x0  }
0xc6: {  	[sflag:s18] =	ssyncadd.s32 $0xFFFF9800  }
0xc7: {  	[tilespmem:s10], [sflag:$0x2] =	stream.indirect.gather [hbm4b:s5+s6], $0x80, s9, s6, $0xb8;
	[tilespmem:$0xD200] =	vst v63  }
0xc8: {  	_ =	swait.ge [sflag:s11], $0x6800  }
0xc9: {  	[sflag:s11] =	ssyncset.done $0x0  }
0xca: {  	[sflag:s11] =	ssyncadd.s32 $0xFFFF9800  }
0xcb: {  	[hbm4b:s28+s2] =	stream.linear.scatter [tilespmem:s7], [sflag:$0x3], $0x6800, $0x38;
	[tilespmem:$0xD200] =	vst v63  }
0xcc: {  	_ =	swait.ge [sflag:s14], $0x6800  }
0xcd: {  	[sflag:s14] =	ssyncset.done $0x0  }
0xce: {  	[sflag:s14] =	ssyncadd.s32 $0xFFFF9800  }
0xcf: {  	_ =	swait.ge [sflag:s15], $0x6800  }
.Ltmp1:
0xd0: {  	[sflag:s15] =	ssyncset.done $0x0;
	(pc) =	sbr.rel @p0 .LBB2_1-.Ltmp1, $4  }
0xd1: {  	[sflag:s15] =	ssyncadd.s32 $0xFFFF9800  }
0xd2: {  	[hbm4b:s29+s2] =	stream.linear.scatter [tilespmem:s10], [sflag:$0x4], $0x6800, $0x38;
	[tilespmem:$0xD200] =	vst v63  }
0xd3: {  	_ =	swait.ge [sflag:s18], $0x6800  }
0xd4: {  	[sflag:s18] =	ssyncset.done $0x0  }
.LBB2_2:
0xd5: {  	[sflag:s18] =	ssyncadd.s32 $0xFFFF9800  }
0xd6: {  	_ =	sfence.sel $0x180000  }
0xd7: {  	[bflag:$0x0] =	sbarrier.arrive $0xFFFF  }
0xd8: {  	_ =	strace $0x9000004D  }
0xd9: {  	[bflag:$0x2] =	sbarrier.arrive $0xFFFF  }
0xda: {  	p0 =	sne.s32 s0, $0x0;
	s0 =	rddreg [dreg:$0x1]  }
0xdb: {  	s0 =	sadd.s32 @!p0 $0x100000, s0  }
0xdc: {  	[sflag:s0] =	ssyncadd.tile.s32 @!p0 $0x1;
	_ =	shalt  }
.Lfunc_end2:
_tile_overlayer_lowered:
.L_overlay_start_2:
0xdd: {  	(tag) =	ssettag $0x2  }
0xde: {  	s0 =	rddreg [dreg:$0x0];
	s2 =	stileid.u32  }
0xdf: {  	s1 =	rddreg [dreg:$0x1];
	p0 =	sne.s32 s2, $0x0  }
0xe0: {  	s3 =	rddreg [dreg:$0x2];
	[bflag:$0x3] =	sbarrier.arrive $0xFFFF;
	s2 =	simm.s32 @!p0 $0x1C05  }
0xe1: {  	[timem:s3], [sflag:s2] =	dma.local @!p0 [hbm:s0], s1  }
0xe2: {  	s0 =	simm.s32 @!p0 $0x5  }
0xe3: {  	_ =	swait.ge @!p0 [sflag:s0], s1  }
0xe4: {  	s1 =	ssub.s32 @!p0 $0x0, s1;
	[sflag:s0] =	ssyncset.done @!p0 $0x0  }
0xe5: {  	[sflag:s0] =	ssyncadd.s32 @!p0 s1  }
0xe6: {  	[bflag:$0x3] =	sbarrier.arrive $0xFFFF  }
0xe7: {  	_ =	shalt  }

// kernel: kernel.19.cloned.1.call-start
scs
__scs_entry_jumppad:
0x0: {  	(pc) =	sbr.rel $0x88, $3  }
0x1: {  	(tag) =	ssettag $0x0;
	lr =	simm.s32 $0x1  }
0x2: {  	[smem:$0x3F9D] =	sst lr;
	_ =	strace $0xD0000000  }
0x3: {  	_ = 	snop  }
0x4: {  	_ = 	snop  }
0x5: {  	_ = 	snop  }
0x6: {  	_ = 	snop  }
0x7: {  	_ = 	snop  }
__scs_overlays_trampoline_lowered:
0x8: {  	[smem:$0x3FAC] =	sst s0  }
0x9: {  	[smem:$0x3FAD] =	sst s1  }
0xa: {  	[smem:$0x3FAE] =	sst s2  }
0xb: {  	[smem:$0x3FAF] =	sst s3  }
0xc: {  	[smem:$0x3FB0] =	sst s4  }
0xd: {  	[smem:$0x3FB1] =	sst s5  }
0xe: {  	[smem:$0x3FB2] =	sst s6  }
0xf: {  	[smem:$0x3FB3] =	sst s7  }
0x10: {  	[smem:$0x3FB4] =	sst s8  }
0x11: {  	[smem:$0x3FB5] =	sst s9;
	s0 =	simm.s32 @!p0 $0x0  }
0x12: {  	s1 =	sld [smem:$0x3F9B];
	s0 =	simm.s32 @p0 $0x1  }
0x13: {  	[smem:$0x3FB6] =	sst s0;
	s0 =	simm.s32 @!p1 $0x0  }
0x14: {  	s2 =	sld [smem:$0x3F9A];
	s0 =	simm.s32 @p1 $0x1  }
0x15: {  	[smem:$0x3FB7] =	sst s0;
	s0 =	simm.s32 @!p2 $0x0  }
0x16: {  	s3 =	sld [smem:$0x3FDB];
	s0 =	simm.s32 @p2 $0x1  }
0x17: {  	s4 =	simm.s32 $0x1BF5;
	[smem:$0x3FB9] =	sst s0  }
0x18: {  	s0 =	sld [smem:$0x3F9C];
	_ =	swait.ge [sflag:s4], $0x0  }
0x19: {  	s7 =	sld [smem:$0x3F9D]  }
0x1a: {  	s8 =	sadd.s32 $0xFFFFE003, lr  }
0x1b: {  	s9 =	sadd.s32 $0xFFFFFEF7, lr;
	s5 =	simm.s32 $0xFFFFFFFF;
	p2 =	slt.u32 s8, $0xFFFFF086  }
0x1c: {  	p1 =	slt.u32 s9, $0xF7A;
	s5 =	simm.s32 @!p2 $0x0  }
0x1d: {  	s5 =	simm.s32 @p1 $0x1;
	p0 =	seq.s32 s7, s2  }
0x1e: {  	s7 =	smul.u32 @!p0 $0xF7A, s2;
	p2 =	seq.s32 @!p0 s5, $0x0  }
0x1f: {  	s9 =	smul.u32 $0xF7A, s1;
	s8 =	simm.s32 @!p0 $0x1BF5;
	p2 =	por !p2, p0  }
0x20: {  	[sflag:s8] =	ssyncset.s32 @!p0 $0xFFFFF086;
	s6 =	sadd.s32 @!p0 s3, s7;
	s7 =	simm.s32 @!p0 $0x108  }
0x21: {  	s3 =	sadd.s32 s3, s9;
	s6 =	sadd.s32 @!p0 $0x88, s6;
	s7 =	simm.s32 @p2 $0x1082  }
0x22: {  	[simem:s7], [sflag:s8] =	dma.local @!p0 [hbm:s6], $0xF7A  }
0x23: {  	s9 =	sor.u32 $0xD0000000, s2;
	s6 =	simm.s32 $0x108;
	_ =	swait.ge @!p0 [sflag:s8], $0x0  }
0x24: {  	s3 =	sadd.s32 $0x88, s3;
	s6 =	simm.s32 @!p1 $0x1082;
	[sflag:s4] =	ssyncset.s32 $0xFFFFF086  }
0x25: {  	[simem:s6], [sflag:s4] =	dma.local [hbm:s3], $0xF7A  }
0x26: {  	[smem:$0x3F9D] =	sst s1;
	(tag) =	ssettag s2;
	_ =	strace s9  }
0x27: {  	s1 =	sld [smem:$0x3FAD]  }
0x28: {  	s2 =	sld [smem:$0x3FAE]  }
0x29: {  	s4 =	sld [smem:$0x3FB0]  }
0x2a: {  	p0 =	seq.s32 s5, $0x0;
	s5 =	sld [smem:$0x3FB1]  }
0x2b: {  	s6 =	sld [smem:$0x3FB2]  }
0x2c: {  	s7 =	sld [smem:$0x3FB3]  }
0x2d: {  	s3 =	simm.s32 $0x108;
	s8 =	sld [smem:$0x3FB4]  }
0x2e: {  	s3 =	simm.s32 @!p0 $0x1082;
	s9 =	sld [smem:$0x3FB5]  }
0x2f: {  	lr =	sadd.s32 s0, s3;
	s0 =	sld [smem:$0x3FAC]  }
0x30: {  	s3 =	sld [smem:$0x3FAF]  }
0x31: {  	[smem:$0x3FB8] =	sst s10  }
0x32: {  	s10 =	sld [smem:$0x3FB6];
	_ =	sdelay $0x3  }
0x33: {  	p0 =	seq.s32 s10, $0x1;
	s10 =	sld [smem:$0x3FB8];
	_ =	sdelay $0x3  }
0x34: {  	[smem:$0x3FB8] =	sst s10  }
0x35: {  	s10 =	sld [smem:$0x3FB7];
	_ =	sdelay $0x3  }
0x36: {  	p1 =	seq.s32 s10, $0x1;
	s10 =	sld [smem:$0x3FB8];
	_ =	sdelay $0x3  }
0x37: {  	[smem:$0x3FB8] =	sst s10  }
0x38: {  	s10 =	sld [smem:$0x3FB9]  }
0x39: {  	_ = 	snop;
	(pc) =	sbr.ind lr, $3  }
0x3a: {  	_ = 	snop  }
0x3b: {  	_ = 	snop  }
0x3c: {  	p2 =	seq.s32 s10, $0x1;
	s10 =	sld [smem:$0x3FB8]  }
0x3d: {  	_ =	shalt  }
0x3e: {  	_ =	shalt  }
0x3f: {  	_ =	shalt  }
0x40: {  	_ =	shalt  }
0x41: {  	_ =	shalt  }
0x42: {  	_ =	shalt  }
0x43: {  	_ =	shalt  }
0x44: {  	_ =	shalt  }
0x45: {  	_ =	shalt  }
0x46: {  	_ =	shalt  }
0x47: {  	_ =	shalt  }
0x48: {  	_ =	shalt  }
0x49: {  	_ =	shalt  }
0x4a: {  	_ =	shalt  }
0x4b: {  	_ =	shalt  }
0x4c: {  	_ =	shalt  }
0x4d: {  	_ =	shalt  }
0x4e: {  	_ =	shalt  }
0x4f: {  	_ =	shalt  }
0x50: {  	_ =	shalt  }
0x51: {  	_ =	shalt  }
0x52: {  	_ =	shalt  }
0x53: {  	_ =	shalt  }
0x54: {  	_ =	shalt  }
0x55: {  	_ =	shalt  }
0x56: {  	_ =	shalt  }
0x57: {  	_ =	shalt  }
0x58: {  	_ =	shalt  }
0x59: {  	_ =	shalt  }
0x5a: {  	_ =	shalt  }
0x5b: {  	_ =	shalt  }
0x5c: {  	_ =	shalt  }
0x5d: {  	_ =	shalt  }
0x5e: {  	_ =	shalt  }
0x5f: {  	_ =	shalt  }
0x60: {  	_ =	shalt  }
0x61: {  	_ =	shalt  }
0x62: {  	_ =	shalt  }
0x63: {  	_ =	shalt  }
0x64: {  	_ =	shalt  }
0x65: {  	_ =	shalt  }
0x66: {  	_ =	shalt  }
0x67: {  	_ =	shalt  }
0x68: {  	_ =	shalt  }
0x69: {  	_ =	shalt  }
0x6a: {  	_ =	shalt  }
0x6b: {  	_ =	shalt  }
0x6c: {  	_ =	shalt  }
0x6d: {  	_ =	shalt  }
0x6e: {  	_ =	shalt  }
0x6f: {  	_ =	shalt  }
0x70: {  	_ =	shalt  }
0x71: {  	_ =	shalt  }
0x72: {  	_ =	shalt  }
0x73: {  	_ =	shalt  }
0x74: {  	_ =	shalt  }
0x75: {  	_ =	shalt  }
0x76: {  	_ =	shalt  }
0x77: {  	_ =	shalt  }
0x78: {  	_ =	shalt  }
0x79: {  	_ =	shalt  }
0x7a: {  	_ =	shalt  }
0x7b: {  	_ =	shalt  }
0x7c: {  	_ =	shalt  }
0x7d: {  	_ =	shalt  }
0x7e: {  	_ =	shalt  }
0x7f: {  	_ =	shalt  }
0x80: {  	_ =	shalt  }
0x81: {  	_ =	shalt  }
0x82: {  	_ =	shalt  }
0x83: {  	_ =	shalt  }
0x84: {  	_ =	shalt  }
0x85: {  	_ =	shalt  }
0x86: {  	_ =	shalt  }
0x87: {  	_ =	shalt  }
.Lfunc_end0:
.L_simem_size_0:
called_computation.3_lowered:
.L_overlay_start_0:
0x88: {  	s2 =	sld [smem:$0x3FD9]  }
0x89: {  	s3 =	sld [smem:$0x3FFE];
	_ =	sdelay $0x1  }
0x8a: {  	s1 =	srdreg.scid  }
0x8b: {  	s0 =	sand.u32 $0x1, s1  }
0x8c: {  	s17 =	sshll.u32 s0, $0xA;
	s2 =	sadd.s32 s3, s2  }
0x8d: {  	s2 =	sadd.s32 s2, s17  }
0x8e: {  	[smem:$0x3FC4] =	sst s2  }
0x8f: {  	_ = 	snop  }
0x90: {  	(tm) =	ssettm $0x1  }
0x91: {  	s18 =	sld [smem:$0x3FFB];
	_ =	sdelay $0x3  }
0x92: {  	_ =	strace s18  }
0x93: {  	s2 =	sld [smem:$0x3FFC];
	_ =	sdelay $0x3  }
0x94: {  	_ =	strace s2  }
0x95: {  	s2 =	sld [smem:$0x3FFD];
	_ =	sdelay $0x3  }
0x96: {  	_ =	strace s2  }
0x97: {  	_ =	strace $0x8FFFFFFF  }
0x98: {  	s19 =	sld [smem:$0x3FDB];
	_ =	sdelay $0x1  }
0x99: {  	s20 =	simm.s32 $_scs_section_size  }
0x9a: {  	s4 =	simm.s32 $_size__tile_overlayer_lowered;
	s5 =	simm.s32 $_tile_overlayer_lowered  }
0x9b: {  	s6 =	simm.s32 $0x1BFF;
	s21 =	sshll.u32 s5, $0x1;
	s3 =	sadd.s32 s20, s19  }
0x9c: {  	s22 =	simm.s32 $0x0;
	s4 =	sshll.u32 s4, $0x1;
	s5 =	sadd.s32 s21, s3  }
0x9d: {  	[timem:s22], [sflag:s6] =	dma.local [hbm:s5], s4  }
0x9e: {  	_ =	swait.ge [sflag:s6], s4  }
0x9f: {  	s4 =	ssub.s32 $0x0, s4;
	[sflag:s6] =	ssyncset.done $0x0  }
0xa0: {  	[sflag:s6] =	ssyncadd.s32 s4;
	_ =	sdelay $0x1  }
0xa1: {  	s23 =	simm.s32 $0x1B8B  }
0xa2: {  	_ =	swait.ge [sflag:s23], $0x1  }
0xa3: {  	[sflag:s23] =	ssyncset.done $0x0  }
0xa4: {  	[sflag:s23] =	ssyncadd.s32 $0xFFFFFFFF  }
0xa5: {  	s4 =	sld [smem:$0x0]  }
0xa6: {  	s5 =	sand.u32 $0xFFFFFFFE, s1  }
0xa7: {  	p0 =	sne.s32 s1, s5  }
0xa8: {  	s5 =	sshll.u32 @p0 s5, $0xE  }
0xa9: {  	s5 =	sadd.s32 @p0 $0x11B8D, s5;
	s6 =	sshll.u32 @p0 s4, $0x11  }
0xaa: {  	s5 =	sor.u32 @p0 s6, s5  }
0xab: {  	[sflag:s5] =	ssyncadd.remote.s32 @p0 $0x1;
	_ =	sdelay $0x1  }
0xac: {  	s5 =	simm.s32 @p0 $0x1B8D  }
0xad: {  	_ =	swait.eq @p0 [sflag:s5], $0x1  }
0xae: {  	[sflag:s5] =	ssyncadd.s32 @p0 $0xFFFFFFFF  }
0xaf: {  	s6 =	sshll.u32 @!p0 s1, $0xE  }
0xb0: {  	s6 =	sor.u32 @!p0 $0x4000, s6;
	s5 =	simm.s32 @!p0 $0x1B8D  }
0xb1: {  	s4 =	sshll.u32 @!p0 s4, $0x11;
	s6 =	sadd.s32 @!p0 $0x11B8D, s6;
	_ =	swait.eq @!p0 [sflag:s5], $0x1  }
0xb2: {  	s4 =	sor.u32 @!p0 s4, s6;
	[sflag:s5] =	ssyncadd.s32 @!p0 $0xFFFFFFFF  }
0xb3: {  	s25 =	simm.s32 $0x1B8E;
	s24 =	sld [smem:$0x3FFE];
	[sflag:s4] =	ssyncadd.remote.s32 @!p0 $0x1  }
0xb4: {  	s26 =	simm.s32 $execute0_lowered;
	[smem:$0x3FD2] =	sst s25  }
0xb5: {  	s5 =	sshll.u32 s26, $0x1;
	_ =	strace $0x8000004F;
	[dreg:$0x1] =	wrdreg $0xFFFFFFFF  }
0xb6: {  	s28 =	simm.s32 $_size_execute0_lowered;
	s3 =	sadd.s32 s3, s5;
	[dreg:$0x0] =	wrdreg $0x0  }
0xb7: {  	s5 =	sshll.u32 s28, $0x1;
	[dreg:$0x2] =	wrdreg s3  }
0xb8: {  	[dreg:$0x3] =	wrdreg s5  }
0xb9: {  	[dreg:$0x4] =	wrdreg $0xC0  }
0xba: {  	_ =	task [dreg:s22], $0x5FFFF  }
0xbb: {  	[dreg:$0x1] =	wrdreg $0xFFFFFFFF  }
0xbc: {  	[dreg:$0x0] =	wrdreg $0x60  }
0xbd: {  	[dreg:$0x2] =	wrdreg s24  }
0xbe: {  	[dreg:$0x3] =	wrdreg $0xC  }
0xbf: {  	_ =	task.clear_ibuf [dreg:s22], $0x4FFFF;
	_ =	strace $0x9000004F  }
0xc0: {  	s29 =	simm.s32 $0xC;
	_ =	strace $0x80000051  }
0xc1: {  	_ =	swait.ge [sflag:s29], $0x1  }
0xc2: {  	[sflag:s29] =	ssyncadd.s32 $0xFFFFFFFF  }
0xc3: {  	_ =	strace $0x90000051  }
0xc4: {  	_ =	sfence  }
0xc5: {  	s30 =	sld [smem:$0x0];
	_ =	sdelay $0x2  }
0xc6: {  	s31 =	sshll.u32 s1, $0xD;
	s1 =	sshrl.u32 s1, $0x2  }
0xc7: {  	s4 =	sand.u32 $0x4000, s31;
	s1 =	sadd.s32 s1, s30  }
0xc8: {  	s0 =	sor.u32 s4, s0;
	s1 =	sshll.u32 s1, $0x11  }
0xc9: {  	s0 =	sor.u32 s1, s0  }
0xca: {  	s0 =	sadd.s32 $0x8F2B, s0  }
0xcb: {  	[sflag:s0] =	ssyncadd.remote.s32 $0x1  }
0xcc: {  	_ =	sfence.sel $0xFFFF  }
0xcd: {  	[dreg:$0x0] =	wrdreg $0xFFFFFFFF;
	(pc) =	sbr.abs _section_cstart, $3  }
0xce: {  	[dreg:$0x1] =	wrdreg $0xFFFFFFFF  }
0xcf: {  	_ =	task.clear_ibuf [dreg:s22], $0x2FFFF;
	_ =	strace $0x9FFFFFFF  }
0xd0: {  	(tm) =	ssettm $0x7FFFFFFF  }
0xd1: {  	_ =	shalt  }
tec
execute0_lowered:
.L_overlay_start_1:
0x0: {  	(tag) =	ssettag $0x1  }
0x1: {  	s1 =	srdreg.scid;
	s0 =	stileid.u32  }
0x2: {  	s29 =	sand.u32 $0x1, s1;
	s24 =	sshll.u32 s0, $0x1  }
0x3: {  	s12 =	sor.u32 s29, s24  }
0x4: {  	s28 =	smul.u32 $0x680, s12  }
0x5: {  	s13 =	rddreg [dreg:$0x0];
	s2 =	simm.s32 $0x0  }
0x6: {  	[smem:$0x7FF] =	sst s2;
	s26 =	sadd.s32 $0xDE000, s13;
	s3 =	sshrl.u32 s28, $0x3  }
0x7: {  	s4 =	simm.s32 $0x5;
	_ =	strace $0x80000050;
	s3 =	sadd.s32 s26, s3  }
0x8: {  	[tilespmem:s2], [sflag:$0x5] =	stream.linear.gather [hbm4b:s3+s2], $0xD0, $0x38;
	[tilespmem:$0xD200] =	vst v63  }
0x9: {  	s6 =	simm.s32 $0xD0;
	_ =	swait.ge [sflag:s4], $0xD0  }
0xa: {  	s7 =	simm.s32 $0x200;
	s16 =	sadd.s32 $0xD0, s28;
	[sflag:s4] =	ssyncset.done $0x0  }
0xb: {  	s5 =	sadd.s32 $0x188C00, s13;
	s8 =	sshrl.u32 s16, $0x3;
	[sflag:s4] =	ssyncadd.s32 $0xFFFFFF30  }
0xc: {  	[tilespmem:s7], [sflag:$0x1] =	stream.indirect.gather [hbm4b:s5+s6], $0x80, s2, s6, $0xb8;
	[tilespmem:$0xD200] =	vst v63  }
0xd: {  	s9 =	simm.s32 $0x100;
	s8 =	sadd.s32 s26, s8  }
0xe: {  	[tilespmem:s9], [sflag:$0x5] =	stream.linear.gather [hbm4b:s8+s2], $0xD0, $0x38;
	[tilespmem:$0xD200] =	vst v63  }
0xf: {  	_ =	swait.ge [sflag:s4], $0xD0  }
0x10: {  	[sflag:s4] =	ssyncset.done $0x0  }
0x11: {  	s10 =	simm.s32 $0x6A00;
	s11 =	simm.s32 $0x1;
	[sflag:s4] =	ssyncadd.s32 $0xFFFFFF30  }
0x12: {  	[tilespmem:s10], [sflag:$0x2] =	stream.indirect.gather [hbm4b:s5+s6], $0x80, s9, s6, $0xb8;
	[tilespmem:$0xD200] =	vst v63  }
0x13: {  	s12 =	smul.u32 $0x6800, s12;
	_ =	swait.ge [sflag:s11], $0x6800  }
0x14: {  	s30 =	sadd.s32 $0x3EC200, s13;
	s19 =	sadd.s32 $0x1A0, s28;
	[sflag:s11] =	ssyncset.done $0x0  }
0x15: {  	s12 =	sadd.s32 s30, s12;
	s25 =	sshrl.u32 s19, $0x3;
	[sflag:s11] =	ssyncadd.s32 $0xFFFF9800  }
0x16: {  	[hbm4b:s12+s2] =	stream.linear.scatter [tilespmem:s7], [sflag:$0x3], $0x6800, $0x38;
	[tilespmem:$0xD200] =	vst v63  }
0x17: {  	s13 =	sadd.s32 s26, s25  }
0x18: {  	[tilespmem:s2], [sflag:$0x5] =	stream.linear.gather [hbm4b:s13+s2], $0xD0, $0x38;
	[tilespmem:$0xD200] =	vst v63  }
0x19: {  	_ =	swait.ge [sflag:s4], $0xD0  }
0x1a: {  	[sflag:s4] =	ssyncset.done $0x0  }
0x1b: {  	s14 =	simm.s32 $0x3;
	[sflag:s4] =	ssyncadd.s32 $0xFFFFFF30  }
0x1c: {  	_ =	swait.ge [sflag:s14], $0x6800  }
0x1d: {  	[sflag:s14] =	ssyncset.done $0x0  }
0x1e: {  	s15 =	simm.s32 $0x2;
	[sflag:s14] =	ssyncadd.s32 $0xFFFF9800  }
0x1f: {  	[tilespmem:s7], [sflag:$0x1] =	stream.indirect.gather [hbm4b:s5+s6], $0x80, s2, s6, $0xb8;
	[tilespmem:$0xD200] =	vst v63  }
0x20: {  	_ =	swait.ge [sflag:s15], $0x6800  }
0x21: {  	s21 =	sadd.s32 $0x270, s28;
	s16 =	sshll.u32 s16, $0x4;
	[sflag:s15] =	ssyncset.done $0x0  }
0x22: {  	s17 =	sshrl.u32 s21, $0x3;
	s16 =	sadd.s32 s30, s16;
	[sflag:s15] =	ssyncadd.s32 $0xFFFF9800  }
0x23: {  	[hbm4b:s16+s2] =	stream.linear.scatter [tilespmem:s10], [sflag:$0x4], $0x6800, $0x38;
	[tilespmem:$0xD200] =	vst v63  }
0x24: {  	s17 =	sadd.s32 s26, s17  }
0x25: {  	[tilespmem:s9], [sflag:$0x5] =	stream.linear.gather [hbm4b:s17+s2], $0xD0, $0x38;
	[tilespmem:$0xD200] =	vst v63  }
0x26: {  	_ =	swait.ge [sflag:s4], $0xD0  }
0x27: {  	[sflag:s4] =	ssyncset.done $0x0  }
0x28: {  	s18 =	simm.s32 $0x4;
	[sflag:s4] =	ssyncadd.s32 $0xFFFFFF30  }
0x29: {  	_ =	swait.ge [sflag:s18], $0x6800  }
0x2a: {  	[sflag:s18] =	ssyncset.done $0x0  }
0x2b: {  	[sflag:s18] =	ssyncadd.s32 $0xFFFF9800  }
0x2c: {  	[tilespmem:s10], [sflag:$0x2] =	stream.indirect.gather [hbm4b:s5+s6], $0x80, s9, s6, $0xb8;
	[tilespmem:$0xD200] =	vst v63  }
0x2d: {  	_ =	swait.ge [sflag:s11], $0x6800  }
0x2e: {  	s23 =	sadd.s32 $0x340, s28;
	s19 =	sshll.u32 s19, $0x4;
	[sflag:s11] =	ssyncset.done $0x0  }
0x2f: {  	s20 =	sshrl.u32 s23, $0x3;
	s19 =	sadd.s32 s30, s19;
	[sflag:s11] =	ssyncadd.s32 $0xFFFF9800  }
0x30: {  	[hbm4b:s19+s2] =	stream.linear.scatter [tilespmem:s7], [sflag:$0x3], $0x6800, $0x38;
	[tilespmem:$0xD200] =	vst v63  }
0x31: {  	s20 =	sadd.s32 s26, s20  }
0x32: {  	[tilespmem:s2], [sflag:$0x5] =	stream.linear.gather [hbm4b:s20+s2], $0xD0, $0x38;
	[tilespmem:$0xD200] =	vst v63  }
0x33: {  	_ =	swait.ge [sflag:s4], $0xD0  }
0x34: {  	[sflag:s4] =	ssyncset.done $0x0  }
0x35: {  	[sflag:s4] =	ssyncadd.s32 $0xFFFFFF30  }
0x36: {  	_ =	swait.ge [sflag:s14], $0x6800  }
0x37: {  	[sflag:s14] =	ssyncset.done $0x0  }
0x38: {  	[sflag:s14] =	ssyncadd.s32 $0xFFFF9800  }
0x39: {  	[tilespmem:s7], [sflag:$0x1] =	stream.indirect.gather [hbm4b:s5+s6], $0x80, s2, s6, $0xb8;
	[tilespmem:$0xD200] =	vst v63  }
0x3a: {  	_ =	swait.ge [sflag:s15], $0x6800  }
0x3b: {  	s21 =	sshll.u32 s21, $0x4;
	s25 =	sadd.s32 $0x410, s28;
	[sflag:s15] =	ssyncset.done $0x0  }
0x3c: {  	s21 =	sadd.s32 s30, s21;
	s22 =	sshrl.u32 s25, $0x3;
	[sflag:s15] =	ssyncadd.s32 $0xFFFF9800  }
0x3d: {  	[hbm4b:s21+s2] =	stream.linear.scatter [tilespmem:s10], [sflag:$0x4], $0x6800, $0x38;
	[tilespmem:$0xD200] =	vst v63  }
0x3e: {  	s22 =	sadd.s32 s26, s22  }
0x3f: {  	[tilespmem:s9], [sflag:$0x5] =	stream.linear.gather [hbm4b:s22+s2], $0xD0, $0x38;
	[tilespmem:$0xD200] =	vst v63  }
0x40: {  	_ =	swait.ge [sflag:s4], $0xD0  }
0x41: {  	[sflag:s4] =	ssyncset.done $0x0  }
0x42: {  	[sflag:s4] =	ssyncadd.s32 $0xFFFFFF30  }
0x43: {  	_ =	swait.ge [sflag:s18], $0x6800  }
0x44: {  	[sflag:s18] =	ssyncset.done $0x0  }
0x45: {  	[sflag:s18] =	ssyncadd.s32 $0xFFFF9800  }
0x46: {  	[tilespmem:s10], [sflag:$0x2] =	stream.indirect.gather [hbm4b:s5+s6], $0x80, s9, s6, $0xb8;
	[tilespmem:$0xD200] =	vst v63  }
0x47: {  	_ =	swait.ge [sflag:s11], $0x6800  }
0x48: {  	s31 =	sadd.s32 $0x4E0, s28;
	s23 =	sshll.u32 s23, $0x4;
	[sflag:s11] =	ssyncset.done $0x0  }
0x49: {  	s24 =	sshrl.u32 s31, $0x3;
	s23 =	sadd.s32 s30, s23;
	[sflag:s11] =	ssyncadd.s32 $0xFFFF9800  }
0x4a: {  	[hbm4b:s23+s2] =	stream.linear.scatter [tilespmem:s7], [sflag:$0x3], $0x6800, $0x38;
	[tilespmem:$0xD200] =	vst v63  }
0x4b: {  	s24 =	sadd.s32 s26, s24  }
0x4c: {  	[tilespmem:s2], [sflag:$0x5] =	stream.linear.gather [hbm4b:s24+s2], $0xD0, $0x38;
	[tilespmem:$0xD200] =	vst v63  }
0x4d: {  	_ =	swait.ge [sflag:s4], $0xD0  }
0x4e: {  	[sflag:s4] =	ssyncset.done $0x0  }
0x4f: {  	[sflag:s4] =	ssyncadd.s32 $0xFFFFFF30  }
0x50: {  	_ =	swait.ge [sflag:s14], $0x6800  }
0x51: {  	[sflag:s14] =	ssyncset.done $0x0  }
0x52: {  	[sflag:s14] =	ssyncadd.s32 $0xFFFF9800  }
0x53: {  	[tilespmem:s7], [sflag:$0x1] =	stream.indirect.gather [hbm4b:s5+s6], $0x80, s2, s6, $0xb8;
	[tilespmem:$0xD200] =	vst v63  }
0x54: {  	_ =	swait.ge [sflag:s15], $0x6800  }
0x55: {  	s1 =	sadd.s32 $0x5B0, s28;
	s25 =	sshll.u32 s25, $0x4;
	[sflag:s15] =	ssyncset.done $0x0  }
0x56: {  	s28 =	sshrl.u32 s1, $0x3;
	s25 =	sadd.s32 s30, s25;
	[sflag:s15] =	ssyncadd.s32 $0xFFFF9800  }
0x57: {  	[hbm4b:s25+s2] =	stream.linear.scatter [tilespmem:s10], [sflag:$0x4], $0x6800, $0x38;
	[tilespmem:$0xD200] =	vst v63  }
0x58: {  	s26 =	sadd.s32 s26, s28  }
0x59: {  	[tilespmem:s9], [sflag:$0x5] =	stream.linear.gather [hbm4b:s26+s2], $0xD0, $0x38;
	[tilespmem:$0xD200] =	vst v63  }
0x5a: {  	_ =	swait.ge [sflag:s4], $0xD0  }
0x5b: {  	[sflag:s4] =	ssyncset.done $0x0  }
0x5c: {  	[sflag:s4] =	ssyncadd.s32 $0xFFFFFF30  }
0x5d: {  	_ =	swait.ge [sflag:s18], $0x6800  }
0x5e: {  	[sflag:s18] =	ssyncset.done $0x0  }
0x5f: {  	[sflag:s18] =	ssyncadd.s32 $0xFFFF9800  }
0x60: {  	[tilespmem:s10], [sflag:$0x2] =	stream.indirect.gather [hbm4b:s5+s6], $0x80, s9, s6, $0xb8;
	[tilespmem:$0xD200] =	vst v63  }
0x61: {  	_ =	swait.ge [sflag:s11], $0x6800  }
0x62: {  	s28 =	sshll.u32 s31, $0x4;
	[sflag:s11] =	ssyncset.done $0x0  }
0x63: {  	s29 =	ssub.s32 $0x2, s29;
	s28 =	sadd.s32 s30, s28;
	[sflag:s11] =	ssyncadd.s32 $0xFFFF9800  }
0x64: {  	[hbm4b:s28+s2] =	stream.linear.scatter [tilespmem:s7], [sflag:$0x3], $0x6800, $0x38;
	[tilespmem:$0xD200] =	vst v63  }
0x65: {  	s31 =	sshrl.u32 s29, $0x1;
	_ =	swait.ge [sflag:s14], $0x6800  }
0x66: {  	s31 =	ssub.s32 s29, s31;
	[sflag:s14] =	ssyncset.done $0x0  }
0x67: {  	s31 =	smax.u32 s31, $0x1;
	[sflag:s14] =	ssyncadd.s32 $0xFFFF9800  }
0x68: {  	p0 =	sne.s32 s31, $0x1;
	_ =	swait.ge [sflag:s15], $0x6800  }
.Ltmp0:
0x69: {  	s1 =	sshll.u32 s1, $0x4;
	[sflag:s15] =	ssyncset.done $0x0;
	(pc) =	sbr.rel @!p0 .LBB2_2-.Ltmp0, $4  }
0x6a: {  	s29 =	sadd.s32 s30, s1;
	[sflag:s15] =	ssyncadd.s32 $0xFFFF9800  }
0x6b: {  	[hbm4b:s29+s2] =	stream.linear.scatter [tilespmem:s10], [sflag:$0x4], $0x6800, $0x38;
	[tilespmem:$0xD200] =	vst v63  }
0x6c: {  	_ =	swait.ge [sflag:s18], $0x6800  }
0x6d: {  	s30 =	sadd.s32 $0xFFFFFFFF, s31;
	[sflag:s18] =	ssyncset.done $0x0  }
.LBB2_1:
0x6e: {  	p0 =	sne.s32 s30, $0x1;
	s30 =	sadd.s32 $0xFFFFFFFF, s30;
	[sflag:s18] =	ssyncadd.s32 $0xFFFF9800  }
0x6f: {  	[tilespmem:s2], [sflag:$0x5] =	stream.linear.gather [hbm4b:s3+s2], $0xD0, $0x38;
	[tilespmem:$0xD200] =	vst v63  }
0x70: {  	_ =	swait.ge [sflag:s4], $0xD0  }
0x71: {  	[sflag:s4] =	ssyncset.done $0x0  }
0x72: {  	[sflag:s4] =	ssyncadd.s32 $0xFFFFFF30  }
0x73: {  	[tilespmem:s7], [sflag:$0x1] =	stream.indirect.gather [hbm4b:s5+s6], $0x80, s2, s6, $0xb8;
	[tilespmem:$0xD200] =	vst v63  }
0x74: {  	_ = 	snop  }
0x75: {  	[tilespmem:s9], [sflag:$0x5] =	stream.linear.gather [hbm4b:s8+s2], $0xD0, $0x38;
	[tilespmem:$0xD200] =	vst v63  }
0x76: {  	_ =	swait.ge [sflag:s4], $0xD0  }
0x77: {  	[sflag:s4] =	ssyncset.done $0x0  }
0x78: {  	[sflag:s4] =	ssyncadd.s32 $0xFFFFFF30  }
0x79: {  	[tilespmem:s10], [sflag:$0x2] =	stream.indirect.gather [hbm4b:s5+s6], $0x80, s9, s6, $0xb8;
	[tilespmem:$0xD200] =	vst v63  }
0x7a: {  	_ =	swait.ge [sflag:s11], $0x6800  }
0x7b: {  	[sflag:s11] =	ssyncset.done $0x0  }
0x7c: {  	[sflag:s11] =	ssyncadd.s32 $0xFFFF9800  }
0x7d: {  	[hbm4b:s12+s2] =	stream.linear.scatter [tilespmem:s7], [sflag:$0x3], $0x6800, $0x38;
	[tilespmem:$0xD200] =	vst v63  }
0x7e: {  	_ = 	snop  }
0x7f: {  	[tilespmem:s2], [sflag:$0x5] =	stream.linear.gather [hbm4b:s13+s2], $0xD0, $0x38;
	[tilespmem:$0xD200] =	vst v63  }
0x80: {  	_ =	swait.ge [sflag:s4], $0xD0  }
0x81: {  	[sflag:s4] =	ssyncset.done $0x0  }
0x82: {  	[sflag:s4] =	ssyncadd.s32 $0xFFFFFF30  }
0x83: {  	_ =	swait.ge [sflag:s14], $0x6800  }
0x84: {  	[sflag:s14] =	ssyncset.done $0x0  }
0x85: {  	[sflag:s14] =	ssyncadd.s32 $0xFFFF9800  }
0x86: {  	[tilespmem:s7], [sflag:$0x1] =	stream.indirect.gather [hbm4b:s5+s6], $0x80, s2, s6, $0xb8;
	[tilespmem:$0xD200] =	vst v63  }
0x87: {  	_ =	swait.ge [sflag:s15], $0x6800  }
0x88: {  	[sflag:s15] =	ssyncset.done $0x0  }
0x89: {  	[sflag:s15] =	ssyncadd.s32 $0xFFFF9800  }
0x8a: {  	[hbm4b:s16+s2] =	stream.linear.scatter [tilespmem:s10], [sflag:$0x4], $0x6800, $0x38;
	[tilespmem:$0xD200] =	vst v63  }
0x8b: {  	_ = 	snop  }
0x8c: {  	[tilespmem:s9], [sflag:$0x5] =	stream.linear.gather [hbm4b:s17+s2], $0xD0, $0x38;
	[tilespmem:$0xD200] =	vst v63  }
0x8d: {  	_ =	swait.ge [sflag:s4], $0xD0  }
0x8e: {  	[sflag:s4] =	ssyncset.done $0x0  }
0x8f: {  	[sflag:s4] =	ssyncadd.s32 $0xFFFFFF30  }
0x90: {  	_ =	swait.ge [sflag:s18], $0x6800  }
0x91: {  	[sflag:s18] =	ssyncset.done $0x0  }
0x92: {  	[sflag:s18] =	ssyncadd.s32 $0xFFFF9800  }
0x93: {  	[tilespmem:s10], [sflag:$0x2] =	stream.indirect.gather [hbm4b:s5+s6], $0x80, s9, s6, $0xb8;
	[tilespmem:$0xD200] =	vst v63  }
0x94: {  	_ =	swait.ge [sflag:s11], $0x6800  }
0x95: {  	[sflag:s11] =	ssyncset.done $0x0  }
0x96: {  	[sflag:s11] =	ssyncadd.s32 $0xFFFF9800  }
0x97: {  	[hbm4b:s19+s2] =	stream.linear.scatter [tilespmem:s7], [sflag:$0x3], $0x6800, $0x38;
	[tilespmem:$0xD200] =	vst v63  }
0x98: {  	_ = 	snop  }
0x99: {  	[tilespmem:s2], [sflag:$0x5] =	stream.linear.gather [hbm4b:s20+s2], $0xD0, $0x38;
	[tilespmem:$0xD200] =	vst v63  }
0x9a: {  	_ =	swait.ge [sflag:s4], $0xD0  }
0x9b: {  	[sflag:s4] =	ssyncset.done $0x0  }
0x9c: {  	[sflag:s4] =	ssyncadd.s32 $0xFFFFFF30  }
0x9d: {  	_ =	swait.ge [sflag:s14], $0x6800  }
0x9e: {  	[sflag:s14] =	ssyncset.done $0x0  }
0x9f: {  	[sflag:s14] =	ssyncadd.s32 $0xFFFF9800  }
0xa0: {  	[tilespmem:s7], [sflag:$0x1] =	stream.indirect.gather [hbm4b:s5+s6], $0x80, s2, s6, $0xb8;
	[tilespmem:$0xD200] =	vst v63  }
0xa1: {  	_ =	swait.ge [sflag:s15], $0x6800  }
0xa2: {  	[sflag:s15] =	ssyncset.done $0x0  }
0xa3: {  	[sflag:s15] =	ssyncadd.s32 $0xFFFF9800  }
0xa4: {  	[hbm4b:s21+s2] =	stream.linear.scatter [tilespmem:s10], [sflag:$0x4], $0x6800, $0x38;
	[tilespmem:$0xD200] =	vst v63  }
0xa5: {  	_ = 	snop  }
0xa6: {  	[tilespmem:s9], [sflag:$0x5] =	stream.linear.gather [hbm4b:s22+s2], $0xD0, $0x38;
	[tilespmem:$0xD200] =	vst v63  }
0xa7: {  	_ =	swait.ge [sflag:s4], $0xD0  }
0xa8: {  	[sflag:s4] =	ssyncset.done $0x0  }
0xa9: {  	[sflag:s4] =	ssyncadd.s32 $0xFFFFFF30  }
0xaa: {  	_ =	swait.ge [sflag:s18], $0x6800  }
0xab: {  	[sflag:s18] =	ssyncset.done $0x0  }
0xac: {  	[sflag:s18] =	ssyncadd.s32 $0xFFFF9800  }
0xad: {  	[tilespmem:s10], [sflag:$0x2] =	stream.indirect.gather [hbm4b:s5+s6], $0x80, s9, s6, $0xb8;
	[tilespmem:$0xD200] =	vst v63  }
0xae: {  	_ =	swait.ge [sflag:s11], $0x6800  }
0xaf: {  	[sflag:s11] =	ssyncset.done $0x0  }
0xb0: {  	[sflag:s11] =	ssyncadd.s32 $0xFFFF9800  }
0xb1: {  	[hbm4b:s23+s2] =	stream.linear.scatter [tilespmem:s7], [sflag:$0x3], $0x6800, $0x38;
	[tilespmem:$0xD200] =	vst v63  }
0xb2: {  	_ = 	snop  }
0xb3: {  	[tilespmem:s2], [sflag:$0x5] =	stream.linear.gather [hbm4b:s24+s2], $0xD0, $0x38;
	[tilespmem:$0xD200] =	vst v63  }
0xb4: {  	_ =	swait.ge [sflag:s4], $0xD0  }
0xb5: {  	[sflag:s4] =	ssyncset.done $0x0  }
0xb6: {  	[sflag:s4] =	ssyncadd.s32 $0xFFFFFF30  }
0xb7: {  	_ =	swait.ge [sflag:s14], $0x6800  }
0xb8: {  	[sflag:s14] =	ssyncset.done $0x0  }
0xb9: {  	[sflag:s14] =	ssyncadd.s32 $0xFFFF9800  }
0xba: {  	[tilespmem:s7], [sflag:$0x1] =	stream.indirect.gather [hbm4b:s5+s6], $0x80, s2, s6, $0xb8;
	[tilespmem:$0xD200] =	vst v63  }
0xbb: {  	_ =	swait.ge [sflag:s15], $0x6800  }
0xbc: {  	[sflag:s15] =	ssyncset.done $0x0  }
0xbd: {  	[sflag:s15] =	ssyncadd.s32 $0xFFFF9800  }
0xbe: {  	[hbm4b:s25+s2] =	stream.linear.scatter [tilespmem:s10], [sflag:$0x4], $0x6800, $0x38;
	[tilespmem:$0xD200] =	vst v63  }
0xbf: {  	_ = 	snop  }
0xc0: {  	[tilespmem:s9], [sflag:$0x5] =	stream.linear.gather [hbm4b:s26+s2], $0xD0, $0x38;
	[tilespmem:$0xD200] =	vst v63  }
0xc1: {  	_ =	swait.ge [sflag:s4], $0xD0  }
0xc2: {  	[sflag:s4] =	ssyncset.done $0x0  }
0xc3: {  	[sflag:s4] =	ssyncadd.s32 $0xFFFFFF30  }
0xc4: {  	_ =	swait.ge [sflag:s18], $0x6800  }
0xc5: {  	[sflag:s18] =	ssyncset.done $0x0  }
0xc6: {  	[sflag:s18] =	ssyncadd.s32 $0xFFFF9800  }
0xc7: {  	[tilespmem:s10], [sflag:$0x2] =	stream.indirect.gather [hbm4b:s5+s6], $0x80, s9, s6, $0xb8;
	[tilespmem:$0xD200] =	vst v63  }
0xc8: {  	_ =	swait.ge [sflag:s11], $0x6800  }
0xc9: {  	[sflag:s11] =	ssyncset.done $0x0  }
0xca: {  	[sflag:s11] =	ssyncadd.s32 $0xFFFF9800  }
0xcb: {  	[hbm4b:s28+s2] =	stream.linear.scatter [tilespmem:s7], [sflag:$0x3], $0x6800, $0x38;
	[tilespmem:$0xD200] =	vst v63  }
0xcc: {  	_ =	swait.ge [sflag:s14], $0x6800  }
0xcd: {  	[sflag:s14] =	ssyncset.done $0x0  }
0xce: {  	[sflag:s14] =	ssyncadd.s32 $0xFFFF9800  }
0xcf: {  	_ =	swait.ge [sflag:s15], $0x6800  }
.Ltmp1:
0xd0: {  	[sflag:s15] =	ssyncset.done $0x0;
	(pc) =	sbr.rel @p0 .LBB2_1-.Ltmp1, $4  }
0xd1: {  	[sflag:s15] =	ssyncadd.s32 $0xFFFF9800  }
0xd2: {  	[hbm4b:s29+s2] =	stream.linear.scatter [tilespmem:s10], [sflag:$0x4], $0x6800, $0x38;
	[tilespmem:$0xD200] =	vst v63  }
0xd3: {  	_ =	swait.ge [sflag:s18], $0x6800  }
0xd4: {  	[sflag:s18] =	ssyncset.done $0x0  }
.LBB2_2:
0xd5: {  	[sflag:s18] =	ssyncadd.s32 $0xFFFF9800  }
0xd6: {  	_ =	sfence.sel $0x180000  }
0xd7: {  	[bflag:$0x0] =	sbarrier.arrive $0xFFFF  }
0xd8: {  	_ =	strace $0x90000050  }
0xd9: {  	[bflag:$0x2] =	sbarrier.arrive $0xFFFF  }
0xda: {  	p0 =	sne.s32 s0, $0x0;
	s0 =	rddreg [dreg:$0x1]  }
0xdb: {  	s0 =	sadd.s32 @!p0 $0x100000, s0  }
0xdc: {  	[sflag:s0] =	ssyncadd.tile.s32 @!p0 $0x1;
	_ =	shalt  }
.Lfunc_end2:
_tile_overlayer_lowered:
.L_overlay_start_2:
0xdd: {  	(tag) =	ssettag $0x2  }
0xde: {  	s0 =	rddreg [dreg:$0x0];
	s2 =	stileid.u32  }
0xdf: {  	s1 =	rddreg [dreg:$0x1];
	p0 =	sne.s32 s2, $0x0  }
0xe0: {  	s3 =	rddreg [dreg:$0x2];
	[bflag:$0x3] =	sbarrier.arrive $0xFFFF;
	s2 =	simm.s32 @!p0 $0x1C05  }
0xe1: {  	[timem:s3], [sflag:s2] =	dma.local @!p0 [hbm:s0], s1  }
0xe2: {  	s0 =	simm.s32 @!p0 $0x5  }
0xe3: {  	_ =	swait.ge @!p0 [sflag:s0], s1  }
0xe4: {  	s1 =	ssub.s32 @!p0 $0x0, s1;
	[sflag:s0] =	ssyncset.done @!p0 $0x0  }
0xe5: {  	[sflag:s0] =	ssyncadd.s32 @!p0 s1  }
0xe6: {  	[bflag:$0x3] =	sbarrier.arrive $0xFFFF  }
0xe7: {  	_ =	shalt  }

</sc_bundles>
